<compile_context>
chip_gen: v7x
topology: tpu7x:2x2x1
jax: 0.10.2.dev20260603
libtpu: 0.0.44.dev20260713+nightly
codegen_flags: <defaults>
</compile_context>

<pallas_src>
import functools

import jax
import jax.numpy as jnp
from jax import lax
from jax.experimental import pallas as pl
from jax.experimental.pallas import tpu as pltpu
from jax.experimental.pallas import tpu_sc as plsc

N = 10000
E = 320000
D = 128

NC = 2
NS = 16
NW = NC * NS
EPW = E // NW
CH = 40
NCHUNK = EPW // CH
NBUF = 5
NROUND = NCHUNK // NBUF
NP = 10240
RPT = NP // NS


def _sc_partial_segment_sum(x, ei5, zeros_slab):
    mesh = plsc.VectorSubcoreMesh(
        core_axis_name="c", subcore_axis_name="s", num_cores=NC,
        num_subcores=NS)

    @functools.partial(
        pl.kernel,
        out_type=jax.ShapeDtypeStruct((NC, NP, D), jnp.float32),
        mesh=mesh,
        scratch_types=dict(
            sbuf=[pltpu.VMEM((NBUF, CH), jnp.int32) for _ in range(2)],
            dbuf=[pltpu.VMEM((NBUF, CH), jnp.int32) for _ in range(2)],
            rows=[pltpu.VMEM((CH, D), jnp.float32) for _ in range(NBUF)],
            acc=pltpu.VMEM_SHARED((NP, D), jnp.float32),
            gsem=[pltpu.SemaphoreType.DMA for _ in range(NBUF)],
            ssem=[pltpu.SemaphoreType.DMA for _ in range(NBUF)],
            isem=[pltpu.SemaphoreType.DMA for _ in range(2)],
        ),
    )
    def sc_kernel(x_hbm, ei_hbm, zero_hbm, out_hbm,
                  sbuf, dbuf, rows, acc, gsem, ssem, isem):
        c = lax.axis_index("c")
        s = lax.axis_index("s")
        wid = c * NS + s
        ebase = wid * EPW

        def fetch_round(rr, sb, db, sem):
            for b in range(NBUF):
                off = ebase + rr * (NBUF * CH) + b * CH
                pltpu.async_copy(ei_hbm.at[pl.ds(off, CH)],
                                 sb.at[b], sem)
                pltpu.async_copy(ei_hbm.at[pl.ds(E + off, CH)],
                                 db.at[b], sem)

        def drain_round(sb, db, sem):
            for b in range(NBUF):
                pltpu.make_async_copy(ei_hbm.at[pl.ds(ebase, CH)],
                                      sb.at[b], sem).wait()
                pltpu.make_async_copy(ei_hbm.at[pl.ds(ebase, CH)],
                                      db.at[b], sem).wait()

        fetch_round(0, sbuf[0], dbuf[0], isem[0])
        fetch_round(1, sbuf[1], dbuf[1], isem[1])
        drain_round(sbuf[0], dbuf[0], isem[0])
        for b in range(NBUF):
            pltpu.async_copy(x_hbm.at[sbuf[0].at[b]], rows[b], gsem[b])
        pltpu.sync_copy(zero_hbm, acc.at[pl.ds(s * RPT, RPT)])
        plsc.subcore_barrier()

        def body(g, carry):
            for par in range(2):
                r = 2 * g + par
                sb, db = sbuf[par], dbuf[par]
                so, do = sbuf[1 - par], dbuf[1 - par]
                scat = []
                for b in range(NBUF):
                    pltpu.make_async_copy(
                        x_hbm.at[sb.at[b]], rows[b], gsem[b]).wait()
                    scat.append(pltpu.async_copy(
                        rows[b], acc.at[db.at[b]], ssem[b], add=True))
                @pl.when(r < NROUND - 1)
                def _():
                    drain_round(so, do, isem[1 - par])
                for b in range(NBUF):
                    scat[b].wait()

                    @pl.when(r < NROUND - 1)
                    def _():
                        pltpu.async_copy(
                            x_hbm.at[so.at[b]], rows[b], gsem[b])
                @pl.when(r < NROUND - 2)
                def _():
                    fetch_round(r + 2, sb, db, isem[par])
            return carry

        lax.fori_loop(0, NROUND // 2, body, 0)
        plsc.subcore_barrier()
        pltpu.sync_copy(acc.at[pl.ds(s * RPT, RPT)],
                        out_hbm.at[c].at[pl.ds(s * RPT, RPT)])

    return sc_kernel(x, ei5, zeros_slab)


BN = 2000


def _tc_mlp_body(p_ref, x_ref, w1_ref, b1_ref, w2_ref, b2_ref, e_ref,
                 o_ref):
    scale = 1.0 + e_ref[0, 0]
    y = p_ref[0] + p_ref[1] + scale * x_ref[...]
    h = jnp.maximum(
        jnp.dot(y, w1_ref[...], preferred_element_type=jnp.float32)
        + b1_ref[...], 0.0)
    o_ref[...] = (
        jnp.dot(h, w2_ref[...], preferred_element_type=jnp.float32)
        + b2_ref[...])


def _tc_mlp(partial, x, W1, b1, W2, b2, eps):
    grid = (N // BN,)
    return pl.pallas_call(
        _tc_mlp_body,
        grid=grid,
        in_specs=[
            pl.BlockSpec((NC, BN, D), lambda i: (0, i, 0)),
            pl.BlockSpec((BN, D), lambda i: (i, 0)),
            pl.BlockSpec((D, D), lambda i: (0, 0)),
            pl.BlockSpec((1, D), lambda i: (0, 0)),
            pl.BlockSpec((D, D), lambda i: (0, 0)),
            pl.BlockSpec((1, D), lambda i: (0, 0)),
            pl.BlockSpec((1, 1), lambda i: (0, 0)),
        ],
        out_specs=pl.BlockSpec((BN, D), lambda i: (i, 0)),
        out_shape=jax.ShapeDtypeStruct((N, D), jnp.float32),
    )(partial, x, W1, b1.reshape(1, D), W2, b2.reshape(1, D),
      eps.reshape(1, 1))


def kernel(x, edge_index, W1, b1, W2, b2, eps):
    zeros_slab = jnp.zeros((RPT, D), jnp.float32)
    partial = _sc_partial_segment_sum(x, edge_index.reshape(2 * E), zeros_slab)
    return _tc_mlp(partial, x, W1, b1, W2, b2, eps)

# --- scband reference (transcript-rebuilt; emitter-appended) ---
"""Pipeline reference for scband-mklgin-26087631356380 (READ-ONLY COPY).

The authoritative reference and input builder live on the scoring server;
editing this copy changes nothing except your own understanding.
"""

import jax, jax.numpy as jnp
import numpy as np

N = 10000
E = 320000
D = 128

def setup_inputs(seed: int = 0) -> dict:
    key = jax.random.key(seed)
    k1, k2, k3, k4, k5, k6 = jax.random.split(key, 6)
    x = jax.random.normal(k1, (N, D), dtype=jnp.float32)
    edge_index = jax.random.randint(k2, (2, E), 0, N, dtype=jnp.int32)
    # GIN epilogue MLP (the `nn` module): Linear(D,D) -> ReLU -> Linear(D,D)
    W1 = jax.random.normal(k3, (D, D), dtype=jnp.float32) * (1.0 / np.sqrt(D))
    b1 = jnp.zeros((D,), dtype=jnp.float32)
    W2 = jax.random.normal(k4, (D, D), dtype=jnp.float32) * (1.0 / np.sqrt(D))
    b2 = jnp.zeros((D,), dtype=jnp.float32)
    # eps buffer (train_eps=False -> non-trainable constant)
    eps = jnp.zeros((1,), dtype=jnp.float32)
    return {"x": x, "edge_index": edge_index, "W1": W1, "b1": b1, "W2": W2, "b2": b2, "eps": eps}

def reference(x, edge_index, W1, b1, W2, b2, eps):
    # MKLGINAutograd.forward: y = A @ x + (1 + eps) * x
    # where A is the (unnormalized) adjacency matrix; A @ x is a sum over
    # neighbor features, implemented as gather(src) + scatter-add(dst).
    src = edge_index[0]
    dst = edge_index[1]
    gathered = jnp.take(x, src, axis=0)            # gather: x_j for each edge
    agg = jax.ops.segment_sum(gathered, dst, num_segments=N)  # scatter-add
    y = agg + (1.0 + eps[0]) * x
    # self.nn(y): MLP
    h = jnp.maximum(y @ W1 + b1, 0.0)
    out = h @ W2 + b2
    return out

if __name__ == "__main__":
    import jax
    _d = setup_inputs()
    print(jax.jit(kernel)(*tuple(_d.values())))

</pallas_src>

<mosaic_0001>
#map = affine_map<(d0, d1) -> (0, 0)>
#map1 = affine_map<(d0, d1) -> (0)>
#map2 = affine_map<(d0, d1) -> (0, 0, 0)>
module attributes {stable_mosaic.version = 14 : i64} {
  func.func @sc_kernel(%arg0: i32, %arg1: i32, %arg2: memref<10000x128xf32, #tpu.memory_space<hbm>>, %arg3: memref<640000xi32, #tpu.memory_space<hbm>>, %arg4: memref<640x128xf32, #tpu.memory_space<hbm>>, %arg5: memref<2x10240x128xf32, #tpu.memory_space<hbm>>, %arg6: memref<10240x128xf32, #tpu.memory_space<vmem_shared>>, %arg7: memref<5x40xi32, #tpu.memory_space<vmem>>, %arg8: memref<5x40xi32, #tpu.memory_space<vmem>>, %arg9: memref<!tpu.dma_semaphore, #tpu.memory_space<semaphore_mem>>, %arg10: memref<!tpu.dma_semaphore, #tpu.memory_space<semaphore_mem>>, %arg11: memref<!tpu.dma_semaphore, #tpu.memory_space<semaphore_mem>>, %arg12: memref<!tpu.dma_semaphore, #tpu.memory_space<semaphore_mem>>, %arg13: memref<!tpu.dma_semaphore, #tpu.memory_space<semaphore_mem>>, %arg14: memref<!tpu.dma_semaphore, #tpu.memory_space<semaphore_mem>>, %arg15: memref<!tpu.dma_semaphore, #tpu.memory_space<semaphore_mem>>, %arg16: memref<40x128xf32, #tpu.memory_space<vmem>>, %arg17: memref<40x128xf32, #tpu.memory_space<vmem>>, %arg18: memref<40x128xf32, #tpu.memory_space<vmem>>, %arg19: memref<40x128xf32, #tpu.memory_space<vmem>>, %arg20: memref<40x128xf32, #tpu.memory_space<vmem>>, %arg21: memref<5x40xi32, #tpu.memory_space<vmem>>, %arg22: memref<5x40xi32, #tpu.memory_space<vmem>>, %arg23: memref<!tpu.dma_semaphore, #tpu.memory_space<semaphore_mem>>, %arg24: memref<!tpu.dma_semaphore, #tpu.memory_space<semaphore_mem>>, %arg25: memref<!tpu.dma_semaphore, #tpu.memory_space<semaphore_mem>>, %arg26: memref<!tpu.dma_semaphore, #tpu.memory_space<semaphore_mem>>, %arg27: memref<!tpu.dma_semaphore, #tpu.memory_space<semaphore_mem>>) attributes {dimension_semantics = [#tpu.dimension_semantics<core_parallel>, #tpu.dimension_semantics<subcore_parallel>], iteration_bounds = array<i64: 2, 16>, scalar_prefetch = 0 : i64, scratch_operands = 22 : i64, tpu.core_type = #tpu.core_type<sc_vector_subcore>, window_params = [{transform_indices = #map}, {transform_indices = #map1}, {transform_indices = #map}, {transform_indices = #map2}]} {
    %mul3A = arith.constant 16 : i32
    %mul3A_0 = arith.muli %arg0, %mul3A : i32
    %add3A = arith.addi %mul3A_0, %arg1 : i32
    %mul3A_1 = arith.constant 10000 : i32
    %mul3A_2 = arith.muli %add3A, %mul3A_1 : i32
    %add3A_3 = arith.constant 0 : i32
    %add3A_4 = arith.addi %mul3A_2, %add3A_3 : i32
    %add3A_5 = arith.constant 0 : i32
    %add3A_6 = arith.addi %add3A_4, %add3A_5 : i32
    %dma_start3A = arith.constant 0 : i32
    %dma_start3A_7 = arith.constant 0 : i32
    %dma_start3A_8 = tpu.memref_slice %arg21[%dma_start3A, %dma_start3A_7] : memref<5x40xi32, #tpu.memory_space<vmem>> -> memref<1x40xi32, #tpu.memory_space<vmem>>
    %dma_start3A_9 = tpu.memref_squeeze %dma_start3A_8 : memref<1x40xi32, #tpu.memory_space<vmem>> -> memref<40xi32, #tpu.memory_space<vmem>>
    %dma_start3A_10 = tpu.memref_slice %arg3[%add3A_6] : memref<640000xi32, #tpu.memory_space<hbm>> -> memref<40xi32, #tpu.memory_space<hbm>>
    %dma_start3A_11 = arith.constant 0 : i32
    %dma_start3A_12 = tpu.memref_slice %arg21[%dma_start3A, %dma_start3A_11] : memref<5x40xi32, #tpu.memory_space<vmem>> -> memref<1x40xi32, #tpu.memory_space<vmem>>
    %dma_start3A_13 = tpu.memref_squeeze %dma_start3A_12 : memref<1x40xi32, #tpu.memory_space<vmem>> -> memref<40xi32, #tpu.memory_space<vmem>>
    %dma_start3A_14 = tpu.memref_slice %arg3[%add3A_6] : memref<640000xi32, #tpu.memory_space<hbm>> -> memref<40xi32, #tpu.memory_space<hbm>>
    tpu.enqueue_dma source(%dma_start3A_14 : memref<40xi32, #tpu.memory_space<hbm>>) target(%dma_start3A_13 : memref<40xi32, #tpu.memory_space<vmem>>) target_semaphore(%arg14 : memref<!tpu.dma_semaphore, #tpu.memory_space<semaphore_mem>>)
    %add3A_15 = arith.constant 320000 : i32
    %add3A_16 = arith.addi %add3A_15, %add3A_6 : i32
    %dma_start3A_17 = arith.constant 0 : i32
    %dma_start3A_18 = arith.constant 0 : i32
    %dma_start3A_19 = tpu.memref_slice %arg7[%dma_start3A_17, %dma_start3A_18] : memref<5x40xi32, #tpu.memory_space<vmem>> -> memref<1x40xi32, #tpu.memory_space<vmem>>
    %dma_start3A_20 = tpu.memref_squeeze %dma_start3A_19 : memref<1x40xi32, #tpu.memory_space<vmem>> -> memref<40xi32, #tpu.memory_space<vmem>>
    %dma_start3A_21 = tpu.memref_slice %arg3[%add3A_16] : memref<640000xi32, #tpu.memory_space<hbm>> -> memref<40xi32, #tpu.memory_space<hbm>>
    %dma_start3A_22 = arith.constant 0 : i32
    %dma_start3A_23 = tpu.memref_slice %arg7[%dma_start3A_17, %dma_start3A_22] : memref<5x40xi32, #tpu.memory_space<vmem>> -> memref<1x40xi32, #tpu.memory_space<vmem>>
    %dma_start3A_24 = tpu.memref_squeeze %dma_start3A_23 : memref<1x40xi32, #tpu.memory_space<vmem>> -> memref<40xi32, #tpu.memory_space<vmem>>
    %dma_start3A_25 = tpu.memref_slice %arg3[%add3A_16] : memref<640000xi32, #tpu.memory_space<hbm>> -> memref<40xi32, #tpu.memory_space<hbm>>
    tpu.enqueue_dma source(%dma_start3A_25 : memref<40xi32, #tpu.memory_space<hbm>>) target(%dma_start3A_24 : memref<40xi32, #tpu.memory_space<vmem>>) target_semaphore(%arg14 : memref<!tpu.dma_semaphore, #tpu.memory_space<semaphore_mem>>)
    %add3A_26 = arith.constant 0 : i32
    %add3A_27 = arith.addi %mul3A_2, %add3A_26 : i32
    %add3A_28 = arith.constant 40 : i32
    %add3A_29 = arith.addi %add3A_27, %add3A_28 : i32
    %dma_start3A_30 = arith.constant 1 : i32
    %dma_start3A_31 = arith.constant 0 : i32
    %dma_start3A_32 = tpu.memref_slice %arg21[%dma_start3A_30, %dma_start3A_31] : memref<5x40xi32, #tpu.memory_space<vmem>> -> memref<1x40xi32, #tpu.memory_space<vmem>>
    %dma_start3A_33 = tpu.memref_squeeze %dma_start3A_32 : memref<1x40xi32, #tpu.memory_space<vmem>> -> memref<40xi32, #tpu.memory_space<vmem>>
    %dma_start3A_34 = tpu.memref_slice %arg3[%add3A_29] : memref<640000xi32, #tpu.memory_space<hbm>> -> memref<40xi32, #tpu.memory_space<hbm>>
    %dma_start3A_35 = arith.constant 0 : i32
    %dma_start3A_36 = tpu.memref_slice %arg21[%dma_start3A_30, %dma_start3A_35] : memref<5x40xi32, #tpu.memory_space<vmem>> -> memref<1x40xi32, #tpu.memory_space<vmem>>
    %dma_start3A_37 = tpu.memref_squeeze %dma_start3A_36 : memref<1x40xi32, #tpu.memory_space<vmem>> -> memref<40xi32, #tpu.memory_space<vmem>>
    %dma_start3A_38 = tpu.memref_slice %arg3[%add3A_29] : memref<640000xi32, #tpu.memory_space<hbm>> -> memref<40xi32, #tpu.memory_space<hbm>>
    tpu.enqueue_dma source(%dma_start3A_38 : memref<40xi32, #tpu.memory_space<hbm>>) target(%dma_start3A_37 : memref<40xi32, #tpu.memory_space<vmem>>) target_semaphore(%arg14 : memref<!tpu.dma_semaphore, #tpu.memory_space<semaphore_mem>>)
    %add3A_39 = arith.constant 320000 : i32
    %add3A_40 = arith.addi %add3A_39, %add3A_29 : i32
    %dma_start3A_41 = arith.constant 1 : i32
    %dma_start3A_42 = arith.constant 0 : i32
    %dma_start3A_43 = tpu.memref_slice %arg7[%dma_start3A_41, %dma_start3A_42] : memref<5x40xi32, #tpu.memory_space<vmem>> -> memref<1x40xi32, #tpu.memory_space<vmem>>
    %dma_start3A_44 = tpu.memref_squeeze %dma_start3A_43 : memref<1x40xi32, #tpu.memory_space<vmem>> -> memref<40xi32, #tpu.memory_space<vmem>>
    %dma_start3A_45 = tpu.memref_slice %arg3[%add3A_40] : memref<640000xi32, #tpu.memory_space<hbm>> -> memref<40xi32, #tpu.memory_space<hbm>>
    %dma_start3A_46 = arith.constant 0 : i32
    %dma_start3A_47 = tpu.memref_slice %arg7[%dma_start3A_41, %dma_start3A_46] : memref<5x40xi32, #tpu.memory_space<vmem>> -> memref<1x40xi32, #tpu.memory_space<vmem>>
    %dma_start3A_48 = tpu.memref_squeeze %dma_start3A_47 : memref<1x40xi32, #tpu.memory_space<vmem>> -> memref<40xi32, #tpu.memory_space<vmem>>
    %dma_start3A_49 = tpu.memref_slice %arg3[%add3A_40] : memref<640000xi32, #tpu.memory_space<hbm>> -> memref<40xi32, #tpu.memory_space<hbm>>
    tpu.enqueue_dma source(%dma_start3A_49 : memref<40xi32, #tpu.memory_space<hbm>>) target(%dma_start3A_48 : memref<40xi32, #tpu.memory_space<vmem>>) target_semaphore(%arg14 : memref<!tpu.dma_semaphore, #tpu.memory_space<semaphore_mem>>)
    %add3A_50 = arith.constant 0 : i32
    %add3A_51 = arith.addi %mul3A_2, %add3A_50 : i32
    %add3A_52 = arith.constant 80 : i32
    %add3A_53 = arith.addi %add3A_51, %add3A_52 : i32
    %dma_start3A_54 = arith.constant 2 : i32
    %dma_start3A_55 = arith.constant 0 : i32
    %dma_start3A_56 = tpu.memref_slice %arg21[%dma_start3A_54, %dma_start3A_55] : memref<5x40xi32, #tpu.memory_space<vmem>> -> memref<1x40xi32, #tpu.memory_space<vmem>>
    %dma_start3A_57 = tpu.memref_squeeze %dma_start3A_56 : memref<1x40xi32, #tpu.memory_space<vmem>> -> memref<40xi32, #tpu.memory_space<vmem>>
    %dma_start3A_58 = tpu.memref_slice %arg3[%add3A_53] : memref<640000xi32, #tpu.memory_space<hbm>> -> memref<40xi32, #tpu.memory_space<hbm>>
    %dma_start3A_59 = arith.constant 0 : i32
    %dma_start3A_60 = tpu.memref_slice %arg21[%dma_start3A_54, %dma_start3A_59] : memref<5x40xi32, #tpu.memory_space<vmem>> -> memref<1x40xi32, #tpu.memory_space<vmem>>
    %dma_start3A_61 = tpu.memref_squeeze %dma_start3A_60 : memref<1x40xi32, #tpu.memory_space<vmem>> -> memref<40xi32, #tpu.memory_space<vmem>>
    %dma_start3A_62 = tpu.memref_slice %arg3[%add3A_53] : memref<640000xi32, #tpu.memory_space<hbm>> -> memref<40xi32, #tpu.memory_space<hbm>>
    tpu.enqueue_dma source(%dma_start3A_62 : memref<40xi32, #tpu.memory_space<hbm>>) target(%dma_start3A_61 : memref<40xi32, #tpu.memory_space<vmem>>) target_semaphore(%arg14 : memref<!tpu.dma_semaphore, #tpu.memory_space<semaphore_mem>>)
    %add3A_63 = arith.constant 320000 : i32
    %add3A_64 = arith.addi %add3A_63, %add3A_53 : i32
    %dma_start3A_65 = arith.constant 2 : i32
    %dma_start3A_66 = arith.constant 0 : i32
    %dma_start3A_67 = tpu.memref_slice %arg7[%dma_start3A_65, %dma_start3A_66] : memref<5x40xi32, #tpu.memory_space<vmem>> -> memref<1x40xi32, #tpu.memory_space<vmem>>
    %dma_start3A_68 = tpu.memref_squeeze %dma_start3A_67 : memref<1x40xi32, #tpu.memory_space<vmem>> -> memref<40xi32, #tpu.memory_space<vmem>>
    %dma_start3A_69 = tpu.memref_slice %arg3[%add3A_64] : memref<640000xi32, #tpu.memory_space<hbm>> -> memref<40xi32, #tpu.memory_space<hbm>>
    %dma_start3A_70 = arith.constant 0 : i32
    %dma_start3A_71 = tpu.memref_slice %arg7[%dma_start3A_65, %dma_start3A_70] : memref<5x40xi32, #tpu.memory_space<vmem>> -> memref<1x40xi32, #tpu.memory_space<vmem>>
    %dma_start3A_72 = tpu.memref_squeeze %dma_start3A_71 : memref<1x40xi32, #tpu.memory_space<vmem>> -> memref<40xi32, #tpu.memory_space<vmem>>
    %dma_start3A_73 = tpu.memref_slice %arg3[%add3A_64] : memref<640000xi32, #tpu.memory_space<hbm>> -> memref<40xi32, #tpu.memory_space<hbm>>
    tpu.enqueue_dma source(%dma_start3A_73 : memref<40xi32, #tpu.memory_space<hbm>>) target(%dma_start3A_72 : memref<40xi32, #tpu.memory_space<vmem>>) target_semaphore(%arg14 : memref<!tpu.dma_semaphore, #tpu.memory_space<semaphore_mem>>)
    %add3A_74 = arith.constant 0 : i32
    %add3A_75 = arith.addi %mul3A_2, %add3A_74 : i32
    %add3A_76 = arith.constant 120 : i32
    %add3A_77 = arith.addi %add3A_75, %add3A_76 : i32
    %dma_start3A_78 = arith.constant 3 : i32
    %dma_start3A_79 = arith.constant 0 : i32
    %dma_start3A_80 = tpu.memref_slice %arg21[%dma_start3A_78, %dma_start3A_79] : memref<5x40xi32, #tpu.memory_space<vmem>> -> memref<1x40xi32, #tpu.memory_space<vmem>>
    %dma_start3A_81 = tpu.memref_squeeze %dma_start3A_80 : memref<1x40xi32, #tpu.memory_space<vmem>> -> memref<40xi32, #tpu.memory_space<vmem>>
    %dma_start3A_82 = tpu.memref_slice %arg3[%add3A_77] : memref<640000xi32, #tpu.memory_space<hbm>> -> memref<40xi32, #tpu.memory_space<hbm>>
    %dma_start3A_83 = arith.constant 0 : i32
    %dma_start3A_84 = tpu.memref_slice %arg21[%dma_start3A_78, %dma_start3A_83] : memref<5x40xi32, #tpu.memory_space<vmem>> -> memref<1x40xi32, #tpu.memory_space<vmem>>
    %dma_start3A_85 = tpu.memref_squeeze %dma_start3A_84 : memref<1x40xi32, #tpu.memory_space<vmem>> -> memref<40xi32, #tpu.memory_space<vmem>>
    %dma_start3A_86 = tpu.memref_slice %arg3[%add3A_77] : memref<640000xi32, #tpu.memory_space<hbm>> -> memref<40xi32, #tpu.memory_space<hbm>>
    tpu.enqueue_dma source(%dma_start3A_86 : memref<40xi32, #tpu.memory_space<hbm>>) target(%dma_start3A_85 : memref<40xi32, #tpu.memory_space<vmem>>) target_semaphore(%arg14 : memref<!tpu.dma_semaphore, #tpu.memory_space<semaphore_mem>>)
    %add3A_87 = arith.constant 320000 : i32
    %add3A_88 = arith.addi %add3A_87, %add3A_77 : i32
    %dma_start3A_89 = arith.constant 3 : i32
    %dma_start3A_90 = arith.constant 0 : i32
    %dma_start3A_91 = tpu.memref_slice %arg7[%dma_start3A_89, %dma_start3A_90] : memref<5x40xi32, #tpu.memory_space<vmem>> -> memref<1x40xi32, #tpu.memory_space<vmem>>
    %dma_start3A_92 = tpu.memref_squeeze %dma_start3A_91 : memref<1x40xi32, #tpu.memory_space<vmem>> -> memref<40xi32, #tpu.memory_space<vmem>>
    %dma_start3A_93 = tpu.memref_slice %arg3[%add3A_88] : memref<640000xi32, #tpu.memory_space<hbm>> -> memref<40xi32, #tpu.memory_space<hbm>>
    %dma_start3A_94 = arith.constant 0 : i32
    %dma_start3A_95 = tpu.memref_slice %arg7[%dma_start3A_89, %dma_start3A_94] : memref<5x40xi32, #tpu.memory_space<vmem>> -> memref<1x40xi32, #tpu.memory_space<vmem>>
    %dma_start3A_96 = tpu.memref_squeeze %dma_start3A_95 : memref<1x40xi32, #tpu.memory_space<vmem>> -> memref<40xi32, #tpu.memory_space<vmem>>
    %dma_start3A_97 = tpu.memref_slice %arg3[%add3A_88] : memref<640000xi32, #tpu.memory_space<hbm>> -> memref<40xi32, #tpu.memory_space<hbm>>
    tpu.enqueue_dma source(%dma_start3A_97 : memref<40xi32, #tpu.memory_space<hbm>>) target(%dma_start3A_96 : memref<40xi32, #tpu.memory_space<vmem>>) target_semaphore(%arg14 : memref<!tpu.dma_semaphore, #tpu.memory_space<semaphore_mem>>)
    %add3A_98 = arith.constant 0 : i32
    %add3A_99 = arith.addi %mul3A_2, %add3A_98 : i32
    %add3A_100 = arith.constant 160 : i32
    %add3A_101 = arith.addi %add3A_99, %add3A_100 : i32
    %dma_start3A_102 = arith.constant 4 : i32
    %dma_start3A_103 = arith.constant 0 : i32
    %dma_start3A_104 = tpu.memref_slice %arg21[%dma_start3A_102, %dma_start3A_103] : memref<5x40xi32, #tpu.memory_space<vmem>> -> memref<1x40xi32, #tpu.memory_space<vmem>>
    %dma_start3A_105 = tpu.memref_squeeze %dma_start3A_104 : memref<1x40xi32, #tpu.memory_space<vmem>> -> memref<40xi32, #tpu.memory_space<vmem>>
    %dma_start3A_106 = tpu.memref_slice %arg3[%add3A_101] : memref<640000xi32, #tpu.memory_space<hbm>> -> memref<40xi32, #tpu.memory_space<hbm>>
    %dma_start3A_107 = arith.constant 0 : i32
    %dma_start3A_108 = tpu.memref_slice %arg21[%dma_start3A_102, %dma_start3A_107] : memref<5x40xi32, #tpu.memory_space<vmem>> -> memref<1x40xi32, #tpu.memory_space<vmem>>
    %dma_start3A_109 = tpu.memref_squeeze %dma_start3A_108 : memref<1x40xi32, #tpu.memory_space<vmem>> -> memref<40xi32, #tpu.memory_space<vmem>>
    %dma_start3A_110 = tpu.memref_slice %arg3[%add3A_101] : memref<640000xi32, #tpu.memory_space<hbm>> -> memref<40xi32, #tpu.memory_space<hbm>>
    tpu.enqueue_dma source(%dma_start3A_110 : memref<40xi32, #tpu.memory_space<hbm>>) target(%dma_start3A_109 : memref<40xi32, #tpu.memory_space<vmem>>) target_semaphore(%arg14 : memref<!tpu.dma_semaphore, #tpu.memory_space<semaphore_mem>>)
    %add3A_111 = arith.constant 320000 : i32
    %add3A_112 = arith.addi %add3A_111, %add3A_101 : i32
    %dma_start3A_113 = arith.constant 4 : i32
    %dma_start3A_114 = arith.constant 0 : i32
    %dma_start3A_115 = tpu.memref_slice %arg7[%dma_start3A_113, %dma_start3A_114] : memref<5x40xi32, #tpu.memory_space<vmem>> -> memref<1x40xi32, #tpu.memory_space<vmem>>
    %dma_start3A_116 = tpu.memref_squeeze %dma_start3A_115 : memref<1x40xi32, #tpu.memory_space<vmem>> -> memref<40xi32, #tpu.memory_space<vmem>>
    %dma_start3A_117 = tpu.memref_slice %arg3[%add3A_112] : memref<640000xi32, #tpu.memory_space<hbm>> -> memref<40xi32, #tpu.memory_space<hbm>>
    %dma_start3A_118 = arith.constant 0 : i32
    %dma_start3A_119 = tpu.memref_slice %arg7[%dma_start3A_113, %dma_start3A_118] : memref<5x40xi32, #tpu.memory_space<vmem>> -> memref<1x40xi32, #tpu.memory_space<vmem>>
    %dma_start3A_120 = tpu.memref_squeeze %dma_start3A_119 : memref<1x40xi32, #tpu.memory_space<vmem>> -> memref<40xi32, #tpu.memory_space<vmem>>
    %dma_start3A_121 = tpu.memref_slice %arg3[%add3A_112] : memref<640000xi32, #tpu.memory_space<hbm>> -> memref<40xi32, #tpu.memory_space<hbm>>
    tpu.enqueue_dma source(%dma_start3A_121 : memref<40xi32, #tpu.memory_space<hbm>>) target(%dma_start3A_120 : memref<40xi32, #tpu.memory_space<vmem>>) target_semaphore(%arg14 : memref<!tpu.dma_semaphore, #tpu.memory_space<semaphore_mem>>)
    %add3A_122 = arith.constant 200 : i32
    %add3A_123 = arith.addi %mul3A_2, %add3A_122 : i32
    %add3A_124 = arith.constant 0 : i32
    %add3A_125 = arith.addi %add3A_123, %add3A_124 : i32
    %dma_start3A_126 = arith.constant 0 : i32
    %dma_start3A_127 = arith.constant 0 : i32
    %dma_start3A_128 = tpu.memref_slice %arg22[%dma_start3A_126, %dma_start3A_127] : memref<5x40xi32, #tpu.memory_space<vmem>> -> memref<1x40xi32, #tpu.memory_space<vmem>>
    %dma_start3A_129 = tpu.memref_squeeze %dma_start3A_128 : memref<1x40xi32, #tpu.memory_space<vmem>> -> memref<40xi32, #tpu.memory_space<vmem>>
    %dma_start3A_130 = tpu.memref_slice %arg3[%add3A_125] : memref<640000xi32, #tpu.memory_space<hbm>> -> memref<40xi32, #tpu.memory_space<hbm>>
    %dma_start3A_131 = arith.constant 0 : i32
    %dma_start3A_132 = tpu.memref_slice %arg22[%dma_start3A_126, %dma_start3A_131] : memref<5x40xi32, #tpu.memory_space<vmem>> -> memref<1x40xi32, #tpu.memory_space<vmem>>
    %dma_start3A_133 = tpu.memref_squeeze %dma_start3A_132 : memref<1x40xi32, #tpu.memory_space<vmem>> -> memref<40xi32, #tpu.memory_space<vmem>>
    %dma_start3A_134 = tpu.memref_slice %arg3[%add3A_125] : memref<640000xi32, #tpu.memory_space<hbm>> -> memref<40xi32, #tpu.memory_space<hbm>>
    tpu.enqueue_dma source(%dma_start3A_134 : memref<40xi32, #tpu.memory_space<hbm>>) target(%dma_start3A_133 : memref<40xi32, #tpu.memory_space<vmem>>) target_semaphore(%arg15 : memref<!tpu.dma_semaphore, #tpu.memory_space<semaphore_mem>>)
    %add3A_135 = arith.constant 320000 : i32
    %add3A_136 = arith.addi %add3A_135, %add3A_125 : i32
    %dma_start3A_137 = arith.constant 0 : i32
    %dma_start3A_138 = arith.constant 0 : i32
    %dma_start3A_139 = tpu.memref_slice %arg8[%dma_start3A_137, %dma_start3A_138] : memref<5x40xi32, #tpu.memory_space<vmem>> -> memref<1x40xi32, #tpu.memory_space<vmem>>
    %dma_start3A_140 = tpu.memref_squeeze %dma_start3A_139 : memref<1x40xi32, #tpu.memory_space<vmem>> -> memref<40xi32, #tpu.memory_space<vmem>>
    %dma_start3A_141 = tpu.memref_slice %arg3[%add3A_136] : memref<640000xi32, #tpu.memory_space<hbm>> -> memref<40xi32, #tpu.memory_space<hbm>>
    %dma_start3A_142 = arith.constant 0 : i32
    %dma_start3A_143 = tpu.memref_slice %arg8[%dma_start3A_137, %dma_start3A_142] : memref<5x40xi32, #tpu.memory_space<vmem>> -> memref<1x40xi32, #tpu.memory_space<vmem>>
    %dma_start3A_144 = tpu.memref_squeeze %dma_start3A_143 : memref<1x40xi32, #tpu.memory_space<vmem>> -> memref<40xi32, #tpu.memory_space<vmem>>
    %dma_start3A_145 = tpu.memref_slice %arg3[%add3A_136] : memref<640000xi32, #tpu.memory_space<hbm>> -> memref<40xi32, #tpu.memory_space<hbm>>
    tpu.enqueue_dma source(%dma_start3A_145 : memref<40xi32, #tpu.memory_space<hbm>>) target(%dma_start3A_144 : memref<40xi32, #tpu.memory_space<vmem>>) target_semaphore(%arg15 : memref<!tpu.dma_semaphore, #tpu.memory_space<semaphore_mem>>)
    %add3A_146 = arith.constant 200 : i32
    %add3A_147 = arith.addi %mul3A_2, %add3A_146 : i32
    %add3A_148 = arith.constant 40 : i32
    %add3A_149 = arith.addi %add3A_147, %add3A_148 : i32
    %dma_start3A_150 = arith.constant 1 : i32
    %dma_start3A_151 = arith.constant 0 : i32
    %dma_start3A_152 = tpu.memref_slice %arg22[%dma_start3A_150, %dma_start3A_151] : memref<5x40xi32, #tpu.memory_space<vmem>> -> memref<1x40xi32, #tpu.memory_space<vmem>>
    %dma_start3A_153 = tpu.memref_squeeze %dma_start3A_152 : memref<1x40xi32, #tpu.memory_space<vmem>> -> memref<40xi32, #tpu.memory_space<vmem>>
    %dma_start3A_154 = tpu.memref_slice %arg3[%add3A_149] : memref<640000xi32, #tpu.memory_space<hbm>> -> memref<40xi32, #tpu.memory_space<hbm>>
    %dma_start3A_155 = arith.constant 0 : i32
    %dma_start3A_156 = tpu.memref_slice %arg22[%dma_start3A_150, %dma_start3A_155] : memref<5x40xi32, #tpu.memory_space<vmem>> -> memref<1x40xi32, #tpu.memory_space<vmem>>
    %dma_start3A_157 = tpu.memref_squeeze %dma_start3A_156 : memref<1x40xi32, #tpu.memory_space<vmem>> -> memref<40xi32, #tpu.memory_space<vmem>>
    %dma_start3A_158 = tpu.memref_slice %arg3[%add3A_149] : memref<640000xi32, #tpu.memory_space<hbm>> -> memref<40xi32, #tpu.memory_space<hbm>>
    tpu.enqueue_dma source(%dma_start3A_158 : memref<40xi32, #tpu.memory_space<hbm>>) target(%dma_start3A_157 : memref<40xi32, #tpu.memory_space<vmem>>) target_semaphore(%arg15 : memref<!tpu.dma_semaphore, #tpu.memory_space<semaphore_mem>>)
    %add3A_159 = arith.constant 320000 : i32
    %add3A_160 = arith.addi %add3A_159, %add3A_149 : i32
    %dma_start3A_161 = arith.constant 1 : i32
    %dma_start3A_162 = arith.constant 0 : i32
    %dma_start3A_163 = tpu.memref_slice %arg8[%dma_start3A_161, %dma_start3A_162] : memref<5x40xi32, #tpu.memory_space<vmem>> -> memref<1x40xi32, #tpu.memory_space<vmem>>
    %dma_start3A_164 = tpu.memref_squeeze %dma_start3A_163 : memref<1x40xi32, #tpu.memory_space<vmem>> -> memref<40xi32, #tpu.memory_space<vmem>>
    %dma_start3A_165 = tpu.memref_slice %arg3[%add3A_160] : memref<640000xi32, #tpu.memory_space<hbm>> -> memref<40xi32, #tpu.memory_space<hbm>>
    %dma_start3A_166 = arith.constant 0 : i32
    %dma_start3A_167 = tpu.memref_slice %arg8[%dma_start3A_161, %dma_start3A_166] : memref<5x40xi32, #tpu.memory_space<vmem>> -> memref<1x40xi32, #tpu.memory_space<vmem>>
    %dma_start3A_168 = tpu.memref_squeeze %dma_start3A_167 : memref<1x40xi32, #tpu.memory_space<vmem>> -> memref<40xi32, #tpu.memory_space<vmem>>
    %dma_start3A_169 = tpu.memref_slice %arg3[%add3A_160] : memref<640000xi32, #tpu.memory_space<hbm>> -> memref<40xi32, #tpu.memory_space<hbm>>
    tpu.enqueue_dma source(%dma_start3A_169 : memref<40xi32, #tpu.memory_space<hbm>>) target(%dma_start3A_168 : memref<40xi32, #tpu.memory_space<vmem>>) target_semaphore(%arg15 : memref<!tpu.dma_semaphore, #tpu.memory_space<semaphore_mem>>)
    %add3A_170 = arith.constant 200 : i32
    %add3A_171 = arith.addi %mul3A_2, %add3A_170 : i32
    %add3A_172 = arith.constant 80 : i32
    %add3A_173 = arith.addi %add3A_171, %add3A_172 : i32
    %dma_start3A_174 = arith.constant 2 : i32
    %dma_start3A_175 = arith.constant 0 : i32
    %dma_start3A_176 = tpu.memref_slice %arg22[%dma_start3A_174, %dma_start3A_175] : memref<5x40xi32, #tpu.memory_space<vmem>> -> memref<1x40xi32, #tpu.memory_space<vmem>>
    %dma_start3A_177 = tpu.memref_squeeze %dma_start3A_176 : memref<1x40xi32, #tpu.memory_space<vmem>> -> memref<40xi32, #tpu.memory_space<vmem>>
    %dma_start3A_178 = tpu.memref_slice %arg3[%add3A_173] : memref<640000xi32, #tpu.memory_space<hbm>> -> memref<40xi32, #tpu.memory_space<hbm>>
    %dma_start3A_179 = arith.constant 0 : i32
    %dma_start3A_180 = tpu.memref_slice %arg22[%dma_start3A_174, %dma_start3A_179] : memref<5x40xi32, #tpu.memory_space<vmem>> -> memref<1x40xi32, #tpu.memory_space<vmem>>
    %dma_start3A_181 = tpu.memref_squeeze %dma_start3A_180 : memref<1x40xi32, #tpu.memory_space<vmem>> -> memref<40xi32, #tpu.memory_space<vmem>>
    %dma_start3A_182 = tpu.memref_slice %arg3[%add3A_173] : memref<640000xi32, #tpu.memory_space<hbm>> -> memref<40xi32, #tpu.memory_space<hbm>>
    tpu.enqueue_dma source(%dma_start3A_182 : memref<40xi32, #tpu.memory_space<hbm>>) target(%dma_start3A_181 : memref<40xi32, #tpu.memory_space<vmem>>) target_semaphore(%arg15 : memref<!tpu.dma_semaphore, #tpu.memory_space<semaphore_mem>>)
    %add3A_183 = arith.constant 320000 : i32
    %add3A_184 = arith.addi %add3A_183, %add3A_173 : i32
    %dma_start3A_185 = arith.constant 2 : i32
    %dma_start3A_186 = arith.constant 0 : i32
    %dma_start3A_187 = tpu.memref_slice %arg8[%dma_start3A_185, %dma_start3A_186] : memref<5x40xi32, #tpu.memory_space<vmem>> -> memref<1x40xi32, #tpu.memory_space<vmem>>
    %dma_start3A_188 = tpu.memref_squeeze %dma_start3A_187 : memref<1x40xi32, #tpu.memory_space<vmem>> -> memref<40xi32, #tpu.memory_space<vmem>>
    %dma_start3A_189 = tpu.memref_slice %arg3[%add3A_184] : memref<640000xi32, #tpu.memory_space<hbm>> -> memref<40xi32, #tpu.memory_space<hbm>>
    %dma_start3A_190 = arith.constant 0 : i32
    %dma_start3A_191 = tpu.memref_slice %arg8[%dma_start3A_185, %dma_start3A_190] : memref<5x40xi32, #tpu.memory_space<vmem>> -> memref<1x40xi32, #tpu.memory_space<vmem>>
    %dma_start3A_192 = tpu.memref_squeeze %dma_start3A_191 : memref<1x40xi32, #tpu.memory_space<vmem>> -> memref<40xi32, #tpu.memory_space<vmem>>
    %dma_start3A_193 = tpu.memref_slice %arg3[%add3A_184] : memref<640000xi32, #tpu.memory_space<hbm>> -> memref<40xi32, #tpu.memory_space<hbm>>
    tpu.enqueue_dma source(%dma_start3A_193 : memref<40xi32, #tpu.memory_space<hbm>>) target(%dma_start3A_192 : memref<40xi32, #tpu.memory_space<vmem>>) target_semaphore(%arg15 : memref<!tpu.dma_semaphore, #tpu.memory_space<semaphore_mem>>)
    %add3A_194 = arith.constant 200 : i32
    %add3A_195 = arith.addi %mul3A_2, %add3A_194 : i32
    %add3A_196 = arith.constant 120 : i32
    %add3A_197 = arith.addi %add3A_195, %add3A_196 : i32
    %dma_start3A_198 = arith.constant 3 : i32
    %dma_start3A_199 = arith.constant 0 : i32
    %dma_start3A_200 = tpu.memref_slice %arg22[%dma_start3A_198, %dma_start3A_199] : memref<5x40xi32, #tpu.memory_space<vmem>> -> memref<1x40xi32, #tpu.memory_space<vmem>>
    %dma_start3A_201 = tpu.memref_squeeze %dma_start3A_200 : memref<1x40xi32, #tpu.memory_space<vmem>> -> memref<40xi32, #tpu.memory_space<vmem>>
    %dma_start3A_202 = tpu.memref_slice %arg3[%add3A_197] : memref<640000xi32, #tpu.memory_space<hbm>> -> memref<40xi32, #tpu.memory_space<hbm>>
    %dma_start3A_203 = arith.constant 0 : i32
    %dma_start3A_204 = tpu.memref_slice %arg22[%dma_start3A_198, %dma_start3A_203] : memref<5x40xi32, #tpu.memory_space<vmem>> -> memref<1x40xi32, #tpu.memory_space<vmem>>
    %dma_start3A_205 = tpu.memref_squeeze %dma_start3A_204 : memref<1x40xi32, #tpu.memory_space<vmem>> -> memref<40xi32, #tpu.memory_space<vmem>>
    %dma_start3A_206 = tpu.memref_slice %arg3[%add3A_197] : memref<640000xi32, #tpu.memory_space<hbm>> -> memref<40xi32, #tpu.memory_space<hbm>>
    tpu.enqueue_dma source(%dma_start3A_206 : memref<40xi32, #tpu.memory_space<hbm>>) target(%dma_start3A_205 : memref<40xi32, #tpu.memory_space<vmem>>) target_semaphore(%arg15 : memref<!tpu.dma_semaphore, #tpu.memory_space<semaphore_mem>>)
    %add3A_207 = arith.constant 320000 : i32
    %add3A_208 = arith.addi %add3A_207, %add3A_197 : i32
    %dma_start3A_209 = arith.constant 3 : i32
    %dma_start3A_210 = arith.constant 0 : i32
    %dma_start3A_211 = tpu.memref_slice %arg8[%dma_start3A_209, %dma_start3A_210] : memref<5x40xi32, #tpu.memory_space<vmem>> -> memref<1x40xi32, #tpu.memory_space<vmem>>
    %dma_start3A_212 = tpu.memref_squeeze %dma_start3A_211 : memref<1x40xi32, #tpu.memory_space<vmem>> -> memref<40xi32, #tpu.memory_space<vmem>>
    %dma_start3A_213 = tpu.memref_slice %arg3[%add3A_208] : memref<640000xi32, #tpu.memory_space<hbm>> -> memref<40xi32, #tpu.memory_space<hbm>>
    %dma_start3A_214 = arith.constant 0 : i32
    %dma_start3A_215 = tpu.memref_slice %arg8[%dma_start3A_209, %dma_start3A_214] : memref<5x40xi32, #tpu.memory_space<vmem>> -> memref<1x40xi32, #tpu.memory_space<vmem>>
    %dma_start3A_216 = tpu.memref_squeeze %dma_start3A_215 : memref<1x40xi32, #tpu.memory_space<vmem>> -> memref<40xi32, #tpu.memory_space<vmem>>
    %dma_start3A_217 = tpu.memref_slice %arg3[%add3A_208] : memref<640000xi32, #tpu.memory_space<hbm>> -> memref<40xi32, #tpu.memory_space<hbm>>
    tpu.enqueue_dma source(%dma_start3A_217 : memref<40xi32, #tpu.memory_space<hbm>>) target(%dma_start3A_216 : memref<40xi32, #tpu.memory_space<vmem>>) target_semaphore(%arg15 : memref<!tpu.dma_semaphore, #tpu.memory_space<semaphore_mem>>)
    %add3A_218 = arith.constant 200 : i32
    %add3A_219 = arith.addi %mul3A_2, %add3A_218 : i32
    %add3A_220 = arith.constant 160 : i32
    %add3A_221 = arith.addi %add3A_219, %add3A_220 : i32
    %dma_start3A_222 = arith.constant 4 : i32
    %dma_start3A_223 = arith.constant 0 : i32
    %dma_start3A_224 = tpu.memref_slice %arg22[%dma_start3A_222, %dma_start3A_223] : memref<5x40xi32, #tpu.memory_space<vmem>> -> memref<1x40xi32, #tpu.memory_space<vmem>>
    %dma_start3A_225 = tpu.memref_squeeze %dma_start3A_224 : memref<1x40xi32, #tpu.memory_space<vmem>> -> memref<40xi32, #tpu.memory_space<vmem>>
    %dma_start3A_226 = tpu.memref_slice %arg3[%add3A_221] : memref<640000xi32, #tpu.memory_space<hbm>> -> memref<40xi32, #tpu.memory_space<hbm>>
    %dma_start3A_227 = arith.constant 0 : i32
    %dma_start3A_228 = tpu.memref_slice %arg22[%dma_start3A_222, %dma_start3A_227] : memref<5x40xi32, #tpu.memory_space<vmem>> -> memref<1x40xi32, #tpu.memory_space<vmem>>
    %dma_start3A_229 = tpu.memref_squeeze %dma_start3A_228 : memref<1x40xi32, #tpu.memory_space<vmem>> -> memref<40xi32, #tpu.memory_space<vmem>>
    %dma_start3A_230 = tpu.memref_slice %arg3[%add3A_221] : memref<640000xi32, #tpu.memory_space<hbm>> -> memref<40xi32, #tpu.memory_space<hbm>>
    tpu.enqueue_dma source(%dma_start3A_230 : memref<40xi32, #tpu.memory_space<hbm>>) target(%dma_start3A_229 : memref<40xi32, #tpu.memory_space<vmem>>) target_semaphore(%arg15 : memref<!tpu.dma_semaphore, #tpu.memory_space<semaphore_mem>>)
    %add3A_231 = arith.constant 320000 : i32
    %add3A_232 = arith.addi %add3A_231, %add3A_221 : i32
    %dma_start3A_233 = arith.constant 4 : i32
    %dma_start3A_234 = arith.constant 0 : i32
    %dma_start3A_235 = tpu.memref_slice %arg8[%dma_start3A_233, %dma_start3A_234] : memref<5x40xi32, #tpu.memory_space<vmem>> -> memref<1x40xi32, #tpu.memory_space<vmem>>
    %dma_start3A_236 = tpu.memref_squeeze %dma_start3A_235 : memref<1x40xi32, #tpu.memory_space<vmem>> -> memref<40xi32, #tpu.memory_space<vmem>>
    %dma_start3A_237 = tpu.memref_slice %arg3[%add3A_232] : memref<640000xi32, #tpu.memory_space<hbm>> -> memref<40xi32, #tpu.memory_space<hbm>>
    %dma_start3A_238 = arith.constant 0 : i32
    %dma_start3A_239 = tpu.memref_slice %arg8[%dma_start3A_233, %dma_start3A_238] : memref<5x40xi32, #tpu.memory_space<vmem>> -> memref<1x40xi32, #tpu.memory_space<vmem>>
    %dma_start3A_240 = tpu.memref_squeeze %dma_start3A_239 : memref<1x40xi32, #tpu.memory_space<vmem>> -> memref<40xi32, #tpu.memory_space<vmem>>
    %dma_start3A_241 = tpu.memref_slice %arg3[%add3A_232] : memref<640000xi32, #tpu.memory_space<hbm>> -> memref<40xi32, #tpu.memory_space<hbm>>
    tpu.enqueue_dma source(%dma_start3A_241 : memref<40xi32, #tpu.memory_space<hbm>>) target(%dma_start3A_240 : memref<40xi32, #tpu.memory_space<vmem>>) target_semaphore(%arg15 : memref<!tpu.dma_semaphore, #tpu.memory_space<semaphore_mem>>)
    %dma_wait3A = arith.constant 0 : i32
    %dma_wait3A_242 = arith.constant 0 : i32
    %dma_wait3A_243 = tpu.memref_slice %arg21[%dma_wait3A, %dma_wait3A_242] : memref<5x40xi32, #tpu.memory_space<vmem>> -> memref<1x40xi32, #tpu.memory_space<vmem>>
    %dma_wait3A_244 = tpu.memref_squeeze %dma_wait3A_243 : memref<1x40xi32, #tpu.memory_space<vmem>> -> memref<40xi32, #tpu.memory_space<vmem>>
    %dma_wait3A_245 = tpu.memref_slice %arg3[%mul3A_2] : memref<640000xi32, #tpu.memory_space<hbm>> -> memref<40xi32, #tpu.memory_space<hbm>>
    %dma_wait3A_246 = arith.constant 0 : i32
    %dma_wait3A_247 = tpu.memref_slice %arg21[%dma_wait3A, %dma_wait3A_246] : memref<5x40xi32, #tpu.memory_space<vmem>> -> memref<1x40xi32, #tpu.memory_space<vmem>>
    %dma_wait3A_248 = tpu.memref_squeeze %dma_wait3A_247 : memref<1x40xi32, #tpu.memory_space<vmem>> -> memref<40xi32, #tpu.memory_space<vmem>>
    %dma_wait3A_249 = tpu.memref_slice %arg3[%mul3A_2] : memref<640000xi32, #tpu.memory_space<hbm>> -> memref<40xi32, #tpu.memory_space<hbm>>
    tpu.wait_dma2 semaphore(%arg14 : memref<!tpu.dma_semaphore, #tpu.memory_space<semaphore_mem>>) src(%dma_wait3A_249 : memref<40xi32, #tpu.memory_space<hbm>>) dst(%dma_wait3A_248 : memref<40xi32, #tpu.memory_space<vmem>>)
    %dma_wait3A_250 = arith.constant 0 : i32
    %dma_wait3A_251 = arith.constant 0 : i32
    %dma_wait3A_252 = tpu.memref_slice %arg7[%dma_wait3A_250, %dma_wait3A_251] : memref<5x40xi32, #tpu.memory_space<vmem>> -> memref<1x40xi32, #tpu.memory_space<vmem>>
    %dma_wait3A_253 = tpu.memref_squeeze %dma_wait3A_252 : memref<1x40xi32, #tpu.memory_space<vmem>> -> memref<40xi32, #tpu.memory_space<vmem>>
    %dma_wait3A_254 = tpu.memref_slice %arg3[%mul3A_2] : memref<640000xi32, #tpu.memory_space<hbm>> -> memref<40xi32, #tpu.memory_space<hbm>>
    %dma_wait3A_255 = arith.constant 0 : i32
    %dma_wait3A_256 = tpu.memref_slice %arg7[%dma_wait3A_250, %dma_wait3A_255] : memref<5x40xi32, #tpu.memory_space<vmem>> -> memref<1x40xi32, #tpu.memory_space<vmem>>
    %dma_wait3A_257 = tpu.memref_squeeze %dma_wait3A_256 : memref<1x40xi32, #tpu.memory_space<vmem>> -> memref<40xi32, #tpu.memory_space<vmem>>
    %dma_wait3A_258 = tpu.memref_slice %arg3[%mul3A_2] : memref<640000xi32, #tpu.memory_space<hbm>> -> memref<40xi32, #tpu.memory_space<hbm>>
    tpu.wait_dma2 semaphore(%arg14 : memref<!tpu.dma_semaphore, #tpu.memory_space<semaphore_mem>>) src(%dma_wait3A_258 : memref<40xi32, #tpu.memory_space<hbm>>) dst(%dma_wait3A_257 : memref<40xi32, #tpu.memory_space<vmem>>)
    %dma_wait3A_259 = arith.constant 1 : i32
    %dma_wait3A_260 = arith.constant 0 : i32
    %dma_wait3A_261 = tpu.memref_slice %arg21[%dma_wait3A_259, %dma_wait3A_260] : memref<5x40xi32, #tpu.memory_space<vmem>> -> memref<1x40xi32, #tpu.memory_space<vmem>>
    %dma_wait3A_262 = tpu.memref_squeeze %dma_wait3A_261 : memref<1x40xi32, #tpu.memory_space<vmem>> -> memref<40xi32, #tpu.memory_space<vmem>>
    %dma_wait3A_263 = tpu.memref_slice %arg3[%mul3A_2] : memref<640000xi32, #tpu.memory_space<hbm>> -> memref<40xi32, #tpu.memory_space<hbm>>
    %dma_wait3A_264 = arith.constant 0 : i32
    %dma_wait3A_265 = tpu.memref_slice %arg21[%dma_wait3A_259, %dma_wait3A_264] : memref<5x40xi32, #tpu.memory_space<vmem>> -> memref<1x40xi32, #tpu.memory_space<vmem>>
    %dma_wait3A_266 = tpu.memref_squeeze %dma_wait3A_265 : memref<1x40xi32, #tpu.memory_space<vmem>> -> memref<40xi32, #tpu.memory_space<vmem>>
    %dma_wait3A_267 = tpu.memref_slice %arg3[%mul3A_2] : memref<640000xi32, #tpu.memory_space<hbm>> -> memref<40xi32, #tpu.memory_space<hbm>>
    tpu.wait_dma2 semaphore(%arg14 : memref<!tpu.dma_semaphore, #tpu.memory_space<semaphore_mem>>) src(%dma_wait3A_267 : memref<40xi32, #tpu.memory_space<hbm>>) dst(%dma_wait3A_266 : memref<40xi32, #tpu.memory_space<vmem>>)
    %dma_wait3A_268 = arith.constant 1 : i32
    %dma_wait3A_269 = arith.constant 0 : i32
    %dma_wait3A_270 = tpu.memref_slice %arg7[%dma_wait3A_268, %dma_wait3A_269] : memref<5x40xi32, #tpu.memory_space<vmem>> -> memref<1x40xi32, #tpu.memory_space<vmem>>
    %dma_wait3A_271 = tpu.memref_squeeze %dma_wait3A_270 : memref<1x40xi32, #tpu.memory_space<vmem>> -> memref<40xi32, #tpu.memory_space<vmem>>
    %dma_wait3A_272 = tpu.memref_slice %arg3[%mul3A_2] : memref<640000xi32, #tpu.memory_space<hbm>> -> memref<40xi32, #tpu.memory_space<hbm>>
    %dma_wait3A_273 = arith.constant 0 : i32
    %dma_wait3A_274 = tpu.memref_slice %arg7[%dma_wait3A_268, %dma_wait3A_273] : memref<5x40xi32, #tpu.memory_space<vmem>> -> memref<1x40xi32, #tpu.memory_space<vmem>>
    %dma_wait3A_275 = tpu.memref_squeeze %dma_wait3A_274 : memref<1x40xi32, #tpu.memory_space<vmem>> -> memref<40xi32, #tpu.memory_space<vmem>>
    %dma_wait3A_276 = tpu.memref_slice %arg3[%mul3A_2] : memref<640000xi32, #tpu.memory_space<hbm>> -> memref<40xi32, #tpu.memory_space<hbm>>
    tpu.wait_dma2 semaphore(%arg14 : memref<!tpu.dma_semaphore, #tpu.memory_space<semaphore_mem>>) src(%dma_wait3A_276 : memref<40xi32, #tpu.memory_space<hbm>>) dst(%dma_wait3A_275 : memref<40xi32, #tpu.memory_space<vmem>>)
    %dma_wait3A_277 = arith.constant 2 : i32
    %dma_wait3A_278 = arith.constant 0 : i32
    %dma_wait3A_279 = tpu.memref_slice %arg21[%dma_wait3A_277, %dma_wait3A_278] : memref<5x40xi32, #tpu.memory_space<vmem>> -> memref<1x40xi32, #tpu.memory_space<vmem>>
    %dma_wait3A_280 = tpu.memref_squeeze %dma_wait3A_279 : memref<1x40xi32, #tpu.memory_space<vmem>> -> memref<40xi32, #tpu.memory_space<vmem>>
    %dma_wait3A_281 = tpu.memref_slice %arg3[%mul3A_2] : memref<640000xi32, #tpu.memory_space<hbm>> -> memref<40xi32, #tpu.memory_space<hbm>>
    %dma_wait3A_282 = arith.constant 0 : i32
    %dma_wait3A_283 = tpu.memref_slice %arg21[%dma_wait3A_277, %dma_wait3A_282] : memref<5x40xi32, #tpu.memory_space<vmem>> -> memref<1x40xi32, #tpu.memory_space<vmem>>
    %dma_wait3A_284 = tpu.memref_squeeze %dma_wait3A_283 : memref<1x40xi32, #tpu.memory_space<vmem>> -> memref<40xi32, #tpu.memory_space<vmem>>
    %dma_wait3A_285 = tpu.memref_slice %arg3[%mul3A_2] : memref<640000xi32, #tpu.memory_space<hbm>> -> memref<40xi32, #tpu.memory_space<hbm>>
    tpu.wait_dma2 semaphore(%arg14 : memref<!tpu.dma_semaphore, #tpu.memory_space<semaphore_mem>>) src(%dma_wait3A_285 : memref<40xi32, #tpu.memory_space<hbm>>) dst(%dma_wait3A_284 : memref<40xi32, #tpu.memory_space<vmem>>)
    %dma_wait3A_286 = arith.constant 2 : i32
    %dma_wait3A_287 = arith.constant 0 : i32
    %dma_wait3A_288 = tpu.memref_slice %arg7[%dma_wait3A_286, %dma_wait3A_287] : memref<5x40xi32, #tpu.memory_space<vmem>> -> memref<1x40xi32, #tpu.memory_space<vmem>>
    %dma_wait3A_289 = tpu.memref_squeeze %dma_wait3A_288 : memref<1x40xi32, #tpu.memory_space<vmem>> -> memref<40xi32, #tpu.memory_space<vmem>>
    %dma_wait3A_290 = tpu.memref_slice %arg3[%mul3A_2] : memref<640000xi32, #tpu.memory_space<hbm>> -> memref<40xi32, #tpu.memory_space<hbm>>
    %dma_wait3A_291 = arith.constant 0 : i32
    %dma_wait3A_292 = tpu.memref_slice %arg7[%dma_wait3A_286, %dma_wait3A_291] : memref<5x40xi32, #tpu.memory_space<vmem>> -> memref<1x40xi32, #tpu.memory_space<vmem>>
    %dma_wait3A_293 = tpu.memref_squeeze %dma_wait3A_292 : memref<1x40xi32, #tpu.memory_space<vmem>> -> memref<40xi32, #tpu.memory_space<vmem>>
    %dma_wait3A_294 = tpu.memref_slice %arg3[%mul3A_2] : memref<640000xi32, #tpu.memory_space<hbm>> -> memref<40xi32, #tpu.memory_space<hbm>>
    tpu.wait_dma2 semaphore(%arg14 : memref<!tpu.dma_semaphore, #tpu.memory_space<semaphore_mem>>) src(%dma_wait3A_294 : memref<40xi32, #tpu.memory_space<hbm>>) dst(%dma_wait3A_293 : memref<40xi32, #tpu.memory_space<vmem>>)
    %dma_wait3A_295 = arith.constant 3 : i32
    %dma_wait3A_296 = arith.constant 0 : i32
    %dma_wait3A_297 = tpu.memref_slice %arg21[%dma_wait3A_295, %dma_wait3A_296] : memref<5x40xi32, #tpu.memory_space<vmem>> -> memref<1x40xi32, #tpu.memory_space<vmem>>
    %dma_wait3A_298 = tpu.memref_squeeze %dma_wait3A_297 : memref<1x40xi32, #tpu.memory_space<vmem>> -> memref<40xi32, #tpu.memory_space<vmem>>
    %dma_wait3A_299 = tpu.memref_slice %arg3[%mul3A_2] : memref<640000xi32, #tpu.memory_space<hbm>> -> memref<40xi32, #tpu.memory_space<hbm>>
    %dma_wait3A_300 = arith.constant 0 : i32
    %dma_wait3A_301 = tpu.memref_slice %arg21[%dma_wait3A_295, %dma_wait3A_300] : memref<5x40xi32, #tpu.memory_space<vmem>> -> memref<1x40xi32, #tpu.memory_space<vmem>>
    %dma_wait3A_302 = tpu.memref_squeeze %dma_wait3A_301 : memref<1x40xi32, #tpu.memory_space<vmem>> -> memref<40xi32, #tpu.memory_space<vmem>>
    %dma_wait3A_303 = tpu.memref_slice %arg3[%mul3A_2] : memref<640000xi32, #tpu.memory_space<hbm>> -> memref<40xi32, #tpu.memory_space<hbm>>
    tpu.wait_dma2 semaphore(%arg14 : memref<!tpu.dma_semaphore, #tpu.memory_space<semaphore_mem>>) src(%dma_wait3A_303 : memref<40xi32, #tpu.memory_space<hbm>>) dst(%dma_wait3A_302 : memref<40xi32, #tpu.memory_space<vmem>>)
    %dma_wait3A_304 = arith.constant 3 : i32
    %dma_wait3A_305 = arith.constant 0 : i32
    %dma_wait3A_306 = tpu.memref_slice %arg7[%dma_wait3A_304, %dma_wait3A_305] : memref<5x40xi32, #tpu.memory_space<vmem>> -> memref<1x40xi32, #tpu.memory_space<vmem>>
    %dma_wait3A_307 = tpu.memref_squeeze %dma_wait3A_306 : memref<1x40xi32, #tpu.memory_space<vmem>> -> memref<40xi32, #tpu.memory_space<vmem>>
    %dma_wait3A_308 = tpu.memref_slice %arg3[%mul3A_2] : memref<640000xi32, #tpu.memory_space<hbm>> -> memref<40xi32, #tpu.memory_space<hbm>>
    %dma_wait3A_309 = arith.constant 0 : i32
    %dma_wait3A_310 = tpu.memref_slice %arg7[%dma_wait3A_304, %dma_wait3A_309] : memref<5x40xi32, #tpu.memory_space<vmem>> -> memref<1x40xi32, #tpu.memory_space<vmem>>
    %dma_wait3A_311 = tpu.memref_squeeze %dma_wait3A_310 : memref<1x40xi32, #tpu.memory_space<vmem>> -> memref<40xi32, #tpu.memory_space<vmem>>
    %dma_wait3A_312 = tpu.memref_slice %arg3[%mul3A_2] : memref<640000xi32, #tpu.memory_space<hbm>> -> memref<40xi32, #tpu.memory_space<hbm>>
    tpu.wait_dma2 semaphore(%arg14 : memref<!tpu.dma_semaphore, #tpu.memory_space<semaphore_mem>>) src(%dma_wait3A_312 : memref<40xi32, #tpu.memory_space<hbm>>) dst(%dma_wait3A_311 : memref<40xi32, #tpu.memory_space<vmem>>)
    %dma_wait3A_313 = arith.constant 4 : i32
    %dma_wait3A_314 = arith.constant 0 : i32
    %dma_wait3A_315 = tpu.memref_slice %arg21[%dma_wait3A_313, %dma_wait3A_314] : memref<5x40xi32, #tpu.memory_space<vmem>> -> memref<1x40xi32, #tpu.memory_space<vmem>>
    %dma_wait3A_316 = tpu.memref_squeeze %dma_wait3A_315 : memref<1x40xi32, #tpu.memory_space<vmem>> -> memref<40xi32, #tpu.memory_space<vmem>>
    %dma_wait3A_317 = tpu.memref_slice %arg3[%mul3A_2] : memref<640000xi32, #tpu.memory_space<hbm>> -> memref<40xi32, #tpu.memory_space<hbm>>
    %dma_wait3A_318 = arith.constant 0 : i32
    %dma_wait3A_319 = tpu.memref_slice %arg21[%dma_wait3A_313, %dma_wait3A_318] : memref<5x40xi32, #tpu.memory_space<vmem>> -> memref<1x40xi32, #tpu.memory_space<vmem>>
    %dma_wait3A_320 = tpu.memref_squeeze %dma_wait3A_319 : memref<1x40xi32, #tpu.memory_space<vmem>> -> memref<40xi32, #tpu.memory_space<vmem>>
    %dma_wait3A_321 = tpu.memref_slice %arg3[%mul3A_2] : memref<640000xi32, #tpu.memory_space<hbm>> -> memref<40xi32, #tpu.memory_space<hbm>>
    tpu.wait_dma2 semaphore(%arg14 : memref<!tpu.dma_semaphore, #tpu.memory_space<semaphore_mem>>) src(%dma_wait3A_321 : memref<40xi32, #tpu.memory_space<hbm>>) dst(%dma_wait3A_320 : memref<40xi32, #tpu.memory_space<vmem>>)
    %dma_wait3A_322 = arith.constant 4 : i32
    %dma_wait3A_323 = arith.constant 0 : i32
    %dma_wait3A_324 = tpu.memref_slice %arg7[%dma_wait3A_322, %dma_wait3A_323] : memref<5x40xi32, #tpu.memory_space<vmem>> -> memref<1x40xi32, #tpu.memory_space<vmem>>
    %dma_wait3A_325 = tpu.memref_squeeze %dma_wait3A_324 : memref<1x40xi32, #tpu.memory_space<vmem>> -> memref<40xi32, #tpu.memory_space<vmem>>
    %dma_wait3A_326 = tpu.memref_slice %arg3[%mul3A_2] : memref<640000xi32, #tpu.memory_space<hbm>> -> memref<40xi32, #tpu.memory_space<hbm>>
    %dma_wait3A_327 = arith.constant 0 : i32
    %dma_wait3A_328 = tpu.memref_slice %arg7[%dma_wait3A_322, %dma_wait3A_327] : memref<5x40xi32, #tpu.memory_space<vmem>> -> memref<1x40xi32, #tpu.memory_space<vmem>>
    %dma_wait3A_329 = tpu.memref_squeeze %dma_wait3A_328 : memref<1x40xi32, #tpu.memory_space<vmem>> -> memref<40xi32, #tpu.memory_space<vmem>>
    %dma_wait3A_330 = tpu.memref_slice %arg3[%mul3A_2] : memref<640000xi32, #tpu.memory_space<hbm>> -> memref<40xi32, #tpu.memory_space<hbm>>
    tpu.wait_dma2 semaphore(%arg14 : memref<!tpu.dma_semaphore, #tpu.memory_space<semaphore_mem>>) src(%dma_wait3A_330 : memref<40xi32, #tpu.memory_space<hbm>>) dst(%dma_wait3A_329 : memref<40xi32, #tpu.memory_space<vmem>>)
    %dma_start3A_331 = arith.constant 0 : i32
    %dma_start3A_332 = arith.constant 0 : i32
    %dma_start3A_333 = tpu.memref_slice %arg21[%dma_start3A_331, %dma_start3A_332] : memref<5x40xi32, #tpu.memory_space<vmem>> -> memref<1x40xi32, #tpu.memory_space<vmem>>
    %dma_start3A_334 = tpu.memref_squeeze %dma_start3A_333 : memref<1x40xi32, #tpu.memory_space<vmem>> -> memref<40xi32, #tpu.memory_space<vmem>>
    %dma_start3A_335 = arith.constant 0 : i32
    %dma_start3A_336 = arith.constant 0 : i32
    %dma_start3A_337 = tpu.memref_slice %arg2[%dma_start3A_335, %dma_start3A_336] : memref<10000x128xf32, #tpu.memory_space<hbm>> -> memref<10000x128xf32, #tpu.memory_space<hbm>>
    tpu.enqueue_indirect_dma source(%dma_start3A_337 : memref<10000x128xf32, #tpu.memory_space<hbm>>) target(%arg16 : memref<40x128xf32, #tpu.memory_space<vmem>>) offsets(%dma_start3A_334 : memref<40xi32, #tpu.memory_space<vmem>>) semaphore(%arg9 : memref<!tpu.dma_semaphore, #tpu.memory_space<semaphore_mem>>)
    %dma_start3A_338 = arith.constant 1 : i32
    %dma_start3A_339 = arith.constant 0 : i32
    %dma_start3A_340 = tpu.memref_slice %arg21[%dma_start3A_338, %dma_start3A_339] : memref<5x40xi32, #tpu.memory_space<vmem>> -> memref<1x40xi32, #tpu.memory_space<vmem>>
    %dma_start3A_341 = tpu.memref_squeeze %dma_start3A_340 : memref<1x40xi32, #tpu.memory_space<vmem>> -> memref<40xi32, #tpu.memory_space<vmem>>
    %dma_start3A_342 = arith.constant 0 : i32
    %dma_start3A_343 = arith.constant 0 : i32
    %dma_start3A_344 = tpu.memref_slice %arg2[%dma_start3A_342, %dma_start3A_343] : memref<10000x128xf32, #tpu.memory_space<hbm>> -> memref<10000x128xf32, #tpu.memory_space<hbm>>
    tpu.enqueue_indirect_dma source(%dma_start3A_344 : memref<10000x128xf32, #tpu.memory_space<hbm>>) target(%arg17 : memref<40x128xf32, #tpu.memory_space<vmem>>) offsets(%dma_start3A_341 : memref<40xi32, #tpu.memory_space<vmem>>) semaphore(%arg10 : memref<!tpu.dma_semaphore, #tpu.memory_space<semaphore_mem>>)
    %dma_start3A_345 = arith.constant 2 : i32
    %dma_start3A_346 = arith.constant 0 : i32
    %dma_start3A_347 = tpu.memref_slice %arg21[%dma_start3A_345, %dma_start3A_346] : memref<5x40xi32, #tpu.memory_space<vmem>> -> memref<1x40xi32, #tpu.memory_space<vmem>>
    %dma_start3A_348 = tpu.memref_squeeze %dma_start3A_347 : memref<1x40xi32, #tpu.memory_space<vmem>> -> memref<40xi32, #tpu.memory_space<vmem>>
    %dma_start3A_349 = arith.constant 0 : i32
    %dma_start3A_350 = arith.constant 0 : i32
    %dma_start3A_351 = tpu.memref_slice %arg2[%dma_start3A_349, %dma_start3A_350] : memref<10000x128xf32, #tpu.memory_space<hbm>> -> memref<10000x128xf32, #tpu.memory_space<hbm>>
    tpu.enqueue_indirect_dma source(%dma_start3A_351 : memref<10000x128xf32, #tpu.memory_space<hbm>>) target(%arg18 : memref<40x128xf32, #tpu.memory_space<vmem>>) offsets(%dma_start3A_348 : memref<40xi32, #tpu.memory_space<vmem>>) semaphore(%arg11 : memref<!tpu.dma_semaphore, #tpu.memory_space<semaphore_mem>>)
    %dma_start3A_352 = arith.constant 3 : i32
    %dma_start3A_353 = arith.constant 0 : i32
    %dma_start3A_354 = tpu.memref_slice %arg21[%dma_start3A_352, %dma_start3A_353] : memref<5x40xi32, #tpu.memory_space<vmem>> -> memref<1x40xi32, #tpu.memory_space<vmem>>
    %dma_start3A_355 = tpu.memref_squeeze %dma_start3A_354 : memref<1x40xi32, #tpu.memory_space<vmem>> -> memref<40xi32, #tpu.memory_space<vmem>>
    %dma_start3A_356 = arith.constant 0 : i32
    %dma_start3A_357 = arith.constant 0 : i32
    %dma_start3A_358 = tpu.memref_slice %arg2[%dma_start3A_356, %dma_start3A_357] : memref<10000x128xf32, #tpu.memory_space<hbm>> -> memref<10000x128xf32, #tpu.memory_space<hbm>>
    tpu.enqueue_indirect_dma source(%dma_start3A_358 : memref<10000x128xf32, #tpu.memory_space<hbm>>) target(%arg19 : memref<40x128xf32, #tpu.memory_space<vmem>>) offsets(%dma_start3A_355 : memref<40xi32, #tpu.memory_space<vmem>>) semaphore(%arg12 : memref<!tpu.dma_semaphore, #tpu.memory_space<semaphore_mem>>)
    %dma_start3A_359 = arith.constant 4 : i32
    %dma_start3A_360 = arith.constant 0 : i32
    %dma_start3A_361 = tpu.memref_slice %arg21[%dma_start3A_359, %dma_start3A_360] : memref<5x40xi32, #tpu.memory_space<vmem>> -> memref<1x40xi32, #tpu.memory_space<vmem>>
    %dma_start3A_362 = tpu.memref_squeeze %dma_start3A_361 : memref<1x40xi32, #tpu.memory_space<vmem>> -> memref<40xi32, #tpu.memory_space<vmem>>
    %dma_start3A_363 = arith.constant 0 : i32
    %dma_start3A_364 = arith.constant 0 : i32
    %dma_start3A_365 = tpu.memref_slice %arg2[%dma_start3A_363, %dma_start3A_364] : memref<10000x128xf32, #tpu.memory_space<hbm>> -> memref<10000x128xf32, #tpu.memory_space<hbm>>
    tpu.enqueue_indirect_dma source(%dma_start3A_365 : memref<10000x128xf32, #tpu.memory_space<hbm>>) target(%arg20 : memref<40x128xf32, #tpu.memory_space<vmem>>) offsets(%dma_start3A_362 : memref<40xi32, #tpu.memory_space<vmem>>) semaphore(%arg13 : memref<!tpu.dma_semaphore, #tpu.memory_space<semaphore_mem>>)
    %mul3A_366 = arith.constant 640 : i32
    %mul3A_367 = arith.muli %arg1, %mul3A_366 : i32
    "tpu.region"() ({
      %run_scoped3A = tpu.sem_alloc : memref<!tpu.dma_semaphore, #tpu.memory_space<semaphore_mem>>
      %dma_start3A_378 = arith.constant 0 : i32
      %dma_start3A_379 = tpu.memref_slice %arg6[%mul3A_367, %dma_start3A_378] : memref<10240x128xf32, #tpu.memory_space<vmem_shared>> -> memref<640x128xf32, #tpu.memory_space<vmem_shared>>
      tpu.enqueue_dma source(%arg4 : memref<640x128xf32, #tpu.memory_space<hbm>>) target(%dma_start3A_379 : memref<640x128xf32, #tpu.memory_space<vmem_shared>>) target_semaphore(%run_scoped3A : memref<!tpu.dma_semaphore, #tpu.memory_space<semaphore_mem>>)
      %dma_wait3A_380 = arith.constant 0 : i32
      %dma_wait3A_381 = tpu.memref_slice %arg6[%mul3A_367, %dma_wait3A_380] : memref<10240x128xf32, #tpu.memory_space<vmem_shared>> -> memref<640x128xf32, #tpu.memory_space<vmem_shared>>
      tpu.wait_dma2 semaphore(%run_scoped3A : memref<!tpu.dma_semaphore, #tpu.memory_space<semaphore_mem>>) src(%arg4 : memref<640x128xf32, #tpu.memory_space<hbm>>) dst(%dma_wait3A_381 : memref<640x128xf32, #tpu.memory_space<vmem_shared>>)
      tpu.yield
    }) : () -> ()
    %barrier3A = arith.constant 0 : index
    tpu.barrier barrier_id(%barrier3A)
    %scan3A = arith.constant 0 : i32
    %scan3A_368 = arith.constant 0 : i32
    %scan3A_369 = arith.constant 25 : i32
    %scan3A_370 = arith.addi %scan3A_368, %scan3A_369 : i32
    %scan3A_371 = arith.constant 1 : i32
    scf.for %scan3A_378 = %scan3A_368 to %scan3A_370 step %scan3A_371  : i32 {
      %mul3A_379 = arith.constant 2 : i32
      %mul3A_380 = arith.muli %mul3A_379, %scan3A_378 : i32
      %add3A_381 = arith.constant 0 : i32
      %add3A_382 = arith.addi %mul3A_380, %add3A_381 : i32
      %dma_wait3A_383 = arith.constant 0 : i32
      %dma_wait3A_384 = arith.constant 0 : i32
      %dma_wait3A_385 = tpu.memref_slice %arg21[%dma_wait3A_383, %dma_wait3A_384] : memref<5x40xi32, #tpu.memory_space<vmem>> -> memref<1x40xi32, #tpu.memory_space<vmem>>
      %dma_wait3A_386 = tpu.memref_squeeze %dma_wait3A_385 : memref<1x40xi32, #tpu.memory_space<vmem>> -> memref<40xi32, #tpu.memory_space<vmem>>
      %dma_wait3A_387 = arith.constant 0 : i32
      %dma_wait3A_388 = arith.constant 0 : i32
      %dma_wait3A_389 = tpu.memref_slice %arg2[%dma_wait3A_387, %dma_wait3A_388] : memref<10000x128xf32, #tpu.memory_space<hbm>> -> memref<10000x128xf32, #tpu.memory_space<hbm>>
      tpu.wait_indirect_dma semaphore(%arg9 : memref<!tpu.dma_semaphore, #tpu.memory_space<semaphore_mem>>) src(%dma_wait3A_389 : memref<10000x128xf32, #tpu.memory_space<hbm>>) dst(%arg16 : memref<40x128xf32, #tpu.memory_space<vmem>>)
      %dma_start3A_390 = arith.constant 0 : i32
      %dma_start3A_391 = arith.constant 0 : i32
      %dma_start3A_392 = tpu.memref_slice %arg7[%dma_start3A_390, %dma_start3A_391] : memref<5x40xi32, #tpu.memory_space<vmem>> -> memref<1x40xi32, #tpu.memory_space<vmem>>
      %dma_start3A_393 = tpu.memref_squeeze %dma_start3A_392 : memref<1x40xi32, #tpu.memory_space<vmem>> -> memref<40xi32, #tpu.memory_space<vmem>>
      %dma_start3A_394 = arith.constant 0 : i32
      %dma_start3A_395 = arith.constant 0 : i32
      %dma_start3A_396 = tpu.memref_slice %arg6[%dma_start3A_394, %dma_start3A_395] : memref<10240x128xf32, #tpu.memory_space<vmem_shared>> -> memref<10240x128xf32, #tpu.memory_space<vmem_shared>>
      tpu.enqueue_indirect_dma source(%arg16 : memref<40x128xf32, #tpu.memory_space<vmem>>) target(%dma_start3A_396 : memref<10240x128xf32, #tpu.memory_space<vmem_shared>>) offsets(%dma_start3A_393 : memref<40xi32, #tpu.memory_space<vmem>>) semaphore(%arg23 : memref<!tpu.dma_semaphore, #tpu.memory_space<semaphore_mem>>) {add = true}
      %dma_wait3A_397 = arith.constant 1 : i32
      %dma_wait3A_398 = arith.constant 0 : i32
      %dma_wait3A_399 = tpu.memref_slice %arg21[%dma_wait3A_397, %dma_wait3A_398] : memref<5x40xi32, #tpu.memory_space<vmem>> -> memref<1x40xi32, #tpu.memory_space<vmem>>
      %dma_wait3A_400 = tpu.memref_squeeze %dma_wait3A_399 : memref<1x40xi32, #tpu.memory_space<vmem>> -> memref<40xi32, #tpu.memory_space<vmem>>
      %dma_wait3A_401 = arith.constant 0 : i32
      %dma_wait3A_402 = arith.constant 0 : i32
      %dma_wait3A_403 = tpu.memref_slice %arg2[%dma_wait3A_401, %dma_wait3A_402] : memref<10000x128xf32, #tpu.memory_space<hbm>> -> memref<10000x128xf32, #tpu.memory_space<hbm>>
      tpu.wait_indirect_dma semaphore(%arg10 : memref<!tpu.dma_semaphore, #tpu.memory_space<semaphore_mem>>) src(%dma_wait3A_403 : memref<10000x128xf32, #tpu.memory_space<hbm>>) dst(%arg17 : memref<40x128xf32, #tpu.memory_space<vmem>>)
      %dma_start3A_404 = arith.constant 1 : i32
      %dma_start3A_405 = arith.constant 0 : i32
      %dma_start3A_406 = tpu.memref_slice %arg7[%dma_start3A_404, %dma_start3A_405] : memref<5x40xi32, #tpu.memory_space<vmem>> -> memref<1x40xi32, #tpu.memory_space<vmem>>
      %dma_start3A_407 = tpu.memref_squeeze %dma_start3A_406 : memref<1x40xi32, #tpu.memory_space<vmem>> -> memref<40xi32, #tpu.memory_space<vmem>>
      %dma_start3A_408 = arith.constant 0 : i32
      %dma_start3A_409 = arith.constant 0 : i32
      %dma_start3A_410 = tpu.memref_slice %arg6[%dma_start3A_408, %dma_start3A_409] : memref<10240x128xf32, #tpu.memory_space<vmem_shared>> -> memref<10240x128xf32, #tpu.memory_space<vmem_shared>>
      tpu.enqueue_indirect_dma source(%arg17 : memref<40x128xf32, #tpu.memory_space<vmem>>) target(%dma_start3A_410 : memref<10240x128xf32, #tpu.memory_space<vmem_shared>>) offsets(%dma_start3A_407 : memref<40xi32, #tpu.memory_space<vmem>>) semaphore(%arg24 : memref<!tpu.dma_semaphore, #tpu.memory_space<semaphore_mem>>) {add = true}
      %dma_wait3A_411 = arith.constant 2 : i32
      %dma_wait3A_412 = arith.constant 0 : i32
      %dma_wait3A_413 = tpu.memref_slice %arg21[%dma_wait3A_411, %dma_wait3A_412] : memref<5x40xi32, #tpu.memory_space<vmem>> -> memref<1x40xi32, #tpu.memory_space<vmem>>
      %dma_wait3A_414 = tpu.memref_squeeze %dma_wait3A_413 : memref<1x40xi32, #tpu.memory_space<vmem>> -> memref<40xi32, #tpu.memory_space<vmem>>
      %dma_wait3A_415 = arith.constant 0 : i32
      %dma_wait3A_416 = arith.constant 0 : i32
      %dma_wait3A_417 = tpu.memref_slice %arg2[%dma_wait3A_415, %dma_wait3A_416] : memref<10000x128xf32, #tpu.memory_space<hbm>> -> memref<10000x128xf32, #tpu.memory_space<hbm>>
      tpu.wait_indirect_dma semaphore(%arg11 : memref<!tpu.dma_semaphore, #tpu.memory_space<semaphore_mem>>) src(%dma_wait3A_417 : memref<10000x128xf32, #tpu.memory_space<hbm>>) dst(%arg18 : memref<40x128xf32, #tpu.memory_space<vmem>>)
      %dma_start3A_418 = arith.constant 2 : i32
      %dma_start3A_419 = arith.constant 0 : i32
      %dma_start3A_420 = tpu.memref_slice %arg7[%dma_start3A_418, %dma_start3A_419] : memref<5x40xi32, #tpu.memory_space<vmem>> -> memref<1x40xi32, #tpu.memory_space<vmem>>
      %dma_start3A_421 = tpu.memref_squeeze %dma_start3A_420 : memref<1x40xi32, #tpu.memory_space<vmem>> -> memref<40xi32, #tpu.memory_space<vmem>>
      %dma_start3A_422 = arith.constant 0 : i32
      %dma_start3A_423 = arith.constant 0 : i32
      %dma_start3A_424 = tpu.memref_slice %arg6[%dma_start3A_422, %dma_start3A_423] : memref<10240x128xf32, #tpu.memory_space<vmem_shared>> -> memref<10240x128xf32, #tpu.memory_space<vmem_shared>>
      tpu.enqueue_indirect_dma source(%arg18 : memref<40x128xf32, #tpu.memory_space<vmem>>) target(%dma_start3A_424 : memref<10240x128xf32, #tpu.memory_space<vmem_shared>>) offsets(%dma_start3A_421 : memref<40xi32, #tpu.memory_space<vmem>>) semaphore(%arg25 : memref<!tpu.dma_semaphore, #tpu.memory_space<semaphore_mem>>) {add = true}
      %dma_wait3A_425 = arith.constant 3 : i32
      %dma_wait3A_426 = arith.constant 0 : i32
      %dma_wait3A_427 = tpu.memref_slice %arg21[%dma_wait3A_425, %dma_wait3A_426] : memref<5x40xi32, #tpu.memory_space<vmem>> -> memref<1x40xi32, #tpu.memory_space<vmem>>
      %dma_wait3A_428 = tpu.memref_squeeze %dma_wait3A_427 : memref<1x40xi32, #tpu.memory_space<vmem>> -> memref<40xi32, #tpu.memory_space<vmem>>
      %dma_wait3A_429 = arith.constant 0 : i32
      %dma_wait3A_430 = arith.constant 0 : i32
      %dma_wait3A_431 = tpu.memref_slice %arg2[%dma_wait3A_429, %dma_wait3A_430] : memref<10000x128xf32, #tpu.memory_space<hbm>> -> memref<10000x128xf32, #tpu.memory_space<hbm>>
      tpu.wait_indirect_dma semaphore(%arg12 : memref<!tpu.dma_semaphore, #tpu.memory_space<semaphore_mem>>) src(%dma_wait3A_431 : memref<10000x128xf32, #tpu.memory_space<hbm>>) dst(%arg19 : memref<40x128xf32, #tpu.memory_space<vmem>>)
      %dma_start3A_432 = arith.constant 3 : i32
      %dma_start3A_433 = arith.constant 0 : i32
      %dma_start3A_434 = tpu.memref_slice %arg7[%dma_start3A_432, %dma_start3A_433] : memref<5x40xi32, #tpu.memory_space<vmem>> -> memref<1x40xi32, #tpu.memory_space<vmem>>
      %dma_start3A_435 = tpu.memref_squeeze %dma_start3A_434 : memref<1x40xi32, #tpu.memory_space<vmem>> -> memref<40xi32, #tpu.memory_space<vmem>>
      %dma_start3A_436 = arith.constant 0 : i32
      %dma_start3A_437 = arith.constant 0 : i32
      %dma_start3A_438 = tpu.memref_slice %arg6[%dma_start3A_436, %dma_start3A_437] : memref<10240x128xf32, #tpu.memory_space<vmem_shared>> -> memref<10240x128xf32, #tpu.memory_space<vmem_shared>>
      tpu.enqueue_indirect_dma source(%arg19 : memref<40x128xf32, #tpu.memory_space<vmem>>) target(%dma_start3A_438 : memref<10240x128xf32, #tpu.memory_space<vmem_shared>>) offsets(%dma_start3A_435 : memref<40xi32, #tpu.memory_space<vmem>>) semaphore(%arg26 : memref<!tpu.dma_semaphore, #tpu.memory_space<semaphore_mem>>) {add = true}
      %dma_wait3A_439 = arith.constant 4 : i32
      %dma_wait3A_440 = arith.constant 0 : i32
      %dma_wait3A_441 = tpu.memref_slice %arg21[%dma_wait3A_439, %dma_wait3A_440] : memref<5x40xi32, #tpu.memory_space<vmem>> -> memref<1x40xi32, #tpu.memory_space<vmem>>
      %dma_wait3A_442 = tpu.memref_squeeze %dma_wait3A_441 : memref<1x40xi32, #tpu.memory_space<vmem>> -> memref<40xi32, #tpu.memory_space<vmem>>
      %dma_wait3A_443 = arith.constant 0 : i32
      %dma_wait3A_444 = arith.constant 0 : i32
      %dma_wait3A_445 = tpu.memref_slice %arg2[%dma_wait3A_443, %dma_wait3A_444] : memref<10000x128xf32, #tpu.memory_space<hbm>> -> memref<10000x128xf32, #tpu.memory_space<hbm>>
      tpu.wait_indirect_dma semaphore(%arg13 : memref<!tpu.dma_semaphore, #tpu.memory_space<semaphore_mem>>) src(%dma_wait3A_445 : memref<10000x128xf32, #tpu.memory_space<hbm>>) dst(%arg20 : memref<40x128xf32, #tpu.memory_space<vmem>>)
      %dma_start3A_446 = arith.constant 4 : i32
      %dma_start3A_447 = arith.constant 0 : i32
      %dma_start3A_448 = tpu.memref_slice %arg7[%dma_start3A_446, %dma_start3A_447] : memref<5x40xi32, #tpu.memory_space<vmem>> -> memref<1x40xi32, #tpu.memory_space<vmem>>
      %dma_start3A_449 = tpu.memref_squeeze %dma_start3A_448 : memref<1x40xi32, #tpu.memory_space<vmem>> -> memref<40xi32, #tpu.memory_space<vmem>>
      %dma_start3A_450 = arith.constant 0 : i32
      %dma_start3A_451 = arith.constant 0 : i32
      %dma_start3A_452 = tpu.memref_slice %arg6[%dma_start3A_450, %dma_start3A_451] : memref<10240x128xf32, #tpu.memory_space<vmem_shared>> -> memref<10240x128xf32, #tpu.memory_space<vmem_shared>>
      tpu.enqueue_indirect_dma source(%arg20 : memref<40x128xf32, #tpu.memory_space<vmem>>) target(%dma_start3A_452 : memref<10240x128xf32, #tpu.memory_space<vmem_shared>>) offsets(%dma_start3A_449 : memref<40xi32, #tpu.memory_space<vmem>>) semaphore(%arg27 : memref<!tpu.dma_semaphore, #tpu.memory_space<semaphore_mem>>) {add = true}
      %lt3A = arith.constant 49 : i32
      %lt3A_453 = arith.cmpi slt, %add3A_382, %lt3A : i32
      %convert_element_type3A = arith.extui %lt3A_453 : i1 to i32
      %cond3A = arith.constant 0 : i32
      %cond3A_454 = arith.cmpi ne, %convert_element_type3A, %cond3A : i32
      scf.if %cond3A_454 {
        %dma_wait3A_664 = arith.constant 0 : i32
        %dma_wait3A_665 = arith.constant 0 : i32
        %dma_wait3A_666 = tpu.memref_slice %arg22[%dma_wait3A_664, %dma_wait3A_665] : memref<5x40xi32, #tpu.memory_space<vmem>> -> memref<1x40xi32, #tpu.memory_space<vmem>>
        %dma_wait3A_667 = tpu.memref_squeeze %dma_wait3A_666 : memref<1x40xi32, #tpu.memory_space<vmem>> -> memref<40xi32, #tpu.memory_space<vmem>>
        %dma_wait3A_668 = tpu.memref_slice %arg3[%mul3A_2] : memref<640000xi32, #tpu.memory_space<hbm>> -> memref<40xi32, #tpu.memory_space<hbm>>
        %dma_wait3A_669 = arith.constant 0 : i32
        %dma_wait3A_670 = tpu.memref_slice %arg22[%dma_wait3A_664, %dma_wait3A_669] : memref<5x40xi32, #tpu.memory_space<vmem>> -> memref<1x40xi32, #tpu.memory_space<vmem>>
        %dma_wait3A_671 = tpu.memref_squeeze %dma_wait3A_670 : memref<1x40xi32, #tpu.memory_space<vmem>> -> memref<40xi32, #tpu.memory_space<vmem>>
        %dma_wait3A_672 = tpu.memref_slice %arg3[%mul3A_2] : memref<640000xi32, #tpu.memory_space<hbm>> -> memref<40xi32, #tpu.memory_space<hbm>>
        tpu.wait_dma2 semaphore(%arg15 : memref<!tpu.dma_semaphore, #tpu.memory_space<semaphore_mem>>) src(%dma_wait3A_672 : memref<40xi32, #tpu.memory_space<hbm>>) dst(%dma_wait3A_671 : memref<40xi32, #tpu.memory_space<vmem>>)
        %dma_wait3A_673 = arith.constant 0 : i32
        %dma_wait3A_674 = arith.constant 0 : i32
        %dma_wait3A_675 = tpu.memref_slice %arg8[%dma_wait3A_673, %dma_wait3A_674] : memref<5x40xi32, #tpu.memory_space<vmem>> -> memref<1x40xi32, #tpu.memory_space<vmem>>
        %dma_wait3A_676 = tpu.memref_squeeze %dma_wait3A_675 : memref<1x40xi32, #tpu.memory_space<vmem>> -> memref<40xi32, #tpu.memory_space<vmem>>
        %dma_wait3A_677 = tpu.memref_slice %arg3[%mul3A_2] : memref<640000xi32, #tpu.memory_space<hbm>> -> memref<40xi32, #tpu.memory_space<hbm>>
        %dma_wait3A_678 = arith.constant 0 : i32
        %dma_wait3A_679 = tpu.memref_slice %arg8[%dma_wait3A_673, %dma_wait3A_678] : memref<5x40xi32, #tpu.memory_space<vmem>> -> memref<1x40xi32, #tpu.memory_space<vmem>>
        %dma_wait3A_680 = tpu.memref_squeeze %dma_wait3A_679 : memref<1x40xi32, #tpu.memory_space<vmem>> -> memref<40xi32, #tpu.memory_space<vmem>>
        %dma_wait3A_681 = tpu.memref_slice %arg3[%mul3A_2] : memref<640000xi32, #tpu.memory_space<hbm>> -> memref<40xi32, #tpu.memory_space<hbm>>
        tpu.wait_dma2 semaphore(%arg15 : memref<!tpu.dma_semaphore, #tpu.memory_space<semaphore_mem>>) src(%dma_wait3A_681 : memref<40xi32, #tpu.memory_space<hbm>>) dst(%dma_wait3A_680 : memref<40xi32, #tpu.memory_space<vmem>>)
        %dma_wait3A_682 = arith.constant 1 : i32
        %dma_wait3A_683 = arith.constant 0 : i32
        %dma_wait3A_684 = tpu.memref_slice %arg22[%dma_wait3A_682, %dma_wait3A_683] : memref<5x40xi32, #tpu.memory_space<vmem>> -> memref<1x40xi32, #tpu.memory_space<vmem>>
        %dma_wait3A_685 = tpu.memref_squeeze %dma_wait3A_684 : memref<1x40xi32, #tpu.memory_space<vmem>> -> memref<40xi32, #tpu.memory_space<vmem>>
        %dma_wait3A_686 = tpu.memref_slice %arg3[%mul3A_2] : memref<640000xi32, #tpu.memory_space<hbm>> -> memref<40xi32, #tpu.memory_space<hbm>>
        %dma_wait3A_687 = arith.constant 0 : i32
        %dma_wait3A_688 = tpu.memref_slice %arg22[%dma_wait3A_682, %dma_wait3A_687] : memref<5x40xi32, #tpu.memory_space<vmem>> -> memref<1x40xi32, #tpu.memory_space<vmem>>
        %dma_wait3A_689 = tpu.memref_squeeze %dma_wait3A_688 : memref<1x40xi32, #tpu.memory_space<vmem>> -> memref<40xi32, #tpu.memory_space<vmem>>
        %dma_wait3A_690 = tpu.memref_slice %arg3[%mul3A_2] : memref<640000xi32, #tpu.memory_space<hbm>> -> memref<40xi32, #tpu.memory_space<hbm>>
        tpu.wait_dma2 semaphore(%arg15 : memref<!tpu.dma_semaphore, #tpu.memory_space<semaphore_mem>>) src(%dma_wait3A_690 : memref<40xi32, #tpu.memory_space<hbm>>) dst(%dma_wait3A_689 : memref<40xi32, #tpu.memory_space<vmem>>)
        %dma_wait3A_691 = arith.constant 1 : i32
        %dma_wait3A_692 = arith.constant 0 : i32
        %dma_wait3A_693 = tpu.memref_slice %arg8[%dma_wait3A_691, %dma_wait3A_692] : memref<5x40xi32, #tpu.memory_space<vmem>> -> memref<1x40xi32, #tpu.memory_space<vmem>>
        %dma_wait3A_694 = tpu.memref_squeeze %dma_wait3A_693 : memref<1x40xi32, #tpu.memory_space<vmem>> -> memref<40xi32, #tpu.memory_space<vmem>>
        %dma_wait3A_695 = tpu.memref_slice %arg3[%mul3A_2] : memref<640000xi32, #tpu.memory_space<hbm>> -> memref<40xi32, #tpu.memory_space<hbm>>
        %dma_wait3A_696 = arith.constant 0 : i32
        %dma_wait3A_697 = tpu.memref_slice %arg8[%dma_wait3A_691, %dma_wait3A_696] : memref<5x40xi32, #tpu.memory_space<vmem>> -> memref<1x40xi32, #tpu.memory_space<vmem>>
        %dma_wait3A_698 = tpu.memref_squeeze %dma_wait3A_697 : memref<1x40xi32, #tpu.memory_space<vmem>> -> memref<40xi32, #tpu.memory_space<vmem>>
        %dma_wait3A_699 = tpu.memref_slice %arg3[%mul3A_2] : memref<640000xi32, #tpu.memory_space<hbm>> -> memref<40xi32, #tpu.memory_space<hbm>>
        tpu.wait_dma2 semaphore(%arg15 : memref<!tpu.dma_semaphore, #tpu.memory_space<semaphore_mem>>) src(%dma_wait3A_699 : memref<40xi32, #tpu.memory_space<hbm>>) dst(%dma_wait3A_698 : memref<40xi32, #tpu.memory_space<vmem>>)
        %dma_wait3A_700 = arith.constant 2 : i32
        %dma_wait3A_701 = arith.constant 0 : i32
        %dma_wait3A_702 = tpu.memref_slice %arg22[%dma_wait3A_700, %dma_wait3A_701] : memref<5x40xi32, #tpu.memory_space<vmem>> -> memref<1x40xi32, #tpu.memory_space<vmem>>
        %dma_wait3A_703 = tpu.memref_squeeze %dma_wait3A_702 : memref<1x40xi32, #tpu.memory_space<vmem>> -> memref<40xi32, #tpu.memory_space<vmem>>
        %dma_wait3A_704 = tpu.memref_slice %arg3[%mul3A_2] : memref<640000xi32, #tpu.memory_space<hbm>> -> memref<40xi32, #tpu.memory_space<hbm>>
        %dma_wait3A_705 = arith.constant 0 : i32
        %dma_wait3A_706 = tpu.memref_slice %arg22[%dma_wait3A_700, %dma_wait3A_705] : memref<5x40xi32, #tpu.memory_space<vmem>> -> memref<1x40xi32, #tpu.memory_space<vmem>>
        %dma_wait3A_707 = tpu.memref_squeeze %dma_wait3A_706 : memref<1x40xi32, #tpu.memory_space<vmem>> -> memref<40xi32, #tpu.memory_space<vmem>>
        %dma_wait3A_708 = tpu.memref_slice %arg3[%mul3A_2] : memref<640000xi32, #tpu.memory_space<hbm>> -> memref<40xi32, #tpu.memory_space<hbm>>
        tpu.wait_dma2 semaphore(%arg15 : memref<!tpu.dma_semaphore, #tpu.memory_space<semaphore_mem>>) src(%dma_wait3A_708 : memref<40xi32, #tpu.memory_space<hbm>>) dst(%dma_wait3A_707 : memref<40xi32, #tpu.memory_space<vmem>>)
        %dma_wait3A_709 = arith.constant 2 : i32
        %dma_wait3A_710 = arith.constant 0 : i32
        %dma_wait3A_711 = tpu.memref_slice %arg8[%dma_wait3A_709, %dma_wait3A_710] : memref<5x40xi32, #tpu.memory_space<vmem>> -> memref<1x40xi32, #tpu.memory_space<vmem>>
        %dma_wait3A_712 = tpu.memref_squeeze %dma_wait3A_711 : memref<1x40xi32, #tpu.memory_space<vmem>> -> memref<40xi32, #tpu.memory_space<vmem>>
        %dma_wait3A_713 = tpu.memref_slice %arg3[%mul3A_2] : memref<640000xi32, #tpu.memory_space<hbm>> -> memref<40xi32, #tpu.memory_space<hbm>>
        %dma_wait3A_714 = arith.constant 0 : i32
        %dma_wait3A_715 = tpu.memref_slice %arg8[%dma_wait3A_709, %dma_wait3A_714] : memref<5x40xi32, #tpu.memory_space<vmem>> -> memref<1x40xi32, #tpu.memory_space<vmem>>
        %dma_wait3A_716 = tpu.memref_squeeze %dma_wait3A_715 : memref<1x40xi32, #tpu.memory_space<vmem>> -> memref<40xi32, #tpu.memory_space<vmem>>
        %dma_wait3A_717 = tpu.memref_slice %arg3[%mul3A_2] : memref<640000xi32, #tpu.memory_space<hbm>> -> memref<40xi32, #tpu.memory_space<hbm>>
        tpu.wait_dma2 semaphore(%arg15 : memref<!tpu.dma_semaphore, #tpu.memory_space<semaphore_mem>>) src(%dma_wait3A_717 : memref<40xi32, #tpu.memory_space<hbm>>) dst(%dma_wait3A_716 : memref<40xi32, #tpu.memory_space<vmem>>)
        %dma_wait3A_718 = arith.constant 3 : i32
        %dma_wait3A_719 = arith.constant 0 : i32
        %dma_wait3A_720 = tpu.memref_slice %arg22[%dma_wait3A_718, %dma_wait3A_719] : memref<5x40xi32, #tpu.memory_space<vmem>> -> memref<1x40xi32, #tpu.memory_space<vmem>>
        %dma_wait3A_721 = tpu.memref_squeeze %dma_wait3A_720 : memref<1x40xi32, #tpu.memory_space<vmem>> -> memref<40xi32, #tpu.memory_space<vmem>>
        %dma_wait3A_722 = tpu.memref_slice %arg3[%mul3A_2] : memref<640000xi32, #tpu.memory_space<hbm>> -> memref<40xi32, #tpu.memory_space<hbm>>
        %dma_wait3A_723 = arith.constant 0 : i32
        %dma_wait3A_724 = tpu.memref_slice %arg22[%dma_wait3A_718, %dma_wait3A_723] : memref<5x40xi32, #tpu.memory_space<vmem>> -> memref<1x40xi32, #tpu.memory_space<vmem>>
        %dma_wait3A_725 = tpu.memref_squeeze %dma_wait3A_724 : memref<1x40xi32, #tpu.memory_space<vmem>> -> memref<40xi32, #tpu.memory_space<vmem>>
        %dma_wait3A_726 = tpu.memref_slice %arg3[%mul3A_2] : memref<640000xi32, #tpu.memory_space<hbm>> -> memref<40xi32, #tpu.memory_space<hbm>>
        tpu.wait_dma2 semaphore(%arg15 : memref<!tpu.dma_semaphore, #tpu.memory_space<semaphore_mem>>) src(%dma_wait3A_726 : memref<40xi32, #tpu.memory_space<hbm>>) dst(%dma_wait3A_725 : memref<40xi32, #tpu.memory_space<vmem>>)
        %dma_wait3A_727 = arith.constant 3 : i32
        %dma_wait3A_728 = arith.constant 0 : i32
        %dma_wait3A_729 = tpu.memref_slice %arg8[%dma_wait3A_727, %dma_wait3A_728] : memref<5x40xi32, #tpu.memory_space<vmem>> -> memref<1x40xi32, #tpu.memory_space<vmem>>
        %dma_wait3A_730 = tpu.memref_squeeze %dma_wait3A_729 : memref<1x40xi32, #tpu.memory_space<vmem>> -> memref<40xi32, #tpu.memory_space<vmem>>
        %dma_wait3A_731 = tpu.memref_slice %arg3[%mul3A_2] : memref<640000xi32, #tpu.memory_space<hbm>> -> memref<40xi32, #tpu.memory_space<hbm>>
        %dma_wait3A_732 = arith.constant 0 : i32
        %dma_wait3A_733 = tpu.memref_slice %arg8[%dma_wait3A_727, %dma_wait3A_732] : memref<5x40xi32, #tpu.memory_space<vmem>> -> memref<1x40xi32, #tpu.memory_space<vmem>>
        %dma_wait3A_734 = tpu.memref_squeeze %dma_wait3A_733 : memref<1x40xi32, #tpu.memory_space<vmem>> -> memref<40xi32, #tpu.memory_space<vmem>>
        %dma_wait3A_735 = tpu.memref_slice %arg3[%mul3A_2] : memref<640000xi32, #tpu.memory_space<hbm>> -> memref<40xi32, #tpu.memory_space<hbm>>
        tpu.wait_dma2 semaphore(%arg15 : memref<!tpu.dma_semaphore, #tpu.memory_space<semaphore_mem>>) src(%dma_wait3A_735 : memref<40xi32, #tpu.memory_space<hbm>>) dst(%dma_wait3A_734 : memref<40xi32, #tpu.memory_space<vmem>>)
        %dma_wait3A_736 = arith.constant 4 : i32
        %dma_wait3A_737 = arith.constant 0 : i32
        %dma_wait3A_738 = tpu.memref_slice %arg22[%dma_wait3A_736, %dma_wait3A_737] : memref<5x40xi32, #tpu.memory_space<vmem>> -> memref<1x40xi32, #tpu.memory_space<vmem>>
        %dma_wait3A_739 = tpu.memref_squeeze %dma_wait3A_738 : memref<1x40xi32, #tpu.memory_space<vmem>> -> memref<40xi32, #tpu.memory_space<vmem>>
        %dma_wait3A_740 = tpu.memref_slice %arg3[%mul3A_2] : memref<640000xi32, #tpu.memory_space<hbm>> -> memref<40xi32, #tpu.memory_space<hbm>>
        %dma_wait3A_741 = arith.constant 0 : i32
        %dma_wait3A_742 = tpu.memref_slice %arg22[%dma_wait3A_736, %dma_wait3A_741] : memref<5x40xi32, #tpu.memory_space<vmem>> -> memref<1x40xi32, #tpu.memory_space<vmem>>
        %dma_wait3A_743 = tpu.memref_squeeze %dma_wait3A_742 : memref<1x40xi32, #tpu.memory_space<vmem>> -> memref<40xi32, #tpu.memory_space<vmem>>
        %dma_wait3A_744 = tpu.memref_slice %arg3[%mul3A_2] : memref<640000xi32, #tpu.memory_space<hbm>> -> memref<40xi32, #tpu.memory_space<hbm>>
        tpu.wait_dma2 semaphore(%arg15 : memref<!tpu.dma_semaphore, #tpu.memory_space<semaphore_mem>>) src(%dma_wait3A_744 : memref<40xi32, #tpu.memory_space<hbm>>) dst(%dma_wait3A_743 : memref<40xi32, #tpu.memory_space<vmem>>)
        %dma_wait3A_745 = arith.constant 4 : i32
        %dma_wait3A_746 = arith.constant 0 : i32
        %dma_wait3A_747 = tpu.memref_slice %arg8[%dma_wait3A_745, %dma_wait3A_746] : memref<5x40xi32, #tpu.memory_space<vmem>> -> memref<1x40xi32, #tpu.memory_space<vmem>>
        %dma_wait3A_748 = tpu.memref_squeeze %dma_wait3A_747 : memref<1x40xi32, #tpu.memory_space<vmem>> -> memref<40xi32, #tpu.memory_space<vmem>>
        %dma_wait3A_749 = tpu.memref_slice %arg3[%mul3A_2] : memref<640000xi32, #tpu.memory_space<hbm>> -> memref<40xi32, #tpu.memory_space<hbm>>
        %dma_wait3A_750 = arith.constant 0 : i32
        %dma_wait3A_751 = tpu.memref_slice %arg8[%dma_wait3A_745, %dma_wait3A_750] : memref<5x40xi32, #tpu.memory_space<vmem>> -> memref<1x40xi32, #tpu.memory_space<vmem>>
        %dma_wait3A_752 = tpu.memref_squeeze %dma_wait3A_751 : memref<1x40xi32, #tpu.memory_space<vmem>> -> memref<40xi32, #tpu.memory_space<vmem>>
        %dma_wait3A_753 = tpu.memref_slice %arg3[%mul3A_2] : memref<640000xi32, #tpu.memory_space<hbm>> -> memref<40xi32, #tpu.memory_space<hbm>>
        tpu.wait_dma2 semaphore(%arg15 : memref<!tpu.dma_semaphore, #tpu.memory_space<semaphore_mem>>) src(%dma_wait3A_753 : memref<40xi32, #tpu.memory_space<hbm>>) dst(%dma_wait3A_752 : memref<40xi32, #tpu.memory_space<vmem>>)
      } else {
      }
      %dma_wait3A_455 = arith.constant 0 : i32
      %dma_wait3A_456 = arith.constant 0 : i32
      %dma_wait3A_457 = tpu.memref_slice %arg7[%dma_wait3A_455, %dma_wait3A_456] : memref<5x40xi32, #tpu.memory_space<vmem>> -> memref<1x40xi32, #tpu.memory_space<vmem>>
      %dma_wait3A_458 = tpu.memref_squeeze %dma_wait3A_457 : memref<1x40xi32, #tpu.memory_space<vmem>> -> memref<40xi32, #tpu.memory_space<vmem>>
      %dma_wait3A_459 = arith.constant 0 : i32
      %dma_wait3A_460 = arith.constant 0 : i32
      %dma_wait3A_461 = tpu.memref_slice %arg6[%dma_wait3A_459, %dma_wait3A_460] : memref<10240x128xf32, #tpu.memory_space<vmem_shared>> -> memref<10240x128xf32, #tpu.memory_space<vmem_shared>>
      tpu.wait_indirect_dma semaphore(%arg23 : memref<!tpu.dma_semaphore, #tpu.memory_space<semaphore_mem>>) src(%arg16 : memref<40x128xf32, #tpu.memory_space<vmem>>) dst(%dma_wait3A_461 : memref<10240x128xf32, #tpu.memory_space<vmem_shared>>)
      %lt3A_462 = arith.constant 49 : i32
      %lt3A_463 = arith.cmpi slt, %add3A_382, %lt3A_462 : i32
      %convert_element_type3A_464 = arith.extui %lt3A_463 : i1 to i32
      %cond3A_465 = arith.constant 0 : i32
      %cond3A_466 = arith.cmpi ne, %convert_element_type3A_464, %cond3A_465 : i32
      scf.if %cond3A_466 {
        %dma_start3A_664 = arith.constant 0 : i32
        %dma_start3A_665 = arith.constant 0 : i32
        %dma_start3A_666 = tpu.memref_slice %arg22[%dma_start3A_664, %dma_start3A_665] : memref<5x40xi32, #tpu.memory_space<vmem>> -> memref<1x40xi32, #tpu.memory_space<vmem>>
        %dma_start3A_667 = tpu.memref_squeeze %dma_start3A_666 : memref<1x40xi32, #tpu.memory_space<vmem>> -> memref<40xi32, #tpu.memory_space<vmem>>
        %dma_start3A_668 = arith.constant 0 : i32
        %dma_start3A_669 = arith.constant 0 : i32
        %dma_start3A_670 = tpu.memref_slice %arg2[%dma_start3A_668, %dma_start3A_669] : memref<10000x128xf32, #tpu.memory_space<hbm>> -> memref<10000x128xf32, #tpu.memory_space<hbm>>
        tpu.enqueue_indirect_dma source(%dma_start3A_670 : memref<10000x128xf32, #tpu.memory_space<hbm>>) target(%arg16 : memref<40x128xf32, #tpu.memory_space<vmem>>) offsets(%dma_start3A_667 : memref<40xi32, #tpu.memory_space<vmem>>) semaphore(%arg9 : memref<!tpu.dma_semaphore, #tpu.memory_space<semaphore_mem>>)
      } else {
      }
      %dma_wait3A_467 = arith.constant 1 : i32
      %dma_wait3A_468 = arith.constant 0 : i32
      %dma_wait3A_469 = tpu.memref_slice %arg7[%dma_wait3A_467, %dma_wait3A_468] : memref<5x40xi32, #tpu.memory_space<vmem>> -> memref<1x40xi32, #tpu.memory_space<vmem>>
      %dma_wait3A_470 = tpu.memref_squeeze %dma_wait3A_469 : memref<1x40xi32, #tpu.memory_space<vmem>> -> memref<40xi32, #tpu.memory_space<vmem>>
      %dma_wait3A_471 = arith.constant 0 : i32
      %dma_wait3A_472 = arith.constant 0 : i32
      %dma_wait3A_473 = tpu.memref_slice %arg6[%dma_wait3A_471, %dma_wait3A_472] : memref<10240x128xf32, #tpu.memory_space<vmem_shared>> -> memref<10240x128xf32, #tpu.memory_space<vmem_shared>>
      tpu.wait_indirect_dma semaphore(%arg24 : memref<!tpu.dma_semaphore, #tpu.memory_space<semaphore_mem>>) src(%arg17 : memref<40x128xf32, #tpu.memory_space<vmem>>) dst(%dma_wait3A_473 : memref<10240x128xf32, #tpu.memory_space<vmem_shared>>)
      %lt3A_474 = arith.constant 49 : i32
      %lt3A_475 = arith.cmpi slt, %add3A_382, %lt3A_474 : i32
      %convert_element_type3A_476 = arith.extui %lt3A_475 : i1 to i32
      %cond3A_477 = arith.constant 0 : i32
      %cond3A_478 = arith.cmpi ne, %convert_element_type3A_476, %cond3A_477 : i32
      scf.if %cond3A_478 {
        %dma_start3A_664 = arith.constant 1 : i32
        %dma_start3A_665 = arith.constant 0 : i32
        %dma_start3A_666 = tpu.memref_slice %arg22[%dma_start3A_664, %dma_start3A_665] : memref<5x40xi32, #tpu.memory_space<vmem>> -> memref<1x40xi32, #tpu.memory_space<vmem>>
        %dma_start3A_667 = tpu.memref_squeeze %dma_start3A_666 : memref<1x40xi32, #tpu.memory_space<vmem>> -> memref<40xi32, #tpu.memory_space<vmem>>
        %dma_start3A_668 = arith.constant 0 : i32
        %dma_start3A_669 = arith.constant 0 : i32
        %dma_start3A_670 = tpu.memref_slice %arg2[%dma_start3A_668, %dma_start3A_669] : memref<10000x128xf32, #tpu.memory_space<hbm>> -> memref<10000x128xf32, #tpu.memory_space<hbm>>
        tpu.enqueue_indirect_dma source(%dma_start3A_670 : memref<10000x128xf32, #tpu.memory_space<hbm>>) target(%arg17 : memref<40x128xf32, #tpu.memory_space<vmem>>) offsets(%dma_start3A_667 : memref<40xi32, #tpu.memory_space<vmem>>) semaphore(%arg10 : memref<!tpu.dma_semaphore, #tpu.memory_space<semaphore_mem>>)
      } else {
      }
      %dma_wait3A_479 = arith.constant 2 : i32
      %dma_wait3A_480 = arith.constant 0 : i32
      %dma_wait3A_481 = tpu.memref_slice %arg7[%dma_wait3A_479, %dma_wait3A_480] : memref<5x40xi32, #tpu.memory_space<vmem>> -> memref<1x40xi32, #tpu.memory_space<vmem>>
      %dma_wait3A_482 = tpu.memref_squeeze %dma_wait3A_481 : memref<1x40xi32, #tpu.memory_space<vmem>> -> memref<40xi32, #tpu.memory_space<vmem>>
      %dma_wait3A_483 = arith.constant 0 : i32
      %dma_wait3A_484 = arith.constant 0 : i32
      %dma_wait3A_485 = tpu.memref_slice %arg6[%dma_wait3A_483, %dma_wait3A_484] : memref<10240x128xf32, #tpu.memory_space<vmem_shared>> -> memref<10240x128xf32, #tpu.memory_space<vmem_shared>>
      tpu.wait_indirect_dma semaphore(%arg25 : memref<!tpu.dma_semaphore, #tpu.memory_space<semaphore_mem>>) src(%arg18 : memref<40x128xf32, #tpu.memory_space<vmem>>) dst(%dma_wait3A_485 : memref<10240x128xf32, #tpu.memory_space<vmem_shared>>)
      %lt3A_486 = arith.constant 49 : i32
      %lt3A_487 = arith.cmpi slt, %add3A_382, %lt3A_486 : i32
      %convert_element_type3A_488 = arith.extui %lt3A_487 : i1 to i32
      %cond3A_489 = arith.constant 0 : i32
      %cond3A_490 = arith.cmpi ne, %convert_element_type3A_488, %cond3A_489 : i32
      scf.if %cond3A_490 {
        %dma_start3A_664 = arith.constant 2 : i32
        %dma_start3A_665 = arith.constant 0 : i32
        %dma_start3A_666 = tpu.memref_slice %arg22[%dma_start3A_664, %dma_start3A_665] : memref<5x40xi32, #tpu.memory_space<vmem>> -> memref<1x40xi32, #tpu.memory_space<vmem>>
        %dma_start3A_667 = tpu.memref_squeeze %dma_start3A_666 : memref<1x40xi32, #tpu.memory_space<vmem>> -> memref<40xi32, #tpu.memory_space<vmem>>
        %dma_start3A_668 = arith.constant 0 : i32
        %dma_start3A_669 = arith.constant 0 : i32
        %dma_start3A_670 = tpu.memref_slice %arg2[%dma_start3A_668, %dma_start3A_669] : memref<10000x128xf32, #tpu.memory_space<hbm>> -> memref<10000x128xf32, #tpu.memory_space<hbm>>
        tpu.enqueue_indirect_dma source(%dma_start3A_670 : memref<10000x128xf32, #tpu.memory_space<hbm>>) target(%arg18 : memref<40x128xf32, #tpu.memory_space<vmem>>) offsets(%dma_start3A_667 : memref<40xi32, #tpu.memory_space<vmem>>) semaphore(%arg11 : memref<!tpu.dma_semaphore, #tpu.memory_space<semaphore_mem>>)
      } else {
      }
      %dma_wait3A_491 = arith.constant 3 : i32
      %dma_wait3A_492 = arith.constant 0 : i32
      %dma_wait3A_493 = tpu.memref_slice %arg7[%dma_wait3A_491, %dma_wait3A_492] : memref<5x40xi32, #tpu.memory_space<vmem>> -> memref<1x40xi32, #tpu.memory_space<vmem>>
      %dma_wait3A_494 = tpu.memref_squeeze %dma_wait3A_493 : memref<1x40xi32, #tpu.memory_space<vmem>> -> memref<40xi32, #tpu.memory_space<vmem>>
      %dma_wait3A_495 = arith.constant 0 : i32
      %dma_wait3A_496 = arith.constant 0 : i32
      %dma_wait3A_497 = tpu.memref_slice %arg6[%dma_wait3A_495, %dma_wait3A_496] : memref<10240x128xf32, #tpu.memory_space<vmem_shared>> -> memref<10240x128xf32, #tpu.memory_space<vmem_shared>>
      tpu.wait_indirect_dma semaphore(%arg26 : memref<!tpu.dma_semaphore, #tpu.memory_space<semaphore_mem>>) src(%arg19 : memref<40x128xf32, #tpu.memory_space<vmem>>) dst(%dma_wait3A_497 : memref<10240x128xf32, #tpu.memory_space<vmem_shared>>)
      %lt3A_498 = arith.constant 49 : i32
      %lt3A_499 = arith.cmpi slt, %add3A_382, %lt3A_498 : i32
      %convert_element_type3A_500 = arith.extui %lt3A_499 : i1 to i32
      %cond3A_501 = arith.constant 0 : i32
      %cond3A_502 = arith.cmpi ne, %convert_element_type3A_500, %cond3A_501 : i32
      scf.if %cond3A_502 {
        %dma_start3A_664 = arith.constant 3 : i32
        %dma_start3A_665 = arith.constant 0 : i32
        %dma_start3A_666 = tpu.memref_slice %arg22[%dma_start3A_664, %dma_start3A_665] : memref<5x40xi32, #tpu.memory_space<vmem>> -> memref<1x40xi32, #tpu.memory_space<vmem>>
        %dma_start3A_667 = tpu.memref_squeeze %dma_start3A_666 : memref<1x40xi32, #tpu.memory_space<vmem>> -> memref<40xi32, #tpu.memory_space<vmem>>
        %dma_start3A_668 = arith.constant 0 : i32
        %dma_start3A_669 = arith.constant 0 : i32
        %dma_start3A_670 = tpu.memref_slice %arg2[%dma_start3A_668, %dma_start3A_669] : memref<10000x128xf32, #tpu.memory_space<hbm>> -> memref<10000x128xf32, #tpu.memory_space<hbm>>
        tpu.enqueue_indirect_dma source(%dma_start3A_670 : memref<10000x128xf32, #tpu.memory_space<hbm>>) target(%arg19 : memref<40x128xf32, #tpu.memory_space<vmem>>) offsets(%dma_start3A_667 : memref<40xi32, #tpu.memory_space<vmem>>) semaphore(%arg12 : memref<!tpu.dma_semaphore, #tpu.memory_space<semaphore_mem>>)
      } else {
      }
      %dma_wait3A_503 = arith.constant 4 : i32
      %dma_wait3A_504 = arith.constant 0 : i32
      %dma_wait3A_505 = tpu.memref_slice %arg7[%dma_wait3A_503, %dma_wait3A_504] : memref<5x40xi32, #tpu.memory_space<vmem>> -> memref<1x40xi32, #tpu.memory_space<vmem>>
      %dma_wait3A_506 = tpu.memref_squeeze %dma_wait3A_505 : memref<1x40xi32, #tpu.memory_space<vmem>> -> memref<40xi32, #tpu.memory_space<vmem>>
      %dma_wait3A_507 = arith.constant 0 : i32
      %dma_wait3A_508 = arith.constant 0 : i32
      %dma_wait3A_509 = tpu.memref_slice %arg6[%dma_wait3A_507, %dma_wait3A_508] : memref<10240x128xf32, #tpu.memory_space<vmem_shared>> -> memref<10240x128xf32, #tpu.memory_space<vmem_shared>>
      tpu.wait_indirect_dma semaphore(%arg27 : memref<!tpu.dma_semaphore, #tpu.memory_space<semaphore_mem>>) src(%arg20 : memref<40x128xf32, #tpu.memory_space<vmem>>) dst(%dma_wait3A_509 : memref<10240x128xf32, #tpu.memory_space<vmem_shared>>)
      %lt3A_510 = arith.constant 49 : i32
      %lt3A_511 = arith.cmpi slt, %add3A_382, %lt3A_510 : i32
      %convert_element_type3A_512 = arith.extui %lt3A_511 : i1 to i32
      %cond3A_513 = arith.constant 0 : i32
      %cond3A_514 = arith.cmpi ne, %convert_element_type3A_512, %cond3A_513 : i32
      scf.if %cond3A_514 {
        %dma_start3A_664 = arith.constant 4 : i32
        %dma_start3A_665 = arith.constant 0 : i32
        %dma_start3A_666 = tpu.memref_slice %arg22[%dma_start3A_664, %dma_start3A_665] : memref<5x40xi32, #tpu.memory_space<vmem>> -> memref<1x40xi32, #tpu.memory_space<vmem>>
        %dma_start3A_667 = tpu.memref_squeeze %dma_start3A_666 : memref<1x40xi32, #tpu.memory_space<vmem>> -> memref<40xi32, #tpu.memory_space<vmem>>
        %dma_start3A_668 = arith.constant 0 : i32
        %dma_start3A_669 = arith.constant 0 : i32
        %dma_start3A_670 = tpu.memref_slice %arg2[%dma_start3A_668, %dma_start3A_669] : memref<10000x128xf32, #tpu.memory_space<hbm>> -> memref<10000x128xf32, #tpu.memory_space<hbm>>
        tpu.enqueue_indirect_dma source(%dma_start3A_670 : memref<10000x128xf32, #tpu.memory_space<hbm>>) target(%arg20 : memref<40x128xf32, #tpu.memory_space<vmem>>) offsets(%dma_start3A_667 : memref<40xi32, #tpu.memory_space<vmem>>) semaphore(%arg13 : memref<!tpu.dma_semaphore, #tpu.memory_space<semaphore_mem>>)
      } else {
      }
      %lt3A_515 = arith.constant 48 : i32
      %lt3A_516 = arith.cmpi slt, %add3A_382, %lt3A_515 : i32
      %convert_element_type3A_517 = arith.extui %lt3A_516 : i1 to i32
      %cond3A_518 = arith.constant 0 : i32
      %cond3A_519 = arith.cmpi ne, %convert_element_type3A_517, %cond3A_518 : i32
      scf.if %cond3A_519 {
        %add3A_664 = arith.constant 2 : i32
        %add3A_665 = arith.addi %add3A_382, %add3A_664 : i32
        %mul3A_666 = arith.constant 200 : i32
        %mul3A_667 = arith.muli %add3A_665, %mul3A_666 : i32
        %add3A_668 = arith.addi %mul3A_2, %mul3A_667 : i32
        %add3A_669 = arith.constant 0 : i32
        %add3A_670 = arith.addi %add3A_668, %add3A_669 : i32
        %dma_start3A_671 = arith.constant 0 : i32
        %dma_start3A_672 = arith.constant 0 : i32
        %dma_start3A_673 = tpu.memref_slice %arg21[%dma_start3A_671, %dma_start3A_672] : memref<5x40xi32, #tpu.memory_space<vmem>> -> memref<1x40xi32, #tpu.memory_space<vmem>>
        %dma_start3A_674 = tpu.memref_squeeze %dma_start3A_673 : memref<1x40xi32, #tpu.memory_space<vmem>> -> memref<40xi32, #tpu.memory_space<vmem>>
        %dma_start3A_675 = tpu.memref_slice %arg3[%add3A_670] : memref<640000xi32, #tpu.memory_space<hbm>> -> memref<40xi32, #tpu.memory_space<hbm>>
        %dma_start3A_676 = arith.constant 0 : i32
        %dma_start3A_677 = tpu.memref_slice %arg21[%dma_start3A_671, %dma_start3A_676] : memref<5x40xi32, #tpu.memory_space<vmem>> -> memref<1x40xi32, #tpu.memory_space<vmem>>
        %dma_start3A_678 = tpu.memref_squeeze %dma_start3A_677 : memref<1x40xi32, #tpu.memory_space<vmem>> -> memref<40xi32, #tpu.memory_space<vmem>>
        %dma_start3A_679 = tpu.memref_slice %arg3[%add3A_670] : memref<640000xi32, #tpu.memory_space<hbm>> -> memref<40xi32, #tpu.memory_space<hbm>>
        tpu.enqueue_dma source(%dma_start3A_679 : memref<40xi32, #tpu.memory_space<hbm>>) target(%dma_start3A_678 : memref<40xi32, #tpu.memory_space<vmem>>) target_semaphore(%arg14 : memref<!tpu.dma_semaphore, #tpu.memory_space<semaphore_mem>>)
        %add3A_680 = arith.constant 320000 : i32
        %add3A_681 = arith.addi %add3A_680, %add3A_670 : i32
        %dma_start3A_682 = arith.constant 0 : i32
        %dma_start3A_683 = arith.constant 0 : i32
        %dma_start3A_684 = tpu.memref_slice %arg7[%dma_start3A_682, %dma_start3A_683] : memref<5x40xi32, #tpu.memory_space<vmem>> -> memref<1x40xi32, #tpu.memory_space<vmem>>
        %dma_start3A_685 = tpu.memref_squeeze %dma_start3A_684 : memref<1x40xi32, #tpu.memory_space<vmem>> -> memref<40xi32, #tpu.memory_space<vmem>>
        %dma_start3A_686 = tpu.memref_slice %arg3[%add3A_681] : memref<640000xi32, #tpu.memory_space<hbm>> -> memref<40xi32, #tpu.memory_space<hbm>>
        %dma_start3A_687 = arith.constant 0 : i32
        %dma_start3A_688 = tpu.memref_slice %arg7[%dma_start3A_682, %dma_start3A_687] : memref<5x40xi32, #tpu.memory_space<vmem>> -> memref<1x40xi32, #tpu.memory_space<vmem>>
        %dma_start3A_689 = tpu.memref_squeeze %dma_start3A_688 : memref<1x40xi32, #tpu.memory_space<vmem>> -> memref<40xi32, #tpu.memory_space<vmem>>
        %dma_start3A_690 = tpu.memref_slice %arg3[%add3A_681] : memref<640000xi32, #tpu.memory_space<hbm>> -> memref<40xi32, #tpu.memory_space<hbm>>
        tpu.enqueue_dma source(%dma_start3A_690 : memref<40xi32, #tpu.memory_space<hbm>>) target(%dma_start3A_689 : memref<40xi32, #tpu.memory_space<vmem>>) target_semaphore(%arg14 : memref<!tpu.dma_semaphore, #tpu.memory_space<semaphore_mem>>)
        %mul3A_691 = arith.constant 200 : i32
        %mul3A_692 = arith.muli %add3A_665, %mul3A_691 : i32
        %add3A_693 = arith.addi %mul3A_2, %mul3A_692 : i32
        %add3A_694 = arith.constant 40 : i32
        %add3A_695 = arith.addi %add3A_693, %add3A_694 : i32
        %dma_start3A_696 = arith.constant 1 : i32
        %dma_start3A_697 = arith.constant 0 : i32
        %dma_start3A_698 = tpu.memref_slice %arg21[%dma_start3A_696, %dma_start3A_697] : memref<5x40xi32, #tpu.memory_space<vmem>> -> memref<1x40xi32, #tpu.memory_space<vmem>>
        %dma_start3A_699 = tpu.memref_squeeze %dma_start3A_698 : memref<1x40xi32, #tpu.memory_space<vmem>> -> memref<40xi32, #tpu.memory_space<vmem>>
        %dma_start3A_700 = tpu.memref_slice %arg3[%add3A_695] : memref<640000xi32, #tpu.memory_space<hbm>> -> memref<40xi32, #tpu.memory_space<hbm>>
        %dma_start3A_701 = arith.constant 0 : i32
        %dma_start3A_702 = tpu.memref_slice %arg21[%dma_start3A_696, %dma_start3A_701] : memref<5x40xi32, #tpu.memory_space<vmem>> -> memref<1x40xi32, #tpu.memory_space<vmem>>
        %dma_start3A_703 = tpu.memref_squeeze %dma_start3A_702 : memref<1x40xi32, #tpu.memory_space<vmem>> -> memref<40xi32, #tpu.memory_space<vmem>>
        %dma_start3A_704 = tpu.memref_slice %arg3[%add3A_695] : memref<640000xi32, #tpu.memory_space<hbm>> -> memref<40xi32, #tpu.memory_space<hbm>>
        tpu.enqueue_dma source(%dma_start3A_704 : memref<40xi32, #tpu.memory_space<hbm>>) target(%dma_start3A_703 : memref<40xi32, #tpu.memory_space<vmem>>) target_semaphore(%arg14 : memref<!tpu.dma_semaphore, #tpu.memory_space<semaphore_mem>>)
        %add3A_705 = arith.constant 320000 : i32
        %add3A_706 = arith.addi %add3A_705, %add3A_695 : i32
        %dma_start3A_707 = arith.constant 1 : i32
        %dma_start3A_708 = arith.constant 0 : i32
        %dma_start3A_709 = tpu.memref_slice %arg7[%dma_start3A_707, %dma_start3A_708] : memref<5x40xi32, #tpu.memory_space<vmem>> -> memref<1x40xi32, #tpu.memory_space<vmem>>
        %dma_start3A_710 = tpu.memref_squeeze %dma_start3A_709 : memref<1x40xi32, #tpu.memory_space<vmem>> -> memref<40xi32, #tpu.memory_space<vmem>>
        %dma_start3A_711 = tpu.memref_slice %arg3[%add3A_706] : memref<640000xi32, #tpu.memory_space<hbm>> -> memref<40xi32, #tpu.memory_space<hbm>>
        %dma_start3A_712 = arith.constant 0 : i32
        %dma_start3A_713 = tpu.memref_slice %arg7[%dma_start3A_707, %dma_start3A_712] : memref<5x40xi32, #tpu.memory_space<vmem>> -> memref<1x40xi32, #tpu.memory_space<vmem>>
        %dma_start3A_714 = tpu.memref_squeeze %dma_start3A_713 : memref<1x40xi32, #tpu.memory_space<vmem>> -> memref<40xi32, #tpu.memory_space<vmem>>
        %dma_start3A_715 = tpu.memref_slice %arg3[%add3A_706] : memref<640000xi32, #tpu.memory_space<hbm>> -> memref<40xi32, #tpu.memory_space<hbm>>
        tpu.enqueue_dma source(%dma_start3A_715 : memref<40xi32, #tpu.memory_space<hbm>>) target(%dma_start3A_714 : memref<40xi32, #tpu.memory_space<vmem>>) target_semaphore(%arg14 : memref<!tpu.dma_semaphore, #tpu.memory_space<semaphore_mem>>)
        %mul3A_716 = arith.constant 200 : i32
        %mul3A_717 = arith.muli %add3A_665, %mul3A_716 : i32
        %add3A_718 = arith.addi %mul3A_2, %mul3A_717 : i32
        %add3A_719 = arith.constant 80 : i32
        %add3A_720 = arith.addi %add3A_718, %add3A_719 : i32
        %dma_start3A_721 = arith.constant 2 : i32
        %dma_start3A_722 = arith.constant 0 : i32
        %dma_start3A_723 = tpu.memref_slice %arg21[%dma_start3A_721, %dma_start3A_722] : memref<5x40xi32, #tpu.memory_space<vmem>> -> memref<1x40xi32, #tpu.memory_space<vmem>>
        %dma_start3A_724 = tpu.memref_squeeze %dma_start3A_723 : memref<1x40xi32, #tpu.memory_space<vmem>> -> memref<40xi32, #tpu.memory_space<vmem>>
        %dma_start3A_725 = tpu.memref_slice %arg3[%add3A_720] : memref<640000xi32, #tpu.memory_space<hbm>> -> memref<40xi32, #tpu.memory_space<hbm>>
        %dma_start3A_726 = arith.constant 0 : i32
        %dma_start3A_727 = tpu.memref_slice %arg21[%dma_start3A_721, %dma_start3A_726] : memref<5x40xi32, #tpu.memory_space<vmem>> -> memref<1x40xi32, #tpu.memory_space<vmem>>
        %dma_start3A_728 = tpu.memref_squeeze %dma_start3A_727 : memref<1x40xi32, #tpu.memory_space<vmem>> -> memref<40xi32, #tpu.memory_space<vmem>>
        %dma_start3A_729 = tpu.memref_slice %arg3[%add3A_720] : memref<640000xi32, #tpu.memory_space<hbm>> -> memref<40xi32, #tpu.memory_space<hbm>>
        tpu.enqueue_dma source(%dma_start3A_729 : memref<40xi32, #tpu.memory_space<hbm>>) target(%dma_start3A_728 : memref<40xi32, #tpu.memory_space<vmem>>) target_semaphore(%arg14 : memref<!tpu.dma_semaphore, #tpu.memory_space<semaphore_mem>>)
        %add3A_730 = arith.constant 320000 : i32
        %add3A_731 = arith.addi %add3A_730, %add3A_720 : i32
        %dma_start3A_732 = arith.constant 2 : i32
        %dma_start3A_733 = arith.constant 0 : i32
        %dma_start3A_734 = tpu.memref_slice %arg7[%dma_start3A_732, %dma_start3A_733] : memref<5x40xi32, #tpu.memory_space<vmem>> -> memref<1x40xi32, #tpu.memory_space<vmem>>
        %dma_start3A_735 = tpu.memref_squeeze %dma_start3A_734 : memref<1x40xi32, #tpu.memory_space<vmem>> -> memref<40xi32, #tpu.memory_space<vmem>>
        %dma_start3A_736 = tpu.memref_slice %arg3[%add3A_731] : memref<640000xi32, #tpu.memory_space<hbm>> -> memref<40xi32, #tpu.memory_space<hbm>>
        %dma_start3A_737 = arith.constant 0 : i32
        %dma_start3A_738 = tpu.memref_slice %arg7[%dma_start3A_732, %dma_start3A_737] : memref<5x40xi32, #tpu.memory_space<vmem>> -> memref<1x40xi32, #tpu.memory_space<vmem>>
        %dma_start3A_739 = tpu.memref_squeeze %dma_start3A_738 : memref<1x40xi32, #tpu.memory_space<vmem>> -> memref<40xi32, #tpu.memory_space<vmem>>
        %dma_start3A_740 = tpu.memref_slice %arg3[%add3A_731] : memref<640000xi32, #tpu.memory_space<hbm>> -> memref<40xi32, #tpu.memory_space<hbm>>
        tpu.enqueue_dma source(%dma_start3A_740 : memref<40xi32, #tpu.memory_space<hbm>>) target(%dma_start3A_739 : memref<40xi32, #tpu.memory_space<vmem>>) target_semaphore(%arg14 : memref<!tpu.dma_semaphore, #tpu.memory_space<semaphore_mem>>)
        %mul3A_741 = arith.constant 200 : i32
        %mul3A_742 = arith.muli %add3A_665, %mul3A_741 : i32
        %add3A_743 = arith.addi %mul3A_2, %mul3A_742 : i32
        %add3A_744 = arith.constant 120 : i32
        %add3A_745 = arith.addi %add3A_743, %add3A_744 : i32
        %dma_start3A_746 = arith.constant 3 : i32
        %dma_start3A_747 = arith.constant 0 : i32
        %dma_start3A_748 = tpu.memref_slice %arg21[%dma_start3A_746, %dma_start3A_747] : memref<5x40xi32, #tpu.memory_space<vmem>> -> memref<1x40xi32, #tpu.memory_space<vmem>>
        %dma_start3A_749 = tpu.memref_squeeze %dma_start3A_748 : memref<1x40xi32, #tpu.memory_space<vmem>> -> memref<40xi32, #tpu.memory_space<vmem>>
        %dma_start3A_750 = tpu.memref_slice %arg3[%add3A_745] : memref<640000xi32, #tpu.memory_space<hbm>> -> memref<40xi32, #tpu.memory_space<hbm>>
        %dma_start3A_751 = arith.constant 0 : i32
        %dma_start3A_752 = tpu.memref_slice %arg21[%dma_start3A_746, %dma_start3A_751] : memref<5x40xi32, #tpu.memory_space<vmem>> -> memref<1x40xi32, #tpu.memory_space<vmem>>
        %dma_start3A_753 = tpu.memref_squeeze %dma_start3A_752 : memref<1x40xi32, #tpu.memory_space<vmem>> -> memref<40xi32, #tpu.memory_space<vmem>>
        %dma_start3A_754 = tpu.memref_slice %arg3[%add3A_745] : memref<640000xi32, #tpu.memory_space<hbm>> -> memref<40xi32, #tpu.memory_space<hbm>>
        tpu.enqueue_dma source(%dma_start3A_754 : memref<40xi32, #tpu.memory_space<hbm>>) target(%dma_start3A_753 : memref<40xi32, #tpu.memory_space<vmem>>) target_semaphore(%arg14 : memref<!tpu.dma_semaphore, #tpu.memory_space<semaphore_mem>>)
        %add3A_755 = arith.constant 320000 : i32
        %add3A_756 = arith.addi %add3A_755, %add3A_745 : i32
        %dma_start3A_757 = arith.constant 3 : i32
        %dma_start3A_758 = arith.constant 0 : i32
        %dma_start3A_759 = tpu.memref_slice %arg7[%dma_start3A_757, %dma_start3A_758] : memref<5x40xi32, #tpu.memory_space<vmem>> -> memref<1x40xi32, #tpu.memory_space<vmem>>
        %dma_start3A_760 = tpu.memref_squeeze %dma_start3A_759 : memref<1x40xi32, #tpu.memory_space<vmem>> -> memref<40xi32, #tpu.memory_space<vmem>>
        %dma_start3A_761 = tpu.memref_slice %arg3[%add3A_756] : memref<640000xi32, #tpu.memory_space<hbm>> -> memref<40xi32, #tpu.memory_space<hbm>>
        %dma_start3A_762 = arith.constant 0 : i32
        %dma_start3A_763 = tpu.memref_slice %arg7[%dma_start3A_757, %dma_start3A_762] : memref<5x40xi32, #tpu.memory_space<vmem>> -> memref<1x40xi32, #tpu.memory_space<vmem>>
        %dma_start3A_764 = tpu.memref_squeeze %dma_start3A_763 : memref<1x40xi32, #tpu.memory_space<vmem>> -> memref<40xi32, #tpu.memory_space<vmem>>
        %dma_start3A_765 = tpu.memref_slice %arg3[%add3A_756] : memref<640000xi32, #tpu.memory_space<hbm>> -> memref<40xi32, #tpu.memory_space<hbm>>
        tpu.enqueue_dma source(%dma_start3A_765 : memref<40xi32, #tpu.memory_space<hbm>>) target(%dma_start3A_764 : memref<40xi32, #tpu.memory_space<vmem>>) target_semaphore(%arg14 : memref<!tpu.dma_semaphore, #tpu.memory_space<semaphore_mem>>)
        %mul3A_766 = arith.constant 200 : i32
        %mul3A_767 = arith.muli %add3A_665, %mul3A_766 : i32
        %add3A_768 = arith.addi %mul3A_2, %mul3A_767 : i32
        %add3A_769 = arith.constant 160 : i32
        %add3A_770 = arith.addi %add3A_768, %add3A_769 : i32
        %dma_start3A_771 = arith.constant 4 : i32
        %dma_start3A_772 = arith.constant 0 : i32
        %dma_start3A_773 = tpu.memref_slice %arg21[%dma_start3A_771, %dma_start3A_772] : memref<5x40xi32, #tpu.memory_space<vmem>> -> memref<1x40xi32, #tpu.memory_space<vmem>>
        %dma_start3A_774 = tpu.memref_squeeze %dma_start3A_773 : memref<1x40xi32, #tpu.memory_space<vmem>> -> memref<40xi32, #tpu.memory_space<vmem>>
        %dma_start3A_775 = tpu.memref_slice %arg3[%add3A_770] : memref<640000xi32, #tpu.memory_space<hbm>> -> memref<40xi32, #tpu.memory_space<hbm>>
        %dma_start3A_776 = arith.constant 0 : i32
        %dma_start3A_777 = tpu.memref_slice %arg21[%dma_start3A_771, %dma_start3A_776] : memref<5x40xi32, #tpu.memory_space<vmem>> -> memref<1x40xi32, #tpu.memory_space<vmem>>
        %dma_start3A_778 = tpu.memref_squeeze %dma_start3A_777 : memref<1x40xi32, #tpu.memory_space<vmem>> -> memref<40xi32, #tpu.memory_space<vmem>>
        %dma_start3A_779 = tpu.memref_slice %arg3[%add3A_770] : memref<640000xi32, #tpu.memory_space<hbm>> -> memref<40xi32, #tpu.memory_space<hbm>>
        tpu.enqueue_dma source(%dma_start3A_779 : memref<40xi32, #tpu.memory_space<hbm>>) target(%dma_start3A_778 : memref<40xi32, #tpu.memory_space<vmem>>) target_semaphore(%arg14 : memref<!tpu.dma_semaphore, #tpu.memory_space<semaphore_mem>>)
        %add3A_780 = arith.constant 320000 : i32
        %add3A_781 = arith.addi %add3A_780, %add3A_770 : i32
        %dma_start3A_782 = arith.constant 4 : i32
        %dma_start3A_783 = arith.constant 0 : i32
        %dma_start3A_784 = tpu.memref_slice %arg7[%dma_start3A_782, %dma_start3A_783] : memref<5x40xi32, #tpu.memory_space<vmem>> -> memref<1x40xi32, #tpu.memory_space<vmem>>
        %dma_start3A_785 = tpu.memref_squeeze %dma_start3A_784 : memref<1x40xi32, #tpu.memory_space<vmem>> -> memref<40xi32, #tpu.memory_space<vmem>>
        %dma_start3A_786 = tpu.memref_slice %arg3[%add3A_781] : memref<640000xi32, #tpu.memory_space<hbm>> -> memref<40xi32, #tpu.memory_space<hbm>>
        %dma_start3A_787 = arith.constant 0 : i32
        %dma_start3A_788 = tpu.memref_slice %arg7[%dma_start3A_782, %dma_start3A_787] : memref<5x40xi32, #tpu.memory_space<vmem>> -> memref<1x40xi32, #tpu.memory_space<vmem>>
        %dma_start3A_789 = tpu.memref_squeeze %dma_start3A_788 : memref<1x40xi32, #tpu.memory_space<vmem>> -> memref<40xi32, #tpu.memory_space<vmem>>
        %dma_start3A_790 = tpu.memref_slice %arg3[%add3A_781] : memref<640000xi32, #tpu.memory_space<hbm>> -> memref<40xi32, #tpu.memory_space<hbm>>
        tpu.enqueue_dma source(%dma_start3A_790 : memref<40xi32, #tpu.memory_space<hbm>>) target(%dma_start3A_789 : memref<40xi32, #tpu.memory_space<vmem>>) target_semaphore(%arg14 : memref<!tpu.dma_semaphore, #tpu.memory_space<semaphore_mem>>)
      } else {
      }
      %mul3A_520 = arith.constant 2 : i32
      %mul3A_521 = arith.muli %mul3A_520, %scan3A_378 : i32
      %add3A_522 = arith.constant 1 : i32
      %add3A_523 = arith.addi %mul3A_521, %add3A_522 : i32
      %dma_wait3A_524 = arith.constant 0 : i32
      %dma_wait3A_525 = arith.constant 0 : i32
      %dma_wait3A_526 = tpu.memref_slice %arg22[%dma_wait3A_524, %dma_wait3A_525] : memref<5x40xi32, #tpu.memory_space<vmem>> -> memref<1x40xi32, #tpu.memory_space<vmem>>
      %dma_wait3A_527 = tpu.memref_squeeze %dma_wait3A_526 : memref<1x40xi32, #tpu.memory_space<vmem>> -> memref<40xi32, #tpu.memory_space<vmem>>
      %dma_wait3A_528 = arith.constant 0 : i32
      %dma_wait3A_529 = arith.constant 0 : i32
      %dma_wait3A_530 = tpu.memref_slice %arg2[%dma_wait3A_528, %dma_wait3A_529] : memref<10000x128xf32, #tpu.memory_space<hbm>> -> memref<10000x128xf32, #tpu.memory_space<hbm>>
      tpu.wait_indirect_dma semaphore(%arg9 : memref<!tpu.dma_semaphore, #tpu.memory_space<semaphore_mem>>) src(%dma_wait3A_530 : memref<10000x128xf32, #tpu.memory_space<hbm>>) dst(%arg16 : memref<40x128xf32, #tpu.memory_space<vmem>>)
      %dma_start3A_531 = arith.constant 0 : i32
      %dma_start3A_532 = arith.constant 0 : i32
      %dma_start3A_533 = tpu.memref_slice %arg8[%dma_start3A_531, %dma_start3A_532] : memref<5x40xi32, #tpu.memory_space<vmem>> -> memref<1x40xi32, #tpu.memory_space<vmem>>
      %dma_start3A_534 = tpu.memref_squeeze %dma_start3A_533 : memref<1x40xi32, #tpu.memory_space<vmem>> -> memref<40xi32, #tpu.memory_space<vmem>>
      %dma_start3A_535 = arith.constant 0 : i32
      %dma_start3A_536 = arith.constant 0 : i32
      %dma_start3A_537 = tpu.memref_slice %arg6[%dma_start3A_535, %dma_start3A_536] : memref<10240x128xf32, #tpu.memory_space<vmem_shared>> -> memref<10240x128xf32, #tpu.memory_space<vmem_shared>>
      tpu.enqueue_indirect_dma source(%arg16 : memref<40x128xf32, #tpu.memory_space<vmem>>) target(%dma_start3A_537 : memref<10240x128xf32, #tpu.memory_space<vmem_shared>>) offsets(%dma_start3A_534 : memref<40xi32, #tpu.memory_space<vmem>>) semaphore(%arg23 : memref<!tpu.dma_semaphore, #tpu.memory_space<semaphore_mem>>) {add = true}
      %dma_wait3A_538 = arith.constant 1 : i32
      %dma_wait3A_539 = arith.constant 0 : i32
      %dma_wait3A_540 = tpu.memref_slice %arg22[%dma_wait3A_538, %dma_wait3A_539] : memref<5x40xi32, #tpu.memory_space<vmem>> -> memref<1x40xi32, #tpu.memory_space<vmem>>
      %dma_wait3A_541 = tpu.memref_squeeze %dma_wait3A_540 : memref<1x40xi32, #tpu.memory_space<vmem>> -> memref<40xi32, #tpu.memory_space<vmem>>
      %dma_wait3A_542 = arith.constant 0 : i32
      %dma_wait3A_543 = arith.constant 0 : i32
      %dma_wait3A_544 = tpu.memref_slice %arg2[%dma_wait3A_542, %dma_wait3A_543] : memref<10000x128xf32, #tpu.memory_space<hbm>> -> memref<10000x128xf32, #tpu.memory_space<hbm>>
      tpu.wait_indirect_dma semaphore(%arg10 : memref<!tpu.dma_semaphore, #tpu.memory_space<semaphore_mem>>) src(%dma_wait3A_544 : memref<10000x128xf32, #tpu.memory_space<hbm>>) dst(%arg17 : memref<40x128xf32, #tpu.memory_space<vmem>>)
      %dma_start3A_545 = arith.constant 1 : i32
      %dma_start3A_546 = arith.constant 0 : i32
      %dma_start3A_547 = tpu.memref_slice %arg8[%dma_start3A_545, %dma_start3A_546] : memref<5x40xi32, #tpu.memory_space<vmem>> -> memref<1x40xi32, #tpu.memory_space<vmem>>
      %dma_start3A_548 = tpu.memref_squeeze %dma_start3A_547 : memref<1x40xi32, #tpu.memory_space<vmem>> -> memref<40xi32, #tpu.memory_space<vmem>>
      %dma_start3A_549 = arith.constant 0 : i32
      %dma_start3A_550 = arith.constant 0 : i32
      %dma_start3A_551 = tpu.memref_slice %arg6[%dma_start3A_549, %dma_start3A_550] : memref<10240x128xf32, #tpu.memory_space<vmem_shared>> -> memref<10240x128xf32, #tpu.memory_space<vmem_shared>>
      tpu.enqueue_indirect_dma source(%arg17 : memref<40x128xf32, #tpu.memory_space<vmem>>) target(%dma_start3A_551 : memref<10240x128xf32, #tpu.memory_space<vmem_shared>>) offsets(%dma_start3A_548 : memref<40xi32, #tpu.memory_space<vmem>>) semaphore(%arg24 : memref<!tpu.dma_semaphore, #tpu.memory_space<semaphore_mem>>) {add = true}
      %dma_wait3A_552 = arith.constant 2 : i32
      %dma_wait3A_553 = arith.constant 0 : i32
      %dma_wait3A_554 = tpu.memref_slice %arg22[%dma_wait3A_552, %dma_wait3A_553] : memref<5x40xi32, #tpu.memory_space<vmem>> -> memref<1x40xi32, #tpu.memory_space<vmem>>
      %dma_wait3A_555 = tpu.memref_squeeze %dma_wait3A_554 : memref<1x40xi32, #tpu.memory_space<vmem>> -> memref<40xi32, #tpu.memory_space<vmem>>
      %dma_wait3A_556 = arith.constant 0 : i32
      %dma_wait3A_557 = arith.constant 0 : i32
      %dma_wait3A_558 = tpu.memref_slice %arg2[%dma_wait3A_556, %dma_wait3A_557] : memref<10000x128xf32, #tpu.memory_space<hbm>> -> memref<10000x128xf32, #tpu.memory_space<hbm>>
      tpu.wait_indirect_dma semaphore(%arg11 : memref<!tpu.dma_semaphore, #tpu.memory_space<semaphore_mem>>) src(%dma_wait3A_558 : memref<10000x128xf32, #tpu.memory_space<hbm>>) dst(%arg18 : memref<40x128xf32, #tpu.memory_space<vmem>>)
      %dma_start3A_559 = arith.constant 2 : i32
      %dma_start3A_560 = arith.constant 0 : i32
      %dma_start3A_561 = tpu.memref_slice %arg8[%dma_start3A_559, %dma_start3A_560] : memref<5x40xi32, #tpu.memory_space<vmem>> -> memref<1x40xi32, #tpu.memory_space<vmem>>
      %dma_start3A_562 = tpu.memref_squeeze %dma_start3A_561 : memref<1x40xi32, #tpu.memory_space<vmem>> -> memref<40xi32, #tpu.memory_space<vmem>>
      %dma_start3A_563 = arith.constant 0 : i32
      %dma_start3A_564 = arith.constant 0 : i32
      %dma_start3A_565 = tpu.memref_slice %arg6[%dma_start3A_563, %dma_start3A_564] : memref<10240x128xf32, #tpu.memory_space<vmem_shared>> -> memref<10240x128xf32, #tpu.memory_space<vmem_shared>>
      tpu.enqueue_indirect_dma source(%arg18 : memref<40x128xf32, #tpu.memory_space<vmem>>) target(%dma_start3A_565 : memref<10240x128xf32, #tpu.memory_space<vmem_shared>>) offsets(%dma_start3A_562 : memref<40xi32, #tpu.memory_space<vmem>>) semaphore(%arg25 : memref<!tpu.dma_semaphore, #tpu.memory_space<semaphore_mem>>) {add = true}
      %dma_wait3A_566 = arith.constant 3 : i32
      %dma_wait3A_567 = arith.constant 0 : i32
      %dma_wait3A_568 = tpu.memref_slice %arg22[%dma_wait3A_566, %dma_wait3A_567] : memref<5x40xi32, #tpu.memory_space<vmem>> -> memref<1x40xi32, #tpu.memory_space<vmem>>
      %dma_wait3A_569 = tpu.memref_squeeze %dma_wait3A_568 : memref<1x40xi32, #tpu.memory_space<vmem>> -> memref<40xi32, #tpu.memory_space<vmem>>
      %dma_wait3A_570 = arith.constant 0 : i32
      %dma_wait3A_571 = arith.constant 0 : i32
      %dma_wait3A_572 = tpu.memref_slice %arg2[%dma_wait3A_570, %dma_wait3A_571] : memref<10000x128xf32, #tpu.memory_space<hbm>> -> memref<10000x128xf32, #tpu.memory_space<hbm>>
      tpu.wait_indirect_dma semaphore(%arg12 : memref<!tpu.dma_semaphore, #tpu.memory_space<semaphore_mem>>) src(%dma_wait3A_572 : memref<10000x128xf32, #tpu.memory_space<hbm>>) dst(%arg19 : memref<40x128xf32, #tpu.memory_space<vmem>>)
      %dma_start3A_573 = arith.constant 3 : i32
      %dma_start3A_574 = arith.constant 0 : i32
      %dma_start3A_575 = tpu.memref_slice %arg8[%dma_start3A_573, %dma_start3A_574] : memref<5x40xi32, #tpu.memory_space<vmem>> -> memref<1x40xi32, #tpu.memory_space<vmem>>
      %dma_start3A_576 = tpu.memref_squeeze %dma_start3A_575 : memref<1x40xi32, #tpu.memory_space<vmem>> -> memref<40xi32, #tpu.memory_space<vmem>>
      %dma_start3A_577 = arith.constant 0 : i32
      %dma_start3A_578 = arith.constant 0 : i32
      %dma_start3A_579 = tpu.memref_slice %arg6[%dma_start3A_577, %dma_start3A_578] : memref<10240x128xf32, #tpu.memory_space<vmem_shared>> -> memref<10240x128xf32, #tpu.memory_space<vmem_shared>>
      tpu.enqueue_indirect_dma source(%arg19 : memref<40x128xf32, #tpu.memory_space<vmem>>) target(%dma_start3A_579 : memref<10240x128xf32, #tpu.memory_space<vmem_shared>>) offsets(%dma_start3A_576 : memref<40xi32, #tpu.memory_space<vmem>>) semaphore(%arg26 : memref<!tpu.dma_semaphore, #tpu.memory_space<semaphore_mem>>) {add = true}
      %dma_wait3A_580 = arith.constant 4 : i32
      %dma_wait3A_581 = arith.constant 0 : i32
      %dma_wait3A_582 = tpu.memref_slice %arg22[%dma_wait3A_580, %dma_wait3A_581] : memref<5x40xi32, #tpu.memory_space<vmem>> -> memref<1x40xi32, #tpu.memory_space<vmem>>
      %dma_wait3A_583 = tpu.memref_squeeze %dma_wait3A_582 : memref<1x40xi32, #tpu.memory_space<vmem>> -> memref<40xi32, #tpu.memory_space<vmem>>
      %dma_wait3A_584 = arith.constant 0 : i32
      %dma_wait3A_585 = arith.constant 0 : i32
      %dma_wait3A_586 = tpu.memref_slice %arg2[%dma_wait3A_584, %dma_wait3A_585] : memref<10000x128xf32, #tpu.memory_space<hbm>> -> memref<10000x128xf32, #tpu.memory_space<hbm>>
      tpu.wait_indirect_dma semaphore(%arg13 : memref<!tpu.dma_semaphore, #tpu.memory_space<semaphore_mem>>) src(%dma_wait3A_586 : memref<10000x128xf32, #tpu.memory_space<hbm>>) dst(%arg20 : memref<40x128xf32, #tpu.memory_space<vmem>>)
      %dma_start3A_587 = arith.constant 4 : i32
      %dma_start3A_588 = arith.constant 0 : i32
      %dma_start3A_589 = tpu.memref_slice %arg8[%dma_start3A_587, %dma_start3A_588] : memref<5x40xi32, #tpu.memory_space<vmem>> -> memref<1x40xi32, #tpu.memory_space<vmem>>
      %dma_start3A_590 = tpu.memref_squeeze %dma_start3A_589 : memref<1x40xi32, #tpu.memory_space<vmem>> -> memref<40xi32, #tpu.memory_space<vmem>>
      %dma_start3A_591 = arith.constant 0 : i32
      %dma_start3A_592 = arith.constant 0 : i32
      %dma_start3A_593 = tpu.memref_slice %arg6[%dma_start3A_591, %dma_start3A_592] : memref<10240x128xf32, #tpu.memory_space<vmem_shared>> -> memref<10240x128xf32, #tpu.memory_space<vmem_shared>>
      tpu.enqueue_indirect_dma source(%arg20 : memref<40x128xf32, #tpu.memory_space<vmem>>) target(%dma_start3A_593 : memref<10240x128xf32, #tpu.memory_space<vmem_shared>>) offsets(%dma_start3A_590 : memref<40xi32, #tpu.memory_space<vmem>>) semaphore(%arg27 : memref<!tpu.dma_semaphore, #tpu.memory_space<semaphore_mem>>) {add = true}
      %lt3A_594 = arith.constant 49 : i32
      %lt3A_595 = arith.cmpi slt, %add3A_523, %lt3A_594 : i32
      %convert_element_type3A_596 = arith.extui %lt3A_595 : i1 to i32
      %cond3A_597 = arith.constant 0 : i32
      %cond3A_598 = arith.cmpi ne, %convert_element_type3A_596, %cond3A_597 : i32
      scf.if %cond3A_598 {
        %dma_wait3A_664 = arith.constant 0 : i32
        %dma_wait3A_665 = arith.constant 0 : i32
        %dma_wait3A_666 = tpu.memref_slice %arg21[%dma_wait3A_664, %dma_wait3A_665] : memref<5x40xi32, #tpu.memory_space<vmem>> -> memref<1x40xi32, #tpu.memory_space<vmem>>
        %dma_wait3A_667 = tpu.memref_squeeze %dma_wait3A_666 : memref<1x40xi32, #tpu.memory_space<vmem>> -> memref<40xi32, #tpu.memory_space<vmem>>
        %dma_wait3A_668 = tpu.memref_slice %arg3[%mul3A_2] : memref<640000xi32, #tpu.memory_space<hbm>> -> memref<40xi32, #tpu.memory_space<hbm>>
        %dma_wait3A_669 = arith.constant 0 : i32
        %dma_wait3A_670 = tpu.memref_slice %arg21[%dma_wait3A_664, %dma_wait3A_669] : memref<5x40xi32, #tpu.memory_space<vmem>> -> memref<1x40xi32, #tpu.memory_space<vmem>>
        %dma_wait3A_671 = tpu.memref_squeeze %dma_wait3A_670 : memref<1x40xi32, #tpu.memory_space<vmem>> -> memref<40xi32, #tpu.memory_space<vmem>>
        %dma_wait3A_672 = tpu.memref_slice %arg3[%mul3A_2] : memref<640000xi32, #tpu.memory_space<hbm>> -> memref<40xi32, #tpu.memory_space<hbm>>
        tpu.wait_dma2 semaphore(%arg14 : memref<!tpu.dma_semaphore, #tpu.memory_space<semaphore_mem>>) src(%dma_wait3A_672 : memref<40xi32, #tpu.memory_space<hbm>>) dst(%dma_wait3A_671 : memref<40xi32, #tpu.memory_space<vmem>>)
        %dma_wait3A_673 = arith.constant 0 : i32
        %dma_wait3A_674 = arith.constant 0 : i32
        %dma_wait3A_675 = tpu.memref_slice %arg7[%dma_wait3A_673, %dma_wait3A_674] : memref<5x40xi32, #tpu.memory_space<vmem>> -> memref<1x40xi32, #tpu.memory_space<vmem>>
        %dma_wait3A_676 = tpu.memref_squeeze %dma_wait3A_675 : memref<1x40xi32, #tpu.memory_space<vmem>> -> memref<40xi32, #tpu.memory_space<vmem>>
        %dma_wait3A_677 = tpu.memref_slice %arg3[%mul3A_2] : memref<640000xi32, #tpu.memory_space<hbm>> -> memref<40xi32, #tpu.memory_space<hbm>>
        %dma_wait3A_678 = arith.constant 0 : i32
        %dma_wait3A_679 = tpu.memref_slice %arg7[%dma_wait3A_673, %dma_wait3A_678] : memref<5x40xi32, #tpu.memory_space<vmem>> -> memref<1x40xi32, #tpu.memory_space<vmem>>
        %dma_wait3A_680 = tpu.memref_squeeze %dma_wait3A_679 : memref<1x40xi32, #tpu.memory_space<vmem>> -> memref<40xi32, #tpu.memory_space<vmem>>
        %dma_wait3A_681 = tpu.memref_slice %arg3[%mul3A_2] : memref<640000xi32, #tpu.memory_space<hbm>> -> memref<40xi32, #tpu.memory_space<hbm>>
        tpu.wait_dma2 semaphore(%arg14 : memref<!tpu.dma_semaphore, #tpu.memory_space<semaphore_mem>>) src(%dma_wait3A_681 : memref<40xi32, #tpu.memory_space<hbm>>) dst(%dma_wait3A_680 : memref<40xi32, #tpu.memory_space<vmem>>)
        %dma_wait3A_682 = arith.constant 1 : i32
        %dma_wait3A_683 = arith.constant 0 : i32
        %dma_wait3A_684 = tpu.memref_slice %arg21[%dma_wait3A_682, %dma_wait3A_683] : memref<5x40xi32, #tpu.memory_space<vmem>> -> memref<1x40xi32, #tpu.memory_space<vmem>>
        %dma_wait3A_685 = tpu.memref_squeeze %dma_wait3A_684 : memref<1x40xi32, #tpu.memory_space<vmem>> -> memref<40xi32, #tpu.memory_space<vmem>>
        %dma_wait3A_686 = tpu.memref_slice %arg3[%mul3A_2] : memref<640000xi32, #tpu.memory_space<hbm>> -> memref<40xi32, #tpu.memory_space<hbm>>
        %dma_wait3A_687 = arith.constant 0 : i32
        %dma_wait3A_688 = tpu.memref_slice %arg21[%dma_wait3A_682, %dma_wait3A_687] : memref<5x40xi32, #tpu.memory_space<vmem>> -> memref<1x40xi32, #tpu.memory_space<vmem>>
        %dma_wait3A_689 = tpu.memref_squeeze %dma_wait3A_688 : memref<1x40xi32, #tpu.memory_space<vmem>> -> memref<40xi32, #tpu.memory_space<vmem>>
        %dma_wait3A_690 = tpu.memref_slice %arg3[%mul3A_2] : memref<640000xi32, #tpu.memory_space<hbm>> -> memref<40xi32, #tpu.memory_space<hbm>>
        tpu.wait_dma2 semaphore(%arg14 : memref<!tpu.dma_semaphore, #tpu.memory_space<semaphore_mem>>) src(%dma_wait3A_690 : memref<40xi32, #tpu.memory_space<hbm>>) dst(%dma_wait3A_689 : memref<40xi32, #tpu.memory_space<vmem>>)
        %dma_wait3A_691 = arith.constant 1 : i32
        %dma_wait3A_692 = arith.constant 0 : i32
        %dma_wait3A_693 = tpu.memref_slice %arg7[%dma_wait3A_691, %dma_wait3A_692] : memref<5x40xi32, #tpu.memory_space<vmem>> -> memref<1x40xi32, #tpu.memory_space<vmem>>
        %dma_wait3A_694 = tpu.memref_squeeze %dma_wait3A_693 : memref<1x40xi32, #tpu.memory_space<vmem>> -> memref<40xi32, #tpu.memory_space<vmem>>
        %dma_wait3A_695 = tpu.memref_slice %arg3[%mul3A_2] : memref<640000xi32, #tpu.memory_space<hbm>> -> memref<40xi32, #tpu.memory_space<hbm>>
        %dma_wait3A_696 = arith.constant 0 : i32
        %dma_wait3A_697 = tpu.memref_slice %arg7[%dma_wait3A_691, %dma_wait3A_696] : memref<5x40xi32, #tpu.memory_space<vmem>> -> memref<1x40xi32, #tpu.memory_space<vmem>>
        %dma_wait3A_698 = tpu.memref_squeeze %dma_wait3A_697 : memref<1x40xi32, #tpu.memory_space<vmem>> -> memref<40xi32, #tpu.memory_space<vmem>>
        %dma_wait3A_699 = tpu.memref_slice %arg3[%mul3A_2] : memref<640000xi32, #tpu.memory_space<hbm>> -> memref<40xi32, #tpu.memory_space<hbm>>
        tpu.wait_dma2 semaphore(%arg14 : memref<!tpu.dma_semaphore, #tpu.memory_space<semaphore_mem>>) src(%dma_wait3A_699 : memref<40xi32, #tpu.memory_space<hbm>>) dst(%dma_wait3A_698 : memref<40xi32, #tpu.memory_space<vmem>>)
        %dma_wait3A_700 = arith.constant 2 : i32
        %dma_wait3A_701 = arith.constant 0 : i32
        %dma_wait3A_702 = tpu.memref_slice %arg21[%dma_wait3A_700, %dma_wait3A_701] : memref<5x40xi32, #tpu.memory_space<vmem>> -> memref<1x40xi32, #tpu.memory_space<vmem>>
        %dma_wait3A_703 = tpu.memref_squeeze %dma_wait3A_702 : memref<1x40xi32, #tpu.memory_space<vmem>> -> memref<40xi32, #tpu.memory_space<vmem>>
        %dma_wait3A_704 = tpu.memref_slice %arg3[%mul3A_2] : memref<640000xi32, #tpu.memory_space<hbm>> -> memref<40xi32, #tpu.memory_space<hbm>>
        %dma_wait3A_705 = arith.constant 0 : i32
        %dma_wait3A_706 = tpu.memref_slice %arg21[%dma_wait3A_700, %dma_wait3A_705] : memref<5x40xi32, #tpu.memory_space<vmem>> -> memref<1x40xi32, #tpu.memory_space<vmem>>
        %dma_wait3A_707 = tpu.memref_squeeze %dma_wait3A_706 : memref<1x40xi32, #tpu.memory_space<vmem>> -> memref<40xi32, #tpu.memory_space<vmem>>
        %dma_wait3A_708 = tpu.memref_slice %arg3[%mul3A_2] : memref<640000xi32, #tpu.memory_space<hbm>> -> memref<40xi32, #tpu.memory_space<hbm>>
        tpu.wait_dma2 semaphore(%arg14 : memref<!tpu.dma_semaphore, #tpu.memory_space<semaphore_mem>>) src(%dma_wait3A_708 : memref<40xi32, #tpu.memory_space<hbm>>) dst(%dma_wait3A_707 : memref<40xi32, #tpu.memory_space<vmem>>)
        %dma_wait3A_709 = arith.constant 2 : i32
        %dma_wait3A_710 = arith.constant 0 : i32
        %dma_wait3A_711 = tpu.memref_slice %arg7[%dma_wait3A_709, %dma_wait3A_710] : memref<5x40xi32, #tpu.memory_space<vmem>> -> memref<1x40xi32, #tpu.memory_space<vmem>>
        %dma_wait3A_712 = tpu.memref_squeeze %dma_wait3A_711 : memref<1x40xi32, #tpu.memory_space<vmem>> -> memref<40xi32, #tpu.memory_space<vmem>>
        %dma_wait3A_713 = tpu.memref_slice %arg3[%mul3A_2] : memref<640000xi32, #tpu.memory_space<hbm>> -> memref<40xi32, #tpu.memory_space<hbm>>
        %dma_wait3A_714 = arith.constant 0 : i32
        %dma_wait3A_715 = tpu.memref_slice %arg7[%dma_wait3A_709, %dma_wait3A_714] : memref<5x40xi32, #tpu.memory_space<vmem>> -> memref<1x40xi32, #tpu.memory_space<vmem>>
        %dma_wait3A_716 = tpu.memref_squeeze %dma_wait3A_715 : memref<1x40xi32, #tpu.memory_space<vmem>> -> memref<40xi32, #tpu.memory_space<vmem>>
        %dma_wait3A_717 = tpu.memref_slice %arg3[%mul3A_2] : memref<640000xi32, #tpu.memory_space<hbm>> -> memref<40xi32, #tpu.memory_space<hbm>>
        tpu.wait_dma2 semaphore(%arg14 : memref<!tpu.dma_semaphore, #tpu.memory_space<semaphore_mem>>) src(%dma_wait3A_717 : memref<40xi32, #tpu.memory_space<hbm>>) dst(%dma_wait3A_716 : memref<40xi32, #tpu.memory_space<vmem>>)
        %dma_wait3A_718 = arith.constant 3 : i32
        %dma_wait3A_719 = arith.constant 0 : i32
        %dma_wait3A_720 = tpu.memref_slice %arg21[%dma_wait3A_718, %dma_wait3A_719] : memref<5x40xi32, #tpu.memory_space<vmem>> -> memref<1x40xi32, #tpu.memory_space<vmem>>
        %dma_wait3A_721 = tpu.memref_squeeze %dma_wait3A_720 : memref<1x40xi32, #tpu.memory_space<vmem>> -> memref<40xi32, #tpu.memory_space<vmem>>
        %dma_wait3A_722 = tpu.memref_slice %arg3[%mul3A_2] : memref<640000xi32, #tpu.memory_space<hbm>> -> memref<40xi32, #tpu.memory_space<hbm>>
        %dma_wait3A_723 = arith.constant 0 : i32
        %dma_wait3A_724 = tpu.memref_slice %arg21[%dma_wait3A_718, %dma_wait3A_723] : memref<5x40xi32, #tpu.memory_space<vmem>> -> memref<1x40xi32, #tpu.memory_space<vmem>>
        %dma_wait3A_725 = tpu.memref_squeeze %dma_wait3A_724 : memref<1x40xi32, #tpu.memory_space<vmem>> -> memref<40xi32, #tpu.memory_space<vmem>>
        %dma_wait3A_726 = tpu.memref_slice %arg3[%mul3A_2] : memref<640000xi32, #tpu.memory_space<hbm>> -> memref<40xi32, #tpu.memory_space<hbm>>
        tpu.wait_dma2 semaphore(%arg14 : memref<!tpu.dma_semaphore, #tpu.memory_space<semaphore_mem>>) src(%dma_wait3A_726 : memref<40xi32, #tpu.memory_space<hbm>>) dst(%dma_wait3A_725 : memref<40xi32, #tpu.memory_space<vmem>>)
        %dma_wait3A_727 = arith.constant 3 : i32
        %dma_wait3A_728 = arith.constant 0 : i32
        %dma_wait3A_729 = tpu.memref_slice %arg7[%dma_wait3A_727, %dma_wait3A_728] : memref<5x40xi32, #tpu.memory_space<vmem>> -> memref<1x40xi32, #tpu.memory_space<vmem>>
        %dma_wait3A_730 = tpu.memref_squeeze %dma_wait3A_729 : memref<1x40xi32, #tpu.memory_space<vmem>> -> memref<40xi32, #tpu.memory_space<vmem>>
        %dma_wait3A_731 = tpu.memref_slice %arg3[%mul3A_2] : memref<640000xi32, #tpu.memory_space<hbm>> -> memref<40xi32, #tpu.memory_space<hbm>>
        %dma_wait3A_732 = arith.constant 0 : i32
        %dma_wait3A_733 = tpu.memref_slice %arg7[%dma_wait3A_727, %dma_wait3A_732] : memref<5x40xi32, #tpu.memory_space<vmem>> -> memref<1x40xi32, #tpu.memory_space<vmem>>
        %dma_wait3A_734 = tpu.memref_squeeze %dma_wait3A_733 : memref<1x40xi32, #tpu.memory_space<vmem>> -> memref<40xi32, #tpu.memory_space<vmem>>
        %dma_wait3A_735 = tpu.memref_slice %arg3[%mul3A_2] : memref<640000xi32, #tpu.memory_space<hbm>> -> memref<40xi32, #tpu.memory_space<hbm>>
        tpu.wait_dma2 semaphore(%arg14 : memref<!tpu.dma_semaphore, #tpu.memory_space<semaphore_mem>>) src(%dma_wait3A_735 : memref<40xi32, #tpu.memory_space<hbm>>) dst(%dma_wait3A_734 : memref<40xi32, #tpu.memory_space<vmem>>)
        %dma_wait3A_736 = arith.constant 4 : i32
        %dma_wait3A_737 = arith.constant 0 : i32
        %dma_wait3A_738 = tpu.memref_slice %arg21[%dma_wait3A_736, %dma_wait3A_737] : memref<5x40xi32, #tpu.memory_space<vmem>> -> memref<1x40xi32, #tpu.memory_space<vmem>>
        %dma_wait3A_739 = tpu.memref_squeeze %dma_wait3A_738 : memref<1x40xi32, #tpu.memory_space<vmem>> -> memref<40xi32, #tpu.memory_space<vmem>>
        %dma_wait3A_740 = tpu.memref_slice %arg3[%mul3A_2] : memref<640000xi32, #tpu.memory_space<hbm>> -> memref<40xi32, #tpu.memory_space<hbm>>
        %dma_wait3A_741 = arith.constant 0 : i32
        %dma_wait3A_742 = tpu.memref_slice %arg21[%dma_wait3A_736, %dma_wait3A_741] : memref<5x40xi32, #tpu.memory_space<vmem>> -> memref<1x40xi32, #tpu.memory_space<vmem>>
        %dma_wait3A_743 = tpu.memref_squeeze %dma_wait3A_742 : memref<1x40xi32, #tpu.memory_space<vmem>> -> memref<40xi32, #tpu.memory_space<vmem>>
        %dma_wait3A_744 = tpu.memref_slice %arg3[%mul3A_2] : memref<640000xi32, #tpu.memory_space<hbm>> -> memref<40xi32, #tpu.memory_space<hbm>>
        tpu.wait_dma2 semaphore(%arg14 : memref<!tpu.dma_semaphore, #tpu.memory_space<semaphore_mem>>) src(%dma_wait3A_744 : memref<40xi32, #tpu.memory_space<hbm>>) dst(%dma_wait3A_743 : memref<40xi32, #tpu.memory_space<vmem>>)
        %dma_wait3A_745 = arith.constant 4 : i32
        %dma_wait3A_746 = arith.constant 0 : i32
        %dma_wait3A_747 = tpu.memref_slice %arg7[%dma_wait3A_745, %dma_wait3A_746] : memref<5x40xi32, #tpu.memory_space<vmem>> -> memref<1x40xi32, #tpu.memory_space<vmem>>
        %dma_wait3A_748 = tpu.memref_squeeze %dma_wait3A_747 : memref<1x40xi32, #tpu.memory_space<vmem>> -> memref<40xi32, #tpu.memory_space<vmem>>
        %dma_wait3A_749 = tpu.memref_slice %arg3[%mul3A_2] : memref<640000xi32, #tpu.memory_space<hbm>> -> memref<40xi32, #tpu.memory_space<hbm>>
        %dma_wait3A_750 = arith.constant 0 : i32
        %dma_wait3A_751 = tpu.memref_slice %arg7[%dma_wait3A_745, %dma_wait3A_750] : memref<5x40xi32, #tpu.memory_space<vmem>> -> memref<1x40xi32, #tpu.memory_space<vmem>>
        %dma_wait3A_752 = tpu.memref_squeeze %dma_wait3A_751 : memref<1x40xi32, #tpu.memory_space<vmem>> -> memref<40xi32, #tpu.memory_space<vmem>>
        %dma_wait3A_753 = tpu.memref_slice %arg3[%mul3A_2] : memref<640000xi32, #tpu.memory_space<hbm>> -> memref<40xi32, #tpu.memory_space<hbm>>
        tpu.wait_dma2 semaphore(%arg14 : memref<!tpu.dma_semaphore, #tpu.memory_space<semaphore_mem>>) src(%dma_wait3A_753 : memref<40xi32, #tpu.memory_space<hbm>>) dst(%dma_wait3A_752 : memref<40xi32, #tpu.memory_space<vmem>>)
      } else {
      }
      %dma_wait3A_599 = arith.constant 0 : i32
      %dma_wait3A_600 = arith.constant 0 : i32
      %dma_wait3A_601 = tpu.memref_slice %arg8[%dma_wait3A_599, %dma_wait3A_600] : memref<5x40xi32, #tpu.memory_space<vmem>> -> memref<1x40xi32, #tpu.memory_space<vmem>>
      %dma_wait3A_602 = tpu.memref_squeeze %dma_wait3A_601 : memref<1x40xi32, #tpu.memory_space<vmem>> -> memref<40xi32, #tpu.memory_space<vmem>>
      %dma_wait3A_603 = arith.constant 0 : i32
      %dma_wait3A_604 = arith.constant 0 : i32
      %dma_wait3A_605 = tpu.memref_slice %arg6[%dma_wait3A_603, %dma_wait3A_604] : memref<10240x128xf32, #tpu.memory_space<vmem_shared>> -> memref<10240x128xf32, #tpu.memory_space<vmem_shared>>
      tpu.wait_indirect_dma semaphore(%arg23 : memref<!tpu.dma_semaphore, #tpu.memory_space<semaphore_mem>>) src(%arg16 : memref<40x128xf32, #tpu.memory_space<vmem>>) dst(%dma_wait3A_605 : memref<10240x128xf32, #tpu.memory_space<vmem_shared>>)
      %lt3A_606 = arith.constant 49 : i32
      %lt3A_607 = arith.cmpi slt, %add3A_523, %lt3A_606 : i32
      %convert_element_type3A_608 = arith.extui %lt3A_607 : i1 to i32
      %cond3A_609 = arith.constant 0 : i32
      %cond3A_610 = arith.cmpi ne, %convert_element_type3A_608, %cond3A_609 : i32
      scf.if %cond3A_610 {
        %dma_start3A_664 = arith.constant 0 : i32
        %dma_start3A_665 = arith.constant 0 : i32
        %dma_start3A_666 = tpu.memref_slice %arg21[%dma_start3A_664, %dma_start3A_665] : memref<5x40xi32, #tpu.memory_space<vmem>> -> memref<1x40xi32, #tpu.memory_space<vmem>>
        %dma_start3A_667 = tpu.memref_squeeze %dma_start3A_666 : memref<1x40xi32, #tpu.memory_space<vmem>> -> memref<40xi32, #tpu.memory_space<vmem>>
        %dma_start3A_668 = arith.constant 0 : i32
        %dma_start3A_669 = arith.constant 0 : i32
        %dma_start3A_670 = tpu.memref_slice %arg2[%dma_start3A_668, %dma_start3A_669] : memref<10000x128xf32, #tpu.memory_space<hbm>> -> memref<10000x128xf32, #tpu.memory_space<hbm>>
        tpu.enqueue_indirect_dma source(%dma_start3A_670 : memref<10000x128xf32, #tpu.memory_space<hbm>>) target(%arg16 : memref<40x128xf32, #tpu.memory_space<vmem>>) offsets(%dma_start3A_667 : memref<40xi32, #tpu.memory_space<vmem>>) semaphore(%arg9 : memref<!tpu.dma_semaphore, #tpu.memory_space<semaphore_mem>>)
      } else {
      }
      %dma_wait3A_611 = arith.constant 1 : i32
      %dma_wait3A_612 = arith.constant 0 : i32
      %dma_wait3A_613 = tpu.memref_slice %arg8[%dma_wait3A_611, %dma_wait3A_612] : memref<5x40xi32, #tpu.memory_space<vmem>> -> memref<1x40xi32, #tpu.memory_space<vmem>>
      %dma_wait3A_614 = tpu.memref_squeeze %dma_wait3A_613 : memref<1x40xi32, #tpu.memory_space<vmem>> -> memref<40xi32, #tpu.memory_space<vmem>>
      %dma_wait3A_615 = arith.constant 0 : i32
      %dma_wait3A_616 = arith.constant 0 : i32
      %dma_wait3A_617 = tpu.memref_slice %arg6[%dma_wait3A_615, %dma_wait3A_616] : memref<10240x128xf32, #tpu.memory_space<vmem_shared>> -> memref<10240x128xf32, #tpu.memory_space<vmem_shared>>
      tpu.wait_indirect_dma semaphore(%arg24 : memref<!tpu.dma_semaphore, #tpu.memory_space<semaphore_mem>>) src(%arg17 : memref<40x128xf32, #tpu.memory_space<vmem>>) dst(%dma_wait3A_617 : memref<10240x128xf32, #tpu.memory_space<vmem_shared>>)
      %lt3A_618 = arith.constant 49 : i32
      %lt3A_619 = arith.cmpi slt, %add3A_523, %lt3A_618 : i32
      %convert_element_type3A_620 = arith.extui %lt3A_619 : i1 to i32
      %cond3A_621 = arith.constant 0 : i32
      %cond3A_622 = arith.cmpi ne, %convert_element_type3A_620, %cond3A_621 : i32
      scf.if %cond3A_622 {
        %dma_start3A_664 = arith.constant 1 : i32
        %dma_start3A_665 = arith.constant 0 : i32
        %dma_start3A_666 = tpu.memref_slice %arg21[%dma_start3A_664, %dma_start3A_665] : memref<5x40xi32, #tpu.memory_space<vmem>> -> memref<1x40xi32, #tpu.memory_space<vmem>>
        %dma_start3A_667 = tpu.memref_squeeze %dma_start3A_666 : memref<1x40xi32, #tpu.memory_space<vmem>> -> memref<40xi32, #tpu.memory_space<vmem>>
        %dma_start3A_668 = arith.constant 0 : i32
        %dma_start3A_669 = arith.constant 0 : i32
        %dma_start3A_670 = tpu.memref_slice %arg2[%dma_start3A_668, %dma_start3A_669] : memref<10000x128xf32, #tpu.memory_space<hbm>> -> memref<10000x128xf32, #tpu.memory_space<hbm>>
        tpu.enqueue_indirect_dma source(%dma_start3A_670 : memref<10000x128xf32, #tpu.memory_space<hbm>>) target(%arg17 : memref<40x128xf32, #tpu.memory_space<vmem>>) offsets(%dma_start3A_667 : memref<40xi32, #tpu.memory_space<vmem>>) semaphore(%arg10 : memref<!tpu.dma_semaphore, #tpu.memory_space<semaphore_mem>>)
      } else {
      }
      %dma_wait3A_623 = arith.constant 2 : i32
      %dma_wait3A_624 = arith.constant 0 : i32
      %dma_wait3A_625 = tpu.memref_slice %arg8[%dma_wait3A_623, %dma_wait3A_624] : memref<5x40xi32, #tpu.memory_space<vmem>> -> memref<1x40xi32, #tpu.memory_space<vmem>>
      %dma_wait3A_626 = tpu.memref_squeeze %dma_wait3A_625 : memref<1x40xi32, #tpu.memory_space<vmem>> -> memref<40xi32, #tpu.memory_space<vmem>>
      %dma_wait3A_627 = arith.constant 0 : i32
      %dma_wait3A_628 = arith.constant 0 : i32
      %dma_wait3A_629 = tpu.memref_slice %arg6[%dma_wait3A_627, %dma_wait3A_628] : memref<10240x128xf32, #tpu.memory_space<vmem_shared>> -> memref<10240x128xf32, #tpu.memory_space<vmem_shared>>
      tpu.wait_indirect_dma semaphore(%arg25 : memref<!tpu.dma_semaphore, #tpu.memory_space<semaphore_mem>>) src(%arg18 : memref<40x128xf32, #tpu.memory_space<vmem>>) dst(%dma_wait3A_629 : memref<10240x128xf32, #tpu.memory_space<vmem_shared>>)
      %lt3A_630 = arith.constant 49 : i32
      %lt3A_631 = arith.cmpi slt, %add3A_523, %lt3A_630 : i32
      %convert_element_type3A_632 = arith.extui %lt3A_631 : i1 to i32
      %cond3A_633 = arith.constant 0 : i32
      %cond3A_634 = arith.cmpi ne, %convert_element_type3A_632, %cond3A_633 : i32
      scf.if %cond3A_634 {
        %dma_start3A_664 = arith.constant 2 : i32
        %dma_start3A_665 = arith.constant 0 : i32
        %dma_start3A_666 = tpu.memref_slice %arg21[%dma_start3A_664, %dma_start3A_665] : memref<5x40xi32, #tpu.memory_space<vmem>> -> memref<1x40xi32, #tpu.memory_space<vmem>>
        %dma_start3A_667 = tpu.memref_squeeze %dma_start3A_666 : memref<1x40xi32, #tpu.memory_space<vmem>> -> memref<40xi32, #tpu.memory_space<vmem>>
        %dma_start3A_668 = arith.constant 0 : i32
        %dma_start3A_669 = arith.constant 0 : i32
        %dma_start3A_670 = tpu.memref_slice %arg2[%dma_start3A_668, %dma_start3A_669] : memref<10000x128xf32, #tpu.memory_space<hbm>> -> memref<10000x128xf32, #tpu.memory_space<hbm>>
        tpu.enqueue_indirect_dma source(%dma_start3A_670 : memref<10000x128xf32, #tpu.memory_space<hbm>>) target(%arg18 : memref<40x128xf32, #tpu.memory_space<vmem>>) offsets(%dma_start3A_667 : memref<40xi32, #tpu.memory_space<vmem>>) semaphore(%arg11 : memref<!tpu.dma_semaphore, #tpu.memory_space<semaphore_mem>>)
      } else {
      }
      %dma_wait3A_635 = arith.constant 3 : i32
      %dma_wait3A_636 = arith.constant 0 : i32
      %dma_wait3A_637 = tpu.memref_slice %arg8[%dma_wait3A_635, %dma_wait3A_636] : memref<5x40xi32, #tpu.memory_space<vmem>> -> memref<1x40xi32, #tpu.memory_space<vmem>>
      %dma_wait3A_638 = tpu.memref_squeeze %dma_wait3A_637 : memref<1x40xi32, #tpu.memory_space<vmem>> -> memref<40xi32, #tpu.memory_space<vmem>>
      %dma_wait3A_639 = arith.constant 0 : i32
      %dma_wait3A_640 = arith.constant 0 : i32
      %dma_wait3A_641 = tpu.memref_slice %arg6[%dma_wait3A_639, %dma_wait3A_640] : memref<10240x128xf32, #tpu.memory_space<vmem_shared>> -> memref<10240x128xf32, #tpu.memory_space<vmem_shared>>
      tpu.wait_indirect_dma semaphore(%arg26 : memref<!tpu.dma_semaphore, #tpu.memory_space<semaphore_mem>>) src(%arg19 : memref<40x128xf32, #tpu.memory_space<vmem>>) dst(%dma_wait3A_641 : memref<10240x128xf32, #tpu.memory_space<vmem_shared>>)
      %lt3A_642 = arith.constant 49 : i32
      %lt3A_643 = arith.cmpi slt, %add3A_523, %lt3A_642 : i32
      %convert_element_type3A_644 = arith.extui %lt3A_643 : i1 to i32
      %cond3A_645 = arith.constant 0 : i32
      %cond3A_646 = arith.cmpi ne, %convert_element_type3A_644, %cond3A_645 : i32
      scf.if %cond3A_646 {
        %dma_start3A_664 = arith.constant 3 : i32
        %dma_start3A_665 = arith.constant 0 : i32
        %dma_start3A_666 = tpu.memref_slice %arg21[%dma_start3A_664, %dma_start3A_665] : memref<5x40xi32, #tpu.memory_space<vmem>> -> memref<1x40xi32, #tpu.memory_space<vmem>>
        %dma_start3A_667 = tpu.memref_squeeze %dma_start3A_666 : memref<1x40xi32, #tpu.memory_space<vmem>> -> memref<40xi32, #tpu.memory_space<vmem>>
        %dma_start3A_668 = arith.constant 0 : i32
        %dma_start3A_669 = arith.constant 0 : i32
        %dma_start3A_670 = tpu.memref_slice %arg2[%dma_start3A_668, %dma_start3A_669] : memref<10000x128xf32, #tpu.memory_space<hbm>> -> memref<10000x128xf32, #tpu.memory_space<hbm>>
        tpu.enqueue_indirect_dma source(%dma_start3A_670 : memref<10000x128xf32, #tpu.memory_space<hbm>>) target(%arg19 : memref<40x128xf32, #tpu.memory_space<vmem>>) offsets(%dma_start3A_667 : memref<40xi32, #tpu.memory_space<vmem>>) semaphore(%arg12 : memref<!tpu.dma_semaphore, #tpu.memory_space<semaphore_mem>>)
      } else {
      }
      %dma_wait3A_647 = arith.constant 4 : i32
      %dma_wait3A_648 = arith.constant 0 : i32
      %dma_wait3A_649 = tpu.memref_slice %arg8[%dma_wait3A_647, %dma_wait3A_648] : memref<5x40xi32, #tpu.memory_space<vmem>> -> memref<1x40xi32, #tpu.memory_space<vmem>>
      %dma_wait3A_650 = tpu.memref_squeeze %dma_wait3A_649 : memref<1x40xi32, #tpu.memory_space<vmem>> -> memref<40xi32, #tpu.memory_space<vmem>>
      %dma_wait3A_651 = arith.constant 0 : i32
      %dma_wait3A_652 = arith.constant 0 : i32
      %dma_wait3A_653 = tpu.memref_slice %arg6[%dma_wait3A_651, %dma_wait3A_652] : memref<10240x128xf32, #tpu.memory_space<vmem_shared>> -> memref<10240x128xf32, #tpu.memory_space<vmem_shared>>
      tpu.wait_indirect_dma semaphore(%arg27 : memref<!tpu.dma_semaphore, #tpu.memory_space<semaphore_mem>>) src(%arg20 : memref<40x128xf32, #tpu.memory_space<vmem>>) dst(%dma_wait3A_653 : memref<10240x128xf32, #tpu.memory_space<vmem_shared>>)
      %lt3A_654 = arith.constant 49 : i32
      %lt3A_655 = arith.cmpi slt, %add3A_523, %lt3A_654 : i32
      %convert_element_type3A_656 = arith.extui %lt3A_655 : i1 to i32
      %cond3A_657 = arith.constant 0 : i32
      %cond3A_658 = arith.cmpi ne, %convert_element_type3A_656, %cond3A_657 : i32
      scf.if %cond3A_658 {
        %dma_start3A_664 = arith.constant 4 : i32
        %dma_start3A_665 = arith.constant 0 : i32
        %dma_start3A_666 = tpu.memref_slice %arg21[%dma_start3A_664, %dma_start3A_665] : memref<5x40xi32, #tpu.memory_space<vmem>> -> memref<1x40xi32, #tpu.memory_space<vmem>>
        %dma_start3A_667 = tpu.memref_squeeze %dma_start3A_666 : memref<1x40xi32, #tpu.memory_space<vmem>> -> memref<40xi32, #tpu.memory_space<vmem>>
        %dma_start3A_668 = arith.constant 0 : i32
        %dma_start3A_669 = arith.constant 0 : i32
        %dma_start3A_670 = tpu.memref_slice %arg2[%dma_start3A_668, %dma_start3A_669] : memref<10000x128xf32, #tpu.memory_space<hbm>> -> memref<10000x128xf32, #tpu.memory_space<hbm>>
        tpu.enqueue_indirect_dma source(%dma_start3A_670 : memref<10000x128xf32, #tpu.memory_space<hbm>>) target(%arg20 : memref<40x128xf32, #tpu.memory_space<vmem>>) offsets(%dma_start3A_667 : memref<40xi32, #tpu.memory_space<vmem>>) semaphore(%arg13 : memref<!tpu.dma_semaphore, #tpu.memory_space<semaphore_mem>>)
      } else {
      }
      %lt3A_659 = arith.constant 48 : i32
      %lt3A_660 = arith.cmpi slt, %add3A_523, %lt3A_659 : i32
      %convert_element_type3A_661 = arith.extui %lt3A_660 : i1 to i32
      %cond3A_662 = arith.constant 0 : i32
      %cond3A_663 = arith.cmpi ne, %convert_element_type3A_661, %cond3A_662 : i32
      scf.if %cond3A_663 {
        %add3A_664 = arith.constant 2 : i32
        %add3A_665 = arith.addi %add3A_523, %add3A_664 : i32
        %mul3A_666 = arith.constant 200 : i32
        %mul3A_667 = arith.muli %add3A_665, %mul3A_666 : i32
        %add3A_668 = arith.addi %mul3A_2, %mul3A_667 : i32
        %add3A_669 = arith.constant 0 : i32
        %add3A_670 = arith.addi %add3A_668, %add3A_669 : i32
        %dma_start3A_671 = arith.constant 0 : i32
        %dma_start3A_672 = arith.constant 0 : i32
        %dma_start3A_673 = tpu.memref_slice %arg22[%dma_start3A_671, %dma_start3A_672] : memref<5x40xi32, #tpu.memory_space<vmem>> -> memref<1x40xi32, #tpu.memory_space<vmem>>
        %dma_start3A_674 = tpu.memref_squeeze %dma_start3A_673 : memref<1x40xi32, #tpu.memory_space<vmem>> -> memref<40xi32, #tpu.memory_space<vmem>>
        %dma_start3A_675 = tpu.memref_slice %arg3[%add3A_670] : memref<640000xi32, #tpu.memory_space<hbm>> -> memref<40xi32, #tpu.memory_space<hbm>>
        %dma_start3A_676 = arith.constant 0 : i32
        %dma_start3A_677 = tpu.memref_slice %arg22[%dma_start3A_671, %dma_start3A_676] : memref<5x40xi32, #tpu.memory_space<vmem>> -> memref<1x40xi32, #tpu.memory_space<vmem>>
        %dma_start3A_678 = tpu.memref_squeeze %dma_start3A_677 : memref<1x40xi32, #tpu.memory_space<vmem>> -> memref<40xi32, #tpu.memory_space<vmem>>
        %dma_start3A_679 = tpu.memref_slice %arg3[%add3A_670] : memref<640000xi32, #tpu.memory_space<hbm>> -> memref<40xi32, #tpu.memory_space<hbm>>
        tpu.enqueue_dma source(%dma_start3A_679 : memref<40xi32, #tpu.memory_space<hbm>>) target(%dma_start3A_678 : memref<40xi32, #tpu.memory_space<vmem>>) target_semaphore(%arg15 : memref<!tpu.dma_semaphore, #tpu.memory_space<semaphore_mem>>)
        %add3A_680 = arith.constant 320000 : i32
        %add3A_681 = arith.addi %add3A_680, %add3A_670 : i32
        %dma_start3A_682 = arith.constant 0 : i32
        %dma_start3A_683 = arith.constant 0 : i32
        %dma_start3A_684 = tpu.memref_slice %arg8[%dma_start3A_682, %dma_start3A_683] : memref<5x40xi32, #tpu.memory_space<vmem>> -> memref<1x40xi32, #tpu.memory_space<vmem>>
        %dma_start3A_685 = tpu.memref_squeeze %dma_start3A_684 : memref<1x40xi32, #tpu.memory_space<vmem>> -> memref<40xi32, #tpu.memory_space<vmem>>
        %dma_start3A_686 = tpu.memref_slice %arg3[%add3A_681] : memref<640000xi32, #tpu.memory_space<hbm>> -> memref<40xi32, #tpu.memory_space<hbm>>
        %dma_start3A_687 = arith.constant 0 : i32
        %dma_start3A_688 = tpu.memref_slice %arg8[%dma_start3A_682, %dma_start3A_687] : memref<5x40xi32, #tpu.memory_space<vmem>> -> memref<1x40xi32, #tpu.memory_space<vmem>>
        %dma_start3A_689 = tpu.memref_squeeze %dma_start3A_688 : memref<1x40xi32, #tpu.memory_space<vmem>> -> memref<40xi32, #tpu.memory_space<vmem>>
        %dma_start3A_690 = tpu.memref_slice %arg3[%add3A_681] : memref<640000xi32, #tpu.memory_space<hbm>> -> memref<40xi32, #tpu.memory_space<hbm>>
        tpu.enqueue_dma source(%dma_start3A_690 : memref<40xi32, #tpu.memory_space<hbm>>) target(%dma_start3A_689 : memref<40xi32, #tpu.memory_space<vmem>>) target_semaphore(%arg15 : memref<!tpu.dma_semaphore, #tpu.memory_space<semaphore_mem>>)
        %mul3A_691 = arith.constant 200 : i32
        %mul3A_692 = arith.muli %add3A_665, %mul3A_691 : i32
        %add3A_693 = arith.addi %mul3A_2, %mul3A_692 : i32
        %add3A_694 = arith.constant 40 : i32
        %add3A_695 = arith.addi %add3A_693, %add3A_694 : i32
        %dma_start3A_696 = arith.constant 1 : i32
        %dma_start3A_697 = arith.constant 0 : i32
        %dma_start3A_698 = tpu.memref_slice %arg22[%dma_start3A_696, %dma_start3A_697] : memref<5x40xi32, #tpu.memory_space<vmem>> -> memref<1x40xi32, #tpu.memory_space<vmem>>
        %dma_start3A_699 = tpu.memref_squeeze %dma_start3A_698 : memref<1x40xi32, #tpu.memory_space<vmem>> -> memref<40xi32, #tpu.memory_space<vmem>>
        %dma_start3A_700 = tpu.memref_slice %arg3[%add3A_695] : memref<640000xi32, #tpu.memory_space<hbm>> -> memref<40xi32, #tpu.memory_space<hbm>>
        %dma_start3A_701 = arith.constant 0 : i32
        %dma_start3A_702 = tpu.memref_slice %arg22[%dma_start3A_696, %dma_start3A_701] : memref<5x40xi32, #tpu.memory_space<vmem>> -> memref<1x40xi32, #tpu.memory_space<vmem>>
        %dma_start3A_703 = tpu.memref_squeeze %dma_start3A_702 : memref<1x40xi32, #tpu.memory_space<vmem>> -> memref<40xi32, #tpu.memory_space<vmem>>
        %dma_start3A_704 = tpu.memref_slice %arg3[%add3A_695] : memref<640000xi32, #tpu.memory_space<hbm>> -> memref<40xi32, #tpu.memory_space<hbm>>
        tpu.enqueue_dma source(%dma_start3A_704 : memref<40xi32, #tpu.memory_space<hbm>>) target(%dma_start3A_703 : memref<40xi32, #tpu.memory_space<vmem>>) target_semaphore(%arg15 : memref<!tpu.dma_semaphore, #tpu.memory_space<semaphore_mem>>)
        %add3A_705 = arith.constant 320000 : i32
        %add3A_706 = arith.addi %add3A_705, %add3A_695 : i32
        %dma_start3A_707 = arith.constant 1 : i32
        %dma_start3A_708 = arith.constant 0 : i32
        %dma_start3A_709 = tpu.memref_slice %arg8[%dma_start3A_707, %dma_start3A_708] : memref<5x40xi32, #tpu.memory_space<vmem>> -> memref<1x40xi32, #tpu.memory_space<vmem>>
        %dma_start3A_710 = tpu.memref_squeeze %dma_start3A_709 : memref<1x40xi32, #tpu.memory_space<vmem>> -> memref<40xi32, #tpu.memory_space<vmem>>
        %dma_start3A_711 = tpu.memref_slice %arg3[%add3A_706] : memref<640000xi32, #tpu.memory_space<hbm>> -> memref<40xi32, #tpu.memory_space<hbm>>
        %dma_start3A_712 = arith.constant 0 : i32
        %dma_start3A_713 = tpu.memref_slice %arg8[%dma_start3A_707, %dma_start3A_712] : memref<5x40xi32, #tpu.memory_space<vmem>> -> memref<1x40xi32, #tpu.memory_space<vmem>>
        %dma_start3A_714 = tpu.memref_squeeze %dma_start3A_713 : memref<1x40xi32, #tpu.memory_space<vmem>> -> memref<40xi32, #tpu.memory_space<vmem>>
        %dma_start3A_715 = tpu.memref_slice %arg3[%add3A_706] : memref<640000xi32, #tpu.memory_space<hbm>> -> memref<40xi32, #tpu.memory_space<hbm>>
        tpu.enqueue_dma source(%dma_start3A_715 : memref<40xi32, #tpu.memory_space<hbm>>) target(%dma_start3A_714 : memref<40xi32, #tpu.memory_space<vmem>>) target_semaphore(%arg15 : memref<!tpu.dma_semaphore, #tpu.memory_space<semaphore_mem>>)
        %mul3A_716 = arith.constant 200 : i32
        %mul3A_717 = arith.muli %add3A_665, %mul3A_716 : i32
        %add3A_718 = arith.addi %mul3A_2, %mul3A_717 : i32
        %add3A_719 = arith.constant 80 : i32
        %add3A_720 = arith.addi %add3A_718, %add3A_719 : i32
        %dma_start3A_721 = arith.constant 2 : i32
        %dma_start3A_722 = arith.constant 0 : i32
        %dma_start3A_723 = tpu.memref_slice %arg22[%dma_start3A_721, %dma_start3A_722] : memref<5x40xi32, #tpu.memory_space<vmem>> -> memref<1x40xi32, #tpu.memory_space<vmem>>
        %dma_start3A_724 = tpu.memref_squeeze %dma_start3A_723 : memref<1x40xi32, #tpu.memory_space<vmem>> -> memref<40xi32, #tpu.memory_space<vmem>>
        %dma_start3A_725 = tpu.memref_slice %arg3[%add3A_720] : memref<640000xi32, #tpu.memory_space<hbm>> -> memref<40xi32, #tpu.memory_space<hbm>>
        %dma_start3A_726 = arith.constant 0 : i32
        %dma_start3A_727 = tpu.memref_slice %arg22[%dma_start3A_721, %dma_start3A_726] : memref<5x40xi32, #tpu.memory_space<vmem>> -> memref<1x40xi32, #tpu.memory_space<vmem>>
        %dma_start3A_728 = tpu.memref_squeeze %dma_start3A_727 : memref<1x40xi32, #tpu.memory_space<vmem>> -> memref<40xi32, #tpu.memory_space<vmem>>
        %dma_start3A_729 = tpu.memref_slice %arg3[%add3A_720] : memref<640000xi32, #tpu.memory_space<hbm>> -> memref<40xi32, #tpu.memory_space<hbm>>
        tpu.enqueue_dma source(%dma_start3A_729 : memref<40xi32, #tpu.memory_space<hbm>>) target(%dma_start3A_728 : memref<40xi32, #tpu.memory_space<vmem>>) target_semaphore(%arg15 : memref<!tpu.dma_semaphore, #tpu.memory_space<semaphore_mem>>)
        %add3A_730 = arith.constant 320000 : i32
        %add3A_731 = arith.addi %add3A_730, %add3A_720 : i32
        %dma_start3A_732 = arith.constant 2 : i32
        %dma_start3A_733 = arith.constant 0 : i32
        %dma_start3A_734 = tpu.memref_slice %arg8[%dma_start3A_732, %dma_start3A_733] : memref<5x40xi32, #tpu.memory_space<vmem>> -> memref<1x40xi32, #tpu.memory_space<vmem>>
        %dma_start3A_735 = tpu.memref_squeeze %dma_start3A_734 : memref<1x40xi32, #tpu.memory_space<vmem>> -> memref<40xi32, #tpu.memory_space<vmem>>
        %dma_start3A_736 = tpu.memref_slice %arg3[%add3A_731] : memref<640000xi32, #tpu.memory_space<hbm>> -> memref<40xi32, #tpu.memory_space<hbm>>
        %dma_start3A_737 = arith.constant 0 : i32
        %dma_start3A_738 = tpu.memref_slice %arg8[%dma_start3A_732, %dma_start3A_737] : memref<5x40xi32, #tpu.memory_space<vmem>> -> memref<1x40xi32, #tpu.memory_space<vmem>>
        %dma_start3A_739 = tpu.memref_squeeze %dma_start3A_738 : memref<1x40xi32, #tpu.memory_space<vmem>> -> memref<40xi32, #tpu.memory_space<vmem>>
        %dma_start3A_740 = tpu.memref_slice %arg3[%add3A_731] : memref<640000xi32, #tpu.memory_space<hbm>> -> memref<40xi32, #tpu.memory_space<hbm>>
        tpu.enqueue_dma source(%dma_start3A_740 : memref<40xi32, #tpu.memory_space<hbm>>) target(%dma_start3A_739 : memref<40xi32, #tpu.memory_space<vmem>>) target_semaphore(%arg15 : memref<!tpu.dma_semaphore, #tpu.memory_space<semaphore_mem>>)
        %mul3A_741 = arith.constant 200 : i32
        %mul3A_742 = arith.muli %add3A_665, %mul3A_741 : i32
        %add3A_743 = arith.addi %mul3A_2, %mul3A_742 : i32
        %add3A_744 = arith.constant 120 : i32
        %add3A_745 = arith.addi %add3A_743, %add3A_744 : i32
        %dma_start3A_746 = arith.constant 3 : i32
        %dma_start3A_747 = arith.constant 0 : i32
        %dma_start3A_748 = tpu.memref_slice %arg22[%dma_start3A_746, %dma_start3A_747] : memref<5x40xi32, #tpu.memory_space<vmem>> -> memref<1x40xi32, #tpu.memory_space<vmem>>
        %dma_start3A_749 = tpu.memref_squeeze %dma_start3A_748 : memref<1x40xi32, #tpu.memory_space<vmem>> -> memref<40xi32, #tpu.memory_space<vmem>>
        %dma_start3A_750 = tpu.memref_slice %arg3[%add3A_745] : memref<640000xi32, #tpu.memory_space<hbm>> -> memref<40xi32, #tpu.memory_space<hbm>>
        %dma_start3A_751 = arith.constant 0 : i32
        %dma_start3A_752 = tpu.memref_slice %arg22[%dma_start3A_746, %dma_start3A_751] : memref<5x40xi32, #tpu.memory_space<vmem>> -> memref<1x40xi32, #tpu.memory_space<vmem>>
        %dma_start3A_753 = tpu.memref_squeeze %dma_start3A_752 : memref<1x40xi32, #tpu.memory_space<vmem>> -> memref<40xi32, #tpu.memory_space<vmem>>
        %dma_start3A_754 = tpu.memref_slice %arg3[%add3A_745] : memref<640000xi32, #tpu.memory_space<hbm>> -> memref<40xi32, #tpu.memory_space<hbm>>
        tpu.enqueue_dma source(%dma_start3A_754 : memref<40xi32, #tpu.memory_space<hbm>>) target(%dma_start3A_753 : memref<40xi32, #tpu.memory_space<vmem>>) target_semaphore(%arg15 : memref<!tpu.dma_semaphore, #tpu.memory_space<semaphore_mem>>)
        %add3A_755 = arith.constant 320000 : i32
        %add3A_756 = arith.addi %add3A_755, %add3A_745 : i32
        %dma_start3A_757 = arith.constant 3 : i32
        %dma_start3A_758 = arith.constant 0 : i32
        %dma_start3A_759 = tpu.memref_slice %arg8[%dma_start3A_757, %dma_start3A_758] : memref<5x40xi32, #tpu.memory_space<vmem>> -> memref<1x40xi32, #tpu.memory_space<vmem>>
        %dma_start3A_760 = tpu.memref_squeeze %dma_start3A_759 : memref<1x40xi32, #tpu.memory_space<vmem>> -> memref<40xi32, #tpu.memory_space<vmem>>
        %dma_start3A_761 = tpu.memref_slice %arg3[%add3A_756] : memref<640000xi32, #tpu.memory_space<hbm>> -> memref<40xi32, #tpu.memory_space<hbm>>
        %dma_start3A_762 = arith.constant 0 : i32
        %dma_start3A_763 = tpu.memref_slice %arg8[%dma_start3A_757, %dma_start3A_762] : memref<5x40xi32, #tpu.memory_space<vmem>> -> memref<1x40xi32, #tpu.memory_space<vmem>>
        %dma_start3A_764 = tpu.memref_squeeze %dma_start3A_763 : memref<1x40xi32, #tpu.memory_space<vmem>> -> memref<40xi32, #tpu.memory_space<vmem>>
        %dma_start3A_765 = tpu.memref_slice %arg3[%add3A_756] : memref<640000xi32, #tpu.memory_space<hbm>> -> memref<40xi32, #tpu.memory_space<hbm>>
        tpu.enqueue_dma source(%dma_start3A_765 : memref<40xi32, #tpu.memory_space<hbm>>) target(%dma_start3A_764 : memref<40xi32, #tpu.memory_space<vmem>>) target_semaphore(%arg15 : memref<!tpu.dma_semaphore, #tpu.memory_space<semaphore_mem>>)
        %mul3A_766 = arith.constant 200 : i32
        %mul3A_767 = arith.muli %add3A_665, %mul3A_766 : i32
        %add3A_768 = arith.addi %mul3A_2, %mul3A_767 : i32
        %add3A_769 = arith.constant 160 : i32
        %add3A_770 = arith.addi %add3A_768, %add3A_769 : i32
        %dma_start3A_771 = arith.constant 4 : i32
        %dma_start3A_772 = arith.constant 0 : i32
        %dma_start3A_773 = tpu.memref_slice %arg22[%dma_start3A_771, %dma_start3A_772] : memref<5x40xi32, #tpu.memory_space<vmem>> -> memref<1x40xi32, #tpu.memory_space<vmem>>
        %dma_start3A_774 = tpu.memref_squeeze %dma_start3A_773 : memref<1x40xi32, #tpu.memory_space<vmem>> -> memref<40xi32, #tpu.memory_space<vmem>>
        %dma_start3A_775 = tpu.memref_slice %arg3[%add3A_770] : memref<640000xi32, #tpu.memory_space<hbm>> -> memref<40xi32, #tpu.memory_space<hbm>>
        %dma_start3A_776 = arith.constant 0 : i32
        %dma_start3A_777 = tpu.memref_slice %arg22[%dma_start3A_771, %dma_start3A_776] : memref<5x40xi32, #tpu.memory_space<vmem>> -> memref<1x40xi32, #tpu.memory_space<vmem>>
        %dma_start3A_778 = tpu.memref_squeeze %dma_start3A_777 : memref<1x40xi32, #tpu.memory_space<vmem>> -> memref<40xi32, #tpu.memory_space<vmem>>
        %dma_start3A_779 = tpu.memref_slice %arg3[%add3A_770] : memref<640000xi32, #tpu.memory_space<hbm>> -> memref<40xi32, #tpu.memory_space<hbm>>
        tpu.enqueue_dma source(%dma_start3A_779 : memref<40xi32, #tpu.memory_space<hbm>>) target(%dma_start3A_778 : memref<40xi32, #tpu.memory_space<vmem>>) target_semaphore(%arg15 : memref<!tpu.dma_semaphore, #tpu.memory_space<semaphore_mem>>)
        %add3A_780 = arith.constant 320000 : i32
        %add3A_781 = arith.addi %add3A_780, %add3A_770 : i32
        %dma_start3A_782 = arith.constant 4 : i32
        %dma_start3A_783 = arith.constant 0 : i32
        %dma_start3A_784 = tpu.memref_slice %arg8[%dma_start3A_782, %dma_start3A_783] : memref<5x40xi32, #tpu.memory_space<vmem>> -> memref<1x40xi32, #tpu.memory_space<vmem>>
        %dma_start3A_785 = tpu.memref_squeeze %dma_start3A_784 : memref<1x40xi32, #tpu.memory_space<vmem>> -> memref<40xi32, #tpu.memory_space<vmem>>
        %dma_start3A_786 = tpu.memref_slice %arg3[%add3A_781] : memref<640000xi32, #tpu.memory_space<hbm>> -> memref<40xi32, #tpu.memory_space<hbm>>
        %dma_start3A_787 = arith.constant 0 : i32
        %dma_start3A_788 = tpu.memref_slice %arg8[%dma_start3A_782, %dma_start3A_787] : memref<5x40xi32, #tpu.memory_space<vmem>> -> memref<1x40xi32, #tpu.memory_space<vmem>>
        %dma_start3A_789 = tpu.memref_squeeze %dma_start3A_788 : memref<1x40xi32, #tpu.memory_space<vmem>> -> memref<40xi32, #tpu.memory_space<vmem>>
        %dma_start3A_790 = tpu.memref_slice %arg3[%add3A_781] : memref<640000xi32, #tpu.memory_space<hbm>> -> memref<40xi32, #tpu.memory_space<hbm>>
        tpu.enqueue_dma source(%dma_start3A_790 : memref<40xi32, #tpu.memory_space<hbm>>) target(%dma_start3A_789 : memref<40xi32, #tpu.memory_space<vmem>>) target_semaphore(%arg15 : memref<!tpu.dma_semaphore, #tpu.memory_space<semaphore_mem>>)
      } else {
      }
    }
    %scan3A_372 = arith.constant 25 : i32
    %barrier3A_373 = arith.constant 0 : index
    tpu.barrier barrier_id(%barrier3A_373)
    %mul3A_374 = arith.constant 640 : i32
    %mul3A_375 = arith.muli %arg1, %mul3A_374 : i32
    %mul3A_376 = arith.constant 640 : i32
    %mul3A_377 = arith.muli %arg1, %mul3A_376 : i32
    "tpu.region"() ({
      %run_scoped3A = tpu.sem_alloc : memref<!tpu.dma_semaphore, #tpu.memory_space<semaphore_mem>>
      %dma_start3A_378 = arith.constant 0 : i32
      %dma_start3A_379 = arith.constant 0 : i32
      %dma_start3A_380 = tpu.memref_slice %arg5[%arg0, %dma_start3A_378, %dma_start3A_379] : memref<2x10240x128xf32, #tpu.memory_space<hbm>> -> memref<1x10240x128xf32, #tpu.memory_space<hbm>>
      %dma_start3A_381 = tpu.memref_squeeze %dma_start3A_380 : memref<1x10240x128xf32, #tpu.memory_space<hbm>> -> memref<10240x128xf32, #tpu.memory_space<hbm>>
      %dma_start3A_382 = arith.constant 0 : i32
      %dma_start3A_383 = tpu.memref_slice %dma_start3A_381[%mul3A_377, %dma_start3A_382] : memref<10240x128xf32, #tpu.memory_space<hbm>> -> memref<640x128xf32, #tpu.memory_space<hbm>>
      %dma_start3A_384 = arith.constant 0 : i32
      %dma_start3A_385 = tpu.memref_slice %arg6[%mul3A_375, %dma_start3A_384] : memref<10240x128xf32, #tpu.memory_space<vmem_shared>> -> memref<640x128xf32, #tpu.memory_space<vmem_shared>>
      tpu.enqueue_dma source(%dma_start3A_385 : memref<640x128xf32, #tpu.memory_space<vmem_shared>>) target(%dma_start3A_383 : memref<640x128xf32, #tpu.memory_space<hbm>>) target_semaphore(%run_scoped3A : memref<!tpu.dma_semaphore, #tpu.memory_space<semaphore_mem>>)
      %dma_wait3A_386 = arith.constant 0 : i32
      %dma_wait3A_387 = arith.constant 0 : i32
      %dma_wait3A_388 = tpu.memref_slice %arg5[%arg0, %dma_wait3A_386, %dma_wait3A_387] : memref<2x10240x128xf32, #tpu.memory_space<hbm>> -> memref<1x10240x128xf32, #tpu.memory_space<hbm>>
      %dma_wait3A_389 = tpu.memref_squeeze %dma_wait3A_388 : memref<1x10240x128xf32, #tpu.memory_space<hbm>> -> memref<10240x128xf32, #tpu.memory_space<hbm>>
      %dma_wait3A_390 = arith.constant 0 : i32
      %dma_wait3A_391 = tpu.memref_slice %dma_wait3A_389[%mul3A_377, %dma_wait3A_390] : memref<10240x128xf32, #tpu.memory_space<hbm>> -> memref<640x128xf32, #tpu.memory_space<hbm>>
      %dma_wait3A_392 = arith.constant 0 : i32
      %dma_wait3A_393 = tpu.memref_slice %arg6[%mul3A_375, %dma_wait3A_392] : memref<10240x128xf32, #tpu.memory_space<vmem_shared>> -> memref<640x128xf32, #tpu.memory_space<vmem_shared>>
      tpu.wait_dma2 semaphore(%run_scoped3A : memref<!tpu.dma_semaphore, #tpu.memory_space<semaphore_mem>>) src(%dma_wait3A_393 : memref<640x128xf32, #tpu.memory_space<vmem_shared>>) dst(%dma_wait3A_391 : memref<640x128xf32, #tpu.memory_space<hbm>>)
      tpu.yield
    }) : () -> ()
    return
  }
}

module attributes {stable_mosaic.version = 14 : i64} {
  func.func @_tc_mlp_body(%arg0: i32, %arg1: memref<2x2000x128xf32, #tpu.memory_space<vmem>>, %arg2: memref<2000x128xf32, #tpu.memory_space<vmem>>, %arg3: memref<128x128xf32, #tpu.memory_space<vmem>>, %arg4: memref<1x128xf32, #tpu.memory_space<vmem>>, %arg5: memref<128x128xf32, #tpu.memory_space<vmem>>, %arg6: memref<1x128xf32, #tpu.memory_space<vmem>>, %arg7: memref<1x1xf32, #tpu.memory_space<vmem>>, %arg8: memref<2000x128xf32, #tpu.memory_space<vmem>>) attributes {dimension_semantics = [#tpu.dimension_semantics<arbitrary>], iteration_bounds = array<i64: 5>, scalar_prefetch = 0 : i64, scratch_operands = 0 : i64, tpu.core_type = #tpu.core_type<tc>, window_params = [{transform_indices = @transform_0, window_bounds = array<i64: 2, 2000, 128>}, {transform_indices = @transform_1, window_bounds = array<i64: 2000, 128>}, {pipeline_mode = #tpu.pipeline_mode<synchronous>, transform_indices = @transform_2, window_bounds = array<i64: 128, 128>}, {pipeline_mode = #tpu.pipeline_mode<synchronous>, transform_indices = @transform_3, window_bounds = array<i64: 1, 128>}, {pipeline_mode = #tpu.pipeline_mode<synchronous>, transform_indices = @transform_4, window_bounds = array<i64: 128, 128>}, {pipeline_mode = #tpu.pipeline_mode<synchronous>, transform_indices = @transform_5, window_bounds = array<i64: 1, 128>}, {pipeline_mode = #tpu.pipeline_mode<synchronous>, transform_indices = @transform_6, window_bounds = array<i64: 1, 1>}, {transform_indices = @transform_7, window_bounds = array<i64: 2000, 128>}]} {
    %get3A = arith.constant 0 : index
    %get3A_0 = arith.constant 0 : index
    %get3A_1 = vector.load %arg7[%get3A, %get3A_0] : memref<1x1xf32, #tpu.memory_space<vmem>>, vector<1x1xf32>
    %get3A_2 = vector.extract %get3A_1[0, 0] : f32 from vector<1x1xf32>
    %add3A = arith.constant 1.000000e+00 : f32
    %add3A_3 = arith.addf %add3A, %get3A_2 : f32
    %get3A_4 = arith.constant 0 : index
    %get3A_5 = arith.constant 0 : index
    %get3A_6 = arith.constant 0 : index
    %get3A_7 = vector.load %arg1[%get3A_4, %get3A_5, %get3A_6] : memref<2x2000x128xf32, #tpu.memory_space<vmem>>, vector<1x2000x128xf32>
    %get3A_8 = vector.shape_cast %get3A_7 : vector<1x2000x128xf32> to vector<2000x128xf32>
    %get3A_9 = arith.constant 1 : index
    %get3A_10 = arith.constant 0 : index
    %get3A_11 = arith.constant 0 : index
    %get3A_12 = vector.load %arg1[%get3A_9, %get3A_10, %get3A_11] : memref<2x2000x128xf32, #tpu.memory_space<vmem>>, vector<1x2000x128xf32>
    %get3A_13 = vector.shape_cast %get3A_12 : vector<1x2000x128xf32> to vector<2000x128xf32>
    %add3A_14 = arith.addf %get3A_8, %get3A_13 : vector<2000x128xf32>
    %get3A_15 = arith.constant 0 : index
    %get3A_16 = arith.constant 0 : index
    %get3A_17 = vector.load %arg2[%get3A_15, %get3A_16] : memref<2000x128xf32, #tpu.memory_space<vmem>>, vector<2000x128xf32>
    %mul3A = vector.broadcast %add3A_3 : f32 to vector<2000x128xf32>
    %mul3A_18 = arith.mulf %mul3A, %get3A_17 : vector<2000x128xf32>
    %add3A_19 = arith.addf %add3A_14, %mul3A_18 : vector<2000x128xf32>
    %get3A_20 = arith.constant 0 : index
    %get3A_21 = arith.constant 0 : index
    %get3A_22 = vector.load %arg3[%get3A_20, %get3A_21] : memref<128x128xf32, #tpu.memory_space<vmem>>, vector<128x128xf32>
    %dot_general3A = arith.constant dense<0.000000e+00> : vector<2000x128xf32>
    %dot_general3A_23 = tpu.matmul %add3A_19, %get3A_22, %dot_general3A {dimension_numbers = #tpu.dot_dimension_numbers<[1], [0], [0], [1], [0, 0, 1, 1], [], []>, transpose_lhs_hint = false} : vector<2000x128xf32>, vector<128x128xf32>, vector<2000x128xf32> -> vector<2000x128xf32>
    %get3A_24 = arith.constant 0 : index
    %get3A_25 = arith.constant 0 : index
    %get3A_26 = vector.load %arg4[%get3A_24, %get3A_25] : memref<1x128xf32, #tpu.memory_space<vmem>>, vector<1x128xf32>
    %add3A_27 = vector.broadcast %get3A_26 : vector<1x128xf32> to vector<2000x128xf32>
    %add3A_28 = arith.addf %dot_general3A_23, %add3A_27 : vector<2000x128xf32>
    %max3A = arith.constant 0.000000e+00 : f32
    %max3A_29 = vector.broadcast %max3A : f32 to vector<2000x128xf32>
    %max3A_30 = arith.maximumf %add3A_28, %max3A_29 : vector<2000x128xf32>
    %get3A_31 = arith.constant 0 : index
    %get3A_32 = arith.constant 0 : index
    %get3A_33 = vector.load %arg5[%get3A_31, %get3A_32] : memref<128x128xf32, #tpu.memory_space<vmem>>, vector<128x128xf32>
    %dot_general3A_34 = arith.constant dense<0.000000e+00> : vector<2000x128xf32>
    %dot_general3A_35 = tpu.matmul %max3A_30, %get3A_33, %dot_general3A_34 {dimension_numbers = #tpu.dot_dimension_numbers<[1], [0], [0], [1], [0, 0, 1, 1], [], []>, transpose_lhs_hint = false} : vector<2000x128xf32>, vector<128x128xf32>, vector<2000x128xf32> -> vector<2000x128xf32>
    %get3A_36 = arith.constant 0 : index
    %get3A_37 = arith.constant 0 : index
    %get3A_38 = vector.load %arg6[%get3A_36, %get3A_37] : memref<1x128xf32, #tpu.memory_space<vmem>>, vector<1x128xf32>
    %add3A_39 = vector.broadcast %get3A_38 : vector<1x128xf32> to vector<2000x128xf32>
    %add3A_40 = arith.addf %dot_general3A_35, %add3A_39 : vector<2000x128xf32>
    %swap3A = arith.constant 0 : index
    %swap3A_41 = arith.constant 0 : index
    %swap3A_42 = vector.load %arg8[%swap3A, %swap3A_41] : memref<2000x128xf32, #tpu.memory_space<vmem>>, vector<2000x128xf32>
    tpu.vector_store %arg8[%swap3A, %swap3A_41], %add3A_40 {strides = array<i32>} : memref<2000x128xf32, #tpu.memory_space<vmem>>, vector<2000x128xf32>,
    return
  }
  func.func @transform_0(%arg0: i32) -> (i32, i32, i32) {
    %c0_i32 = arith.constant 0 : i32
    %c0_i32_0 = arith.constant 0 : i32
    %c0_i32_1 = arith.constant 0 : i32
    return %c0_i32, %arg0, %c0_i32_0 : i32, i32, i32
  }
  func.func @transform_1(%arg0: i32) -> (i32, i32) {
    %c0_i32 = arith.constant 0 : i32
    %c0_i32_0 = arith.constant 0 : i32
    return %arg0, %c0_i32 : i32, i32
  }
  func.func @transform_2(%arg0: i32) -> (i32, i32) {
    %c0_i32 = arith.constant 0 : i32
    %c0_i32_0 = arith.constant 0 : i32
    %c0_i32_1 = arith.constant 0 : i32
    return %c0_i32, %c0_i32_0 : i32, i32
  }
  func.func @transform_3(%arg0: i32) -> (i32, i32) {
    %c0_i32 = arith.constant 0 : i32
    %c0_i32_0 = arith.constant 0 : i32
    %c0_i32_1 = arith.constant 0 : i32
    return %c0_i32, %c0_i32_0 : i32, i32
  }
  func.func @transform_4(%arg0: i32) -> (i32, i32) {
    %c0_i32 = arith.constant 0 : i32
    %c0_i32_0 = arith.constant 0 : i32
    %c0_i32_1 = arith.constant 0 : i32
    return %c0_i32, %c0_i32_0 : i32, i32
  }
  func.func @transform_5(%arg0: i32) -> (i32, i32) {
    %c0_i32 = arith.constant 0 : i32
    %c0_i32_0 = arith.constant 0 : i32
    %c0_i32_1 = arith.constant 0 : i32
    return %c0_i32, %c0_i32_0 : i32, i32
  }
  func.func @transform_6(%arg0: i32) -> (i32, i32) {
    %c0_i32 = arith.constant 0 : i32
    %c0_i32_0 = arith.constant 0 : i32
    %c0_i32_1 = arith.constant 0 : i32
    return %c0_i32, %c0_i32_0 : i32, i32
  }
  func.func @transform_7(%arg0: i32) -> (i32, i32) {
    %c0_i32 = arith.constant 0 : i32
    %c0_i32_0 = arith.constant 0 : i32
    return %arg0, %c0_i32 : i32, i32
  }
}

</mosaic_0001>

<sc_bundles>
// kernel: kernel.4.cloned.1.call-start
scs
__scs_entry_jumppad:
0x0: {  	(pc) =	sbr.rel $0x88, $3  }
0x1: {  	(tag) =	ssettag $0x0;
	lr =	simm.s32 $0x1  }
0x2: {  	[smem:$0x3F9A] =	sst lr;
	_ =	strace $0xD0000000  }
0x3: {  	_ = 	snop  }
0x4: {  	_ = 	snop  }
0x5: {  	_ = 	snop  }
0x6: {  	_ = 	snop  }
0x7: {  	_ = 	snop  }
__scs_overlays_trampoline_lowered:
0x8: {  	[smem:$0x3FA9] =	sst s0  }
0x9: {  	[smem:$0x3FAA] =	sst s1  }
0xa: {  	[smem:$0x3FAB] =	sst s2  }
0xb: {  	[smem:$0x3FAC] =	sst s3  }
0xc: {  	[smem:$0x3FAD] =	sst s4  }
0xd: {  	[smem:$0x3FAE] =	sst s5  }
0xe: {  	[smem:$0x3FAF] =	sst s6  }
0xf: {  	[smem:$0x3FB0] =	sst s7  }
0x10: {  	[smem:$0x3FB1] =	sst s8  }
0x11: {  	[smem:$0x3FB2] =	sst s9;
	s0 =	simm.s32 @!p0 $0x0  }
0x12: {  	s1 =	sld [smem:$0x3F98];
	s0 =	simm.s32 @p0 $0x1  }
0x13: {  	[smem:$0x3FB3] =	sst s0;
	s0 =	simm.s32 @!p1 $0x0  }
0x14: {  	s2 =	sld [smem:$0x3F97];
	s0 =	simm.s32 @p1 $0x1  }
0x15: {  	[smem:$0x3FB4] =	sst s0;
	s0 =	simm.s32 @!p2 $0x0  }
0x16: {  	s3 =	sld [smem:$0x3FDB];
	s0 =	simm.s32 @p2 $0x1  }
0x17: {  	s4 =	simm.s32 $0x1BF5;
	[smem:$0x3FB6] =	sst s0  }
0x18: {  	s0 =	sld [smem:$0x3F99];
	_ =	swait.ge [sflag:s4], $0x0  }
0x19: {  	s7 =	sld [smem:$0x3F9A]  }
0x1a: {  	s8 =	sadd.s32 $0xFFFFE003, lr  }
0x1b: {  	s9 =	sadd.s32 $0xFFFFFEF7, lr;
	s5 =	simm.s32 $0xFFFFFFFF;
	p2 =	slt.u32 s8, $0xFFFFF086  }
0x1c: {  	p1 =	slt.u32 s9, $0xF7A;
	s5 =	simm.s32 @!p2 $0x0  }
0x1d: {  	s5 =	simm.s32 @p1 $0x1;
	p0 =	seq.s32 s7, s2  }
0x1e: {  	s7 =	smul.u32 @!p0 $0xF7A, s2;
	p2 =	seq.s32 @!p0 s5, $0x0  }
0x1f: {  	s9 =	smul.u32 $0xF7A, s1;
	s8 =	simm.s32 @!p0 $0x1BF5;
	p2 =	por !p2, p0  }
0x20: {  	[sflag:s8] =	ssyncset.s32 @!p0 $0xFFFFF086;
	s6 =	sadd.s32 @!p0 s3, s7;
	s7 =	simm.s32 @!p0 $0x108  }
0x21: {  	s3 =	sadd.s32 s3, s9;
	s6 =	sadd.s32 @!p0 $0x88, s6;
	s7 =	simm.s32 @p2 $0x1082  }
0x22: {  	[simem:s7], [sflag:s8] =	dma.local @!p0 [hbm:s6], $0xF7A  }
0x23: {  	s9 =	sor.u32 $0xD0000000, s2;
	s6 =	simm.s32 $0x108;
	_ =	swait.ge @!p0 [sflag:s8], $0x0  }
0x24: {  	s3 =	sadd.s32 $0x88, s3;
	s6 =	simm.s32 @!p1 $0x1082;
	[sflag:s4] =	ssyncset.s32 $0xFFFFF086  }
0x25: {  	[simem:s6], [sflag:s4] =	dma.local [hbm:s3], $0xF7A  }
0x26: {  	[smem:$0x3F9A] =	sst s1;
	(tag) =	ssettag s2;
	_ =	strace s9  }
0x27: {  	s1 =	sld [smem:$0x3FAA]  }
0x28: {  	s2 =	sld [smem:$0x3FAB]  }
0x29: {  	s4 =	sld [smem:$0x3FAD]  }
0x2a: {  	p0 =	seq.s32 s5, $0x0;
	s5 =	sld [smem:$0x3FAE]  }
0x2b: {  	s6 =	sld [smem:$0x3FAF]  }
0x2c: {  	s7 =	sld [smem:$0x3FB0]  }
0x2d: {  	s3 =	simm.s32 $0x108;
	s8 =	sld [smem:$0x3FB1]  }
0x2e: {  	s3 =	simm.s32 @!p0 $0x1082;
	s9 =	sld [smem:$0x3FB2]  }
0x2f: {  	lr =	sadd.s32 s0, s3;
	s0 =	sld [smem:$0x3FA9]  }
0x30: {  	s3 =	sld [smem:$0x3FAC]  }
0x31: {  	[smem:$0x3FB5] =	sst s10  }
0x32: {  	s10 =	sld [smem:$0x3FB3];
	_ =	sdelay $0x3  }
0x33: {  	p0 =	seq.s32 s10, $0x1;
	s10 =	sld [smem:$0x3FB5];
	_ =	sdelay $0x3  }
0x34: {  	[smem:$0x3FB5] =	sst s10  }
0x35: {  	s10 =	sld [smem:$0x3FB4];
	_ =	sdelay $0x3  }
0x36: {  	p1 =	seq.s32 s10, $0x1;
	s10 =	sld [smem:$0x3FB5];
	_ =	sdelay $0x3  }
0x37: {  	[smem:$0x3FB5] =	sst s10  }
0x38: {  	s10 =	sld [smem:$0x3FB6]  }
0x39: {  	_ = 	snop;
	(pc) =	sbr.ind lr, $3  }
0x3a: {  	_ = 	snop  }
0x3b: {  	_ = 	snop  }
0x3c: {  	p2 =	seq.s32 s10, $0x1;
	s10 =	sld [smem:$0x3FB5]  }
0x3d: {  	_ =	shalt  }
0x3e: {  	_ =	shalt  }
0x3f: {  	_ =	shalt  }
0x40: {  	_ =	shalt  }
0x41: {  	_ =	shalt  }
0x42: {  	_ =	shalt  }
0x43: {  	_ =	shalt  }
0x44: {  	_ =	shalt  }
0x45: {  	_ =	shalt  }
0x46: {  	_ =	shalt  }
0x47: {  	_ =	shalt  }
0x48: {  	_ =	shalt  }
0x49: {  	_ =	shalt  }
0x4a: {  	_ =	shalt  }
0x4b: {  	_ =	shalt  }
0x4c: {  	_ =	shalt  }
0x4d: {  	_ =	shalt  }
0x4e: {  	_ =	shalt  }
0x4f: {  	_ =	shalt  }
0x50: {  	_ =	shalt  }
0x51: {  	_ =	shalt  }
0x52: {  	_ =	shalt  }
0x53: {  	_ =	shalt  }
0x54: {  	_ =	shalt  }
0x55: {  	_ =	shalt  }
0x56: {  	_ =	shalt  }
0x57: {  	_ =	shalt  }
0x58: {  	_ =	shalt  }
0x59: {  	_ =	shalt  }
0x5a: {  	_ =	shalt  }
0x5b: {  	_ =	shalt  }
0x5c: {  	_ =	shalt  }
0x5d: {  	_ =	shalt  }
0x5e: {  	_ =	shalt  }
0x5f: {  	_ =	shalt  }
0x60: {  	_ =	shalt  }
0x61: {  	_ =	shalt  }
0x62: {  	_ =	shalt  }
0x63: {  	_ =	shalt  }
0x64: {  	_ =	shalt  }
0x65: {  	_ =	shalt  }
0x66: {  	_ =	shalt  }
0x67: {  	_ =	shalt  }
0x68: {  	_ =	shalt  }
0x69: {  	_ =	shalt  }
0x6a: {  	_ =	shalt  }
0x6b: {  	_ =	shalt  }
0x6c: {  	_ =	shalt  }
0x6d: {  	_ =	shalt  }
0x6e: {  	_ =	shalt  }
0x6f: {  	_ =	shalt  }
0x70: {  	_ =	shalt  }
0x71: {  	_ =	shalt  }
0x72: {  	_ =	shalt  }
0x73: {  	_ =	shalt  }
0x74: {  	_ =	shalt  }
0x75: {  	_ =	shalt  }
0x76: {  	_ =	shalt  }
0x77: {  	_ =	shalt  }
0x78: {  	_ =	shalt  }
0x79: {  	_ =	shalt  }
0x7a: {  	_ =	shalt  }
0x7b: {  	_ =	shalt  }
0x7c: {  	_ =	shalt  }
0x7d: {  	_ =	shalt  }
0x7e: {  	_ =	shalt  }
0x7f: {  	_ =	shalt  }
0x80: {  	_ =	shalt  }
0x81: {  	_ =	shalt  }
0x82: {  	_ =	shalt  }
0x83: {  	_ =	shalt  }
0x84: {  	_ =	shalt  }
0x85: {  	_ =	shalt  }
0x86: {  	_ =	shalt  }
0x87: {  	_ =	shalt  }
.Lfunc_end0:
.L_simem_size_0:
called_computation_lowered:
.L_overlay_start_0:
0x88: {  	s2 =	sld [smem:$0x3FD9]  }
0x89: {  	s3 =	sld [smem:$0x3FFE];
	_ =	sdelay $0x1  }
0x8a: {  	s1 =	srdreg.scid  }
0x8b: {  	s0 =	sand.u32 $0x1, s1  }
0x8c: {  	s17 =	sshll.u32 s0, $0xA;
	s2 =	sadd.s32 s3, s2  }
0x8d: {  	s2 =	sadd.s32 s2, s17  }
0x8e: {  	[smem:$0x3FC1] =	sst s2  }
0x8f: {  	_ = 	snop  }
0x90: {  	s2 =	sld [smem:$0x3FC9]  }
0x91: {  	s18 =	sld [smem:$0x3FD0];
	(tm) =	ssettm $0x1  }
0x92: {  	s4 =	sld [smem:$0x3FFB];
	_ =	sdelay $0x3  }
0x93: {  	_ =	strace s4  }
0x94: {  	s4 =	sld [smem:$0x3FFC];
	_ =	sdelay $0x3  }
0x95: {  	_ =	strace s4  }
0x96: {  	s4 =	sld [smem:$0x3FFD];
	_ =	sdelay $0x3  }
0x97: {  	_ =	strace s4  }
0x98: {  	_ =	strace $0x8FFFFFFF  }
0x99: {  	s19 =	sld [smem:$0x3FDB];
	_ =	sdelay $0x1  }
0x9a: {  	s5 =	simm.s32 $_scs_section_size  }
0x9b: {  	s6 =	simm.s32 $_size__tile_overlayer_lowered;
	s7 =	simm.s32 $_tile_overlayer_lowered  }
0x9c: {  	s22 =	simm.s32 $0x1BFF;
	s21 =	sshll.u32 s7, $0x1;
	s4 =	sadd.s32 s5, s19  }
0x9d: {  	s8 =	simm.s32 $0x0;
	s20 =	sshll.u32 s6, $0x1;
	s6 =	sadd.s32 s21, s4  }
0x9e: {  	[timem:s8], [sflag:s22] =	dma.local [hbm:s6], s20  }
0x9f: {  	_ =	swait.ge [sflag:s22], s20  }
0xa0: {  	s5 =	ssub.s32 $0x0, s20;
	[sflag:s22] =	ssyncset.done $0x0  }
0xa1: {  	[sflag:s22] =	ssyncadd.s32 s5;
	_ =	sdelay $0x1  }
0xa2: {  	s23 =	simm.s32 $0x1B8B  }
0xa3: {  	_ =	swait.ge [sflag:s23], $0x1  }
0xa4: {  	[sflag:s23] =	ssyncset.done $0x0  }
0xa5: {  	s25 =	simm.s32 $0x1B8E;
	s24 =	sld [smem:$0x3FFE];
	[sflag:s23] =	ssyncadd.s32 $0xFFFFFFFF  }
0xa6: {  	s26 =	simm.s32 $execute0_lowered;
	[smem:$0x3FD2] =	sst s25  }
0xa7: {  	s6 =	sshll.u32 s26, $0x1;
	_ =	strace $0x80000046;
	[dreg:$0x1] =	wrdreg $0xFFFFFFFF  }
0xa8: {  	s28 =	simm.s32 $_size_execute0_lowered;
	s4 =	sadd.s32 s4, s6;
	[dreg:$0x0] =	wrdreg $0x0  }
0xa9: {  	s6 =	sshll.u32 s28, $0x1;
	[dreg:$0x2] =	wrdreg s4  }
0xaa: {  	[dreg:$0x3] =	wrdreg s6  }
0xab: {  	[dreg:$0x4] =	wrdreg $0xC0  }
0xac: {  	_ =	task [dreg:s8], $0x5FFFF  }
0xad: {  	[dreg:$0x1] =	wrdreg $0xFFFFFFFF  }
0xae: {  	[dreg:$0x0] =	wrdreg $0x60  }
0xaf: {  	[dreg:$0x2] =	wrdreg s2  }
0xb0: {  	[dreg:$0x3] =	wrdreg s18  }
0xb1: {  	[dreg:$0x4] =	wrdreg s24  }
0xb2: {  	[dreg:$0x5] =	wrdreg $0x0  }
0xb3: {  	[dreg:$0x6] =	wrdreg $0x9  }
0xb4: {  	_ =	task.clear_ibuf [dreg:s8], $0x7FFFF;
	_ =	strace $0x90000046  }
0xb5: {  	s29 =	simm.s32 $0x9;
	_ =	strace $0x80000048  }
0xb6: {  	_ =	swait.ge [sflag:s29], $0x1  }
0xb7: {  	[sflag:s29] =	ssyncadd.s32 $0xFFFFFFFF  }
0xb8: {  	_ =	strace $0x90000048  }
0xb9: {  	_ =	sfence  }
0xba: {  	s30 =	sld [smem:$0x0];
	_ =	sdelay $0x2  }
0xbb: {  	s31 =	sshll.u32 s1, $0xD;
	s1 =	sshrl.u32 s1, $0x2  }
0xbc: {  	s3 =	sand.u32 $0x4000, s31;
	s1 =	sadd.s32 s1, s30  }
0xbd: {  	s0 =	sor.u32 s3, s0;
	s1 =	sshll.u32 s1, $0x11  }
0xbe: {  	s0 =	sor.u32 s1, s0  }
0xbf: {  	s0 =	sadd.s32 $0x8F2B, s0  }
0xc0: {  	[sflag:s0] =	ssyncadd.remote.s32 $0x1  }
0xc1: {  	_ =	sfence.sel $0xFFFF  }
0xc2: {  	[dreg:$0x0] =	wrdreg $0xFFFFFFFF;
	(pc) =	sbr.abs _section_cstart, $3  }
0xc3: {  	[dreg:$0x1] =	wrdreg $0xFFFFFFFF  }
0xc4: {  	_ =	task.clear_ibuf [dreg:s8], $0x2FFFF;
	_ =	strace $0x9FFFFFFF  }
0xc5: {  	(tm) =	ssettm $0x7FFFFFFF  }
tec
execute0_lowered:
.L_overlay_start_1:
0x0: {  	(tag) =	ssettag $0x1  }
0x1: {  	s2 =	rddreg [dreg:$0x1]  }
0x2: {  	s0 =	rddreg [dreg:$0x2]  }
0x3: {  	s3 =	rddreg [dreg:$0x3]  }
0x4: {  	s4 =	srdreg.scid;
	s5 =	simm.s32 $0x0;
	s11 =	stileid.u32  }
0x5: {  	s28 =	simm.s32 $0x28;
	s31 =	simm.s32 $0xA;
	s4 =	sand.u32 $0x1, s4  }
0x6: {  	[smem:$0x7FF] =	sst s5;
	s9 =	sadd.s32 $0x1600, s0;
	s6 =	sshll.u32 s4, $0x4  }
0x7: {  	s7 =	smul.u32 $0x28000, s4;
	_ =	strace $0x80000047;
	s6 =	sor.u32 s11, s6  }
0x8: {  	s8 =	ssub.s32 $0x2, s4;
	[dreg:$0x5] =	wrdreg s9;
	s6 =	smul.u32 $0x2710, s6  }
0x9: {  	s4 =	smul.u32 $0x27100, s4;
	s15 =	sshrl.u32 s8, $0x1;
	s0 =	sadd.s32 s7, s0  }
0xa: {  	s7 =	ssub.s32 s8, s15;
	s16 =	sshrl.u32 s6, $0x3;
	s17 =	sadd.s32 $0x28, s6  }
0xb: {  	s19 =	sadd.s32 $0x4E228, s6;
	s22 =	sadd.s32 $0x78, s6;
	s24 =	sadd.s32 $0x4E278, s6  }
0xc: {  	s26 =	sadd.s32 $0xC8, s6;
	s30 =	sadd.s32 $0x4E2C8, s6;
	s14 =	sadd.s32 $0x118, s6  }
0xd: {  	s15 =	sadd.s32 $0x4E318, s6;
	s12 =	sadd.s32 s2, s16;
	s18 =	sshrl.u32 s17, $0x3  }
0xe: {  	s20 =	sshrl.u32 s19, $0x3;
	s10 =	sadd.s32 $0x9C40, s12;
	[dreg:$0x6] =	wrdreg s12  }
0xf: {  	s25 =	sshrl.u32 s24, $0x3;
	s8 =	sadd.s32 s2, s18;
	[dreg:$0x7] =	wrdreg s10  }
0x10: {  	s29 =	sshrl.u32 s26, $0x3;
	s21 =	sadd.s32 $0xA, s12;
	[dreg:$0x8] =	wrdreg s8  }
0x11: {  	s13 =	sshrl.u32 s30, $0x3;
	s23 =	sadd.s32 $0x9C4A, s12;
	[dreg:$0xa] =	wrdreg s21  }
0x12: {  	s16 =	smul.u32 $0x2710, s11;
	s1 =	sadd.s32 $0x14, s12;
	[dreg:$0xb] =	wrdreg s23  }
0x13: {  	s19 =	sadd.s32 $0x168, s6;
	s24 =	sadd.s32 $0x9C54, s12;
	[dreg:$0xe] =	wrdreg s1  }
0x14: {  	s6 =	sadd.s32 $0x4E368, s6;
	s26 =	sadd.s32 $0x9C5E, s12;
	[dreg:$0x19] =	wrdreg s24  }
0x15: {  	s18 =	smul.u32 $0x2800, s11;
	s30 =	sadd.s32 $0x9C68, s12;
	[dreg:$0x1b] =	wrdreg s26  }
0x16: {  	s6 =	sshrl.u32 s6, $0x3;
	s8 =	sadd.s32 s2, s20;
	[dreg:$0x1d] =	wrdreg s30  }
0x17: {  	s0 =	sadd.s32 $0x3E00, s0;
	s6 =	sadd.s32 s2, s6;
	[dreg:$0x9] =	wrdreg s8  }
0x18: {  	s4 =	sadd.s32 s16, s4;
	s0 =	sadd.s32 s18, s0;
	[dreg:$0x15] =	wrdreg s6  }
0x19: {  	s8 =	sshrl.u32 s22, $0x3;
	s22 =	smax.u32 s7, $0x1;
	[dreg:$0x12] =	wrdreg s0  }
0x1a: {  	s20 =	smul.u32 $0x50000, s11;
	s23 =	sadd.s32 $0x4E4F8, s4;
	[dreg:$0x17] =	wrdreg s22  }
0x1b: {  	s9 =	simm.s32 $0x19800;
	s8 =	sadd.s32 s2, s8;
	[dreg:$0x18] =	wrdreg s23  }
0x1c: {  	s0 =	sshrl.u32 s20, $0x2;
	[dreg:$0xc] =	wrdreg s8;
	s8 =	sadd.s32 s2, s25  }
0x1d: {  	s17 =	sshrl.u32 s15, $0x3;
	s0 =	sadd.s32 s0, s3;
	[dreg:$0xd] =	wrdreg s8  }
0x1e: {  	s21 =	sshrl.u32 s19, $0x3;
	s25 =	sadd.s32 $0x1E, s12;
	[dreg:$0x16] =	wrdreg s0  }
0x1f: {  	s26 =	simm.s32 $0x6;
	s8 =	sadd.s32 s2, s29;
	[dreg:$0x1a] =	wrdreg s25  }
0x20: {  	s1 =	simm.s32 $0x15C00;
	[dreg:$0xf] =	wrdreg s8;
	s8 =	sadd.s32 s2, s13  }
0x21: {  	s29 =	sadd.s32 $0x28, s12;
	[dreg:$0x10] =	wrdreg s8;
	s8 =	sshrl.u32 s14, $0x3  }
0x22: {  	s7 =	simm.s32 $0x14800;
	[dreg:$0x1c] =	wrdreg s29;
	s8 =	sadd.s32 s2, s8  }
0x23: {  	s6 =	simm.s32 $0x18400;
	[dreg:$0x11] =	wrdreg s8;
	s8 =	sadd.s32 s2, s17  }
0x24: {  	s4 =	simm.s32 $0x7;
	[dreg:$0x13] =	wrdreg s8;
	s8 =	sadd.s32 s2, s21  }
0x25: {  	s0 =	simm.s32 $0x17000;
	[dreg:$0x14] =	wrdreg s8;
	s8 =	simm.s32 $0x0  }
.LBB2_1:
0x26: {  	[dreg:$0x1e] =	wrdreg s8  }
0x27: {  	s16 =	rddreg [dreg:$0x6];
	s15 =	simm.s32 $0x1AC00  }
0x28: {  	[tilespmem:s15], [sflag:$0x6] =	stream.linear.gather [hbm4b:s16+s5], $0x28, $0x38;
	[tilespmem:$0x1B400] =	vst v63  }
0x29: {  	s17 =	rddreg [dreg:$0x7];
	s18 =	simm.s32 $0x14000  }
0x2a: {  	[tilespmem:s18], [sflag:$0x6] =	stream.linear.gather [hbm4b:s17+s5], $0x28, $0x38;
	[tilespmem:$0x1B400] =	vst v63  }
0x2b: {  	s19 =	rddreg [dreg:$0x8];
	s30 =	simm.s32 $0x1AC80  }
0x2c: {  	[tilespmem:s30], [sflag:$0x6] =	stream.linear.gather [hbm4b:s19+s5], $0x28, $0x38;
	[tilespmem:$0x1B400] =	vst v63  }
0x2d: {  	s20 =	rddreg [dreg:$0x9];
	s19 =	simm.s32 $0x14080  }
0x2e: {  	[tilespmem:s19], [sflag:$0x6] =	stream.linear.gather [hbm4b:s20+s5], $0x28, $0x38;
	[tilespmem:$0x1B400] =	vst v63  }
0x2f: {  	s21 =	rddreg [dreg:$0xa];
	s19 =	simm.s32 $0x1AD00  }
0x30: {  	[tilespmem:s19], [sflag:$0x6] =	stream.linear.gather [hbm4b:s21+s5], $0x28, $0x38;
	[tilespmem:$0x1B400] =	vst v63  }
0x31: {  	s22 =	rddreg [dreg:$0xb];
	s20 =	simm.s32 $0x14100  }
0x32: {  	[tilespmem:s20], [sflag:$0x6] =	stream.linear.gather [hbm4b:s22+s5], $0x28, $0x38;
	[tilespmem:$0x1B400] =	vst v63  }
0x33: {  	s23 =	rddreg [dreg:$0xc];
	s20 =	simm.s32 $0x1AD80  }
0x34: {  	[tilespmem:s20], [sflag:$0x6] =	stream.linear.gather [hbm4b:s23+s5], $0x28, $0x38;
	[tilespmem:$0x1B400] =	vst v63  }
0x35: {  	s24 =	rddreg [dreg:$0xd];
	s17 =	simm.s32 $0x14180  }
0x36: {  	[tilespmem:s17], [sflag:$0x6] =	stream.linear.gather [hbm4b:s24+s5], $0x28, $0x38;
	[tilespmem:$0x1B400] =	vst v63  }
0x37: {  	s25 =	rddreg [dreg:$0xe];
	s17 =	simm.s32 $0x1AE00  }
0x38: {  	[tilespmem:s17], [sflag:$0x6] =	stream.linear.gather [hbm4b:s25+s5], $0x28, $0x38;
	[tilespmem:$0x1B400] =	vst v63  }
0x39: {  	s18 =	rddreg [dreg:$0x19];
	s21 =	simm.s32 $0x14200  }
0x3a: {  	[tilespmem:s21], [sflag:$0x6] =	stream.linear.gather [hbm4b:s18+s5], $0x28, $0x38;
	[tilespmem:$0x1B400] =	vst v63  }
0x3b: {  	s22 =	rddreg [dreg:$0xf];
	s23 =	simm.s32 $0x1B000  }
0x3c: {  	[tilespmem:s23], [sflag:$0x7] =	stream.linear.gather [hbm4b:s22+s5], $0x28, $0x38;
	[tilespmem:$0x1B400] =	vst v63  }
0x3d: {  	s13 =	simm.s32 $0x14400;
	s24 =	rddreg [dreg:$0x10]  }
0x3e: {  	[tilespmem:s13], [sflag:$0x7] =	stream.linear.gather [hbm4b:s24+s5], $0x28, $0x38;
	[tilespmem:$0x1B400] =	vst v63  }
0x3f: {  	s25 =	rddreg [dreg:$0x1a];
	s13 =	simm.s32 $0x1B080  }
0x40: {  	[tilespmem:s13], [sflag:$0x7] =	stream.linear.gather [hbm4b:s25+s5], $0x28, $0x38;
	[tilespmem:$0x1B400] =	vst v63  }
0x41: {  	s12 =	simm.s32 $0x14480;
	s18 =	rddreg [dreg:$0x1b]  }
0x42: {  	[tilespmem:s12], [sflag:$0x7] =	stream.linear.gather [hbm4b:s18+s5], $0x28, $0x38;
	[tilespmem:$0x1B400] =	vst v63  }
0x43: {  	s21 =	rddreg [dreg:$0x11];
	s23 =	simm.s32 $0x1B100  }
0x44: {  	[tilespmem:s23], [sflag:$0x7] =	stream.linear.gather [hbm4b:s21+s5], $0x28, $0x38;
	[tilespmem:$0x1B400] =	vst v63  }
0x45: {  	s11 =	simm.s32 $0x14500;
	s12 =	rddreg [dreg:$0x13]  }
0x46: {  	[tilespmem:s11], [sflag:$0x7] =	stream.linear.gather [hbm4b:s12+s5], $0x28, $0x38;
	[tilespmem:$0x1B400] =	vst v63  }
0x47: {  	s29 =	simm.s32 $0x1B180;
	s13 =	rddreg [dreg:$0x1c]  }
0x48: {  	[tilespmem:s29], [sflag:$0x7] =	stream.linear.gather [hbm4b:s13+s5], $0x28, $0x38;
	[tilespmem:$0x1B400] =	vst v63  }
0x49: {  	s10 =	simm.s32 $0x14580;
	s18 =	rddreg [dreg:$0x1d]  }
0x4a: {  	[tilespmem:s10], [sflag:$0x7] =	stream.linear.gather [hbm4b:s18+s5], $0x28, $0x38;
	[tilespmem:$0x1B400] =	vst v63  }
0x4b: {  	s25 =	simm.s32 $0x1B200;
	s10 =	rddreg [dreg:$0x14]  }
0x4c: {  	[tilespmem:s25], [sflag:$0x7] =	stream.linear.gather [hbm4b:s10+s5], $0x28, $0x38;
	[tilespmem:$0x1B400] =	vst v63  }
0x4d: {  	s8 =	simm.s32 $0x14600;
	s11 =	rddreg [dreg:$0x15]  }
0x4e: {  	[tilespmem:s8], [sflag:$0x7] =	stream.linear.gather [hbm4b:s11+s5], $0x28, $0x38;
	[tilespmem:$0x1B400] =	vst v63  }
0x4f: {  	_ =	swait.ge [sflag:s26], $0x28  }
0x50: {  	[sflag:s26] =	ssyncset.done $0x0  }
0x51: {  	[sflag:s26] =	ssyncadd.s32 $0xFFFFFFD8  }
0x52: {  	_ =	swait.ge [sflag:s26], $0x28  }
0x53: {  	[sflag:s26] =	ssyncset.done $0x0  }
0x54: {  	[sflag:s26] =	ssyncadd.s32 $0xFFFFFFD8  }
0x55: {  	_ =	swait.ge [sflag:s26], $0x28  }
0x56: {  	[sflag:s26] =	ssyncset.done $0x0  }
0x57: {  	[sflag:s26] =	ssyncadd.s32 $0xFFFFFFD8  }
0x58: {  	_ =	swait.ge [sflag:s26], $0x28  }
0x59: {  	[sflag:s26] =	ssyncset.done $0x0  }
0x5a: {  	[sflag:s26] =	ssyncadd.s32 $0xFFFFFFD8  }
0x5b: {  	_ =	swait.ge [sflag:s26], $0x28  }
0x5c: {  	[sflag:s26] =	ssyncset.done $0x0  }
0x5d: {  	[sflag:s26] =	ssyncadd.s32 $0xFFFFFFD8  }
0x5e: {  	_ =	swait.ge [sflag:s26], $0x28  }
0x5f: {  	[sflag:s26] =	ssyncset.done $0x0  }
0x60: {  	[sflag:s26] =	ssyncadd.s32 $0xFFFFFFD8  }
0x61: {  	_ =	swait.ge [sflag:s26], $0x28  }
0x62: {  	[sflag:s26] =	ssyncset.done $0x0  }
0x63: {  	[sflag:s26] =	ssyncadd.s32 $0xFFFFFFD8  }
0x64: {  	_ =	swait.ge [sflag:s26], $0x28  }
0x65: {  	[sflag:s26] =	ssyncset.done $0x0  }
0x66: {  	[sflag:s26] =	ssyncadd.s32 $0xFFFFFFD8  }
0x67: {  	_ =	swait.ge [sflag:s26], $0x28  }
0x68: {  	[sflag:s26] =	ssyncset.done $0x0  }
0x69: {  	[sflag:s26] =	ssyncadd.s32 $0xFFFFFFD8  }
0x6a: {  	_ =	swait.ge [sflag:s26], $0x28  }
0x6b: {  	[sflag:s26] =	ssyncset.done $0x0  }
0x6c: {  	[sflag:s26] =	ssyncadd.s32 $0xFFFFFFD8  }
0x6d: {  	s12 =	rddreg [dreg:$0x0]  }
0x6e: {  	[tilespmem:s7], [sflag:$0x1] =	stream.indirect.gather [hbm4b:s12+s28], $0x80, s15, s28, $0xb8;
	[tilespmem:$0x1B400] =	vst v63  }
0x6f: {  	s13 =	stileid.u32  }
0x70: {  	[tilespmem:s1], [sflag:$0x2] =	stream.indirect.gather [hbm4b:s12+s28], $0x80, s30, s28, $0xb8;
	[tilespmem:$0x1B400] =	vst v63  }
0x71: {  	s16 =	sshll.u32 s13, $0x6  }
0x72: {  	[tilespmem:s0], [sflag:$0x3] =	stream.indirect.gather [hbm4b:s12+s28], $0x80, s19, s28, $0xb8;
	[tilespmem:$0x1B400] =	vst v63  }
0x73: {  	s15 =	sor.u32 $0x1C0D, s16  }
0x74: {  	[tilespmem:s6], [sflag:$0x4] =	stream.indirect.gather [hbm4b:s12+s28], $0x80, s20, s28, $0xb8;
	[tilespmem:$0x1B400] =	vst v63  }
0x75: {  	[dreg:$0x1f] =	wrdreg s15  }
0x76: {  	[tilespmem:s9], [sflag:$0x5] =	stream.indirect.gather [hbm4b:s12+s28], $0x80, s17, s28, $0xb8;
	[tilespmem:$0x1B400] =	vst v63  }
0x77: {  	s17 =	rddreg [dreg:$0x16]  }
0x78: {  	s30 =	rddreg [dreg:$0x5];
	s18 =	sshrl.u32 s17, $0x3  }
0x79: {  	s14 =	simm.s32 $0xD;
	[smem:$0x7FD] =	sst s18  }
0x7a: {  	[spmem:s18], [sflag:s15] =	dma.local [hbm:s30], $0x2800  }
.Ltmp0:
0x7b: {  	_ =	swait.ge [sflag:s14], $0x2800;
	(pc) =	sbr.rel .LBB2_2-.Ltmp0, $4  }
0x7c: {  	[sflag:s14] =	ssyncset.done $0x0  }
0x7d: {  	s22 =	simm.s32 $0x14400;
	s24 =	simm.s32 $0x14480;
	[sflag:s14] =	ssyncadd.s32 $0xFFFFD800  }
0x7e: {  	s21 =	simm.s32 $0x14500;
	s19 =	simm.s32 $0x1B000;
	[bflag:$0x0] =	sbarrier.arrive $0xFFFF  }
0x7f: {  	s20 =	simm.s32 $0x1B080;
	s17 =	simm.s32 $0x0;
	s16 =	rddreg [dreg:$0x18]  }
.LBB2_3:
0x80: {  	_ =	swait.ge [sflag:s26], $0x28  }
0x81: {  	[sflag:s26] =	ssyncset.done $0x0  }
0x82: {  	[sflag:s26] =	ssyncadd.s32 $0xFFFFFFD8  }
0x83: {  	_ =	swait.ge [sflag:s26], $0x28  }
0x84: {  	[sflag:s26] =	ssyncset.done $0x0  }
0x85: {  	[sflag:s26] =	ssyncadd.s32 $0xFFFFFFD8  }
0x86: {  	_ =	swait.ge [sflag:s26], $0x28  }
0x87: {  	[sflag:s26] =	ssyncset.done $0x0  }
0x88: {  	[sflag:s26] =	ssyncadd.s32 $0xFFFFFFD8  }
0x89: {  	_ =	swait.ge [sflag:s26], $0x28  }
0x8a: {  	[sflag:s26] =	ssyncset.done $0x0  }
0x8b: {  	[sflag:s26] =	ssyncadd.s32 $0xFFFFFFD8  }
0x8c: {  	_ =	swait.ge [sflag:s26], $0x28  }
0x8d: {  	[sflag:s26] =	ssyncset.done $0x0  }
0x8e: {  	[sflag:s26] =	ssyncadd.s32 $0xFFFFFFD8  }
0x8f: {  	_ =	swait.ge [sflag:s26], $0x28  }
0x90: {  	[sflag:s26] =	ssyncset.done $0x0  }
0x91: {  	[sflag:s26] =	ssyncadd.s32 $0xFFFFFFD8  }
0x92: {  	_ =	swait.ge [sflag:s26], $0x28  }
0x93: {  	[sflag:s26] =	ssyncset.done $0x0  }
0x94: {  	[sflag:s26] =	ssyncadd.s32 $0xFFFFFFD8  }
0x95: {  	_ =	swait.ge [sflag:s26], $0x28  }
0x96: {  	[sflag:s26] =	ssyncset.done $0x0  }
0x97: {  	[sflag:s26] =	ssyncadd.s32 $0xFFFFFFD8  }
0x98: {  	_ =	swait.ge [sflag:s26], $0x28  }
0x99: {  	[sflag:s26] =	ssyncset.done $0x0  }
0x9a: {  	[sflag:s26] =	ssyncadd.s32 $0xFFFFFFD8  }
0x9b: {  	_ =	swait.ge [sflag:s26], $0x28  }
0x9c: {  	[sflag:s26] =	ssyncset.done $0x0  }
0x9d: {  	[sflag:s26] =	ssyncadd.s32 $0xFFFFFFD8  }
0x9e: {  	_ =	swait.ge [sflag:s14], $0x1400  }
0x9f: {  	[sflag:s14] =	ssyncset.done $0x0  }
0xa0: {  	s18 =	simm.s32 $0x1AC00;
	[sflag:s14] =	ssyncadd.s32 $0xFFFFEC00  }
0xa1: {  	[tilespmem:s7], [sflag:$0x1] =	stream.indirect.gather [hbm4b:s23+s28], $0x80, s18, s28, $0xb8;
	[tilespmem:$0x1B400] =	vst v63  }
0xa2: {  	_ =	swait.ge [sflag:s15], $0x1400  }
0xa3: {  	[sflag:s15] =	ssyncset.done $0x0  }
0xa4: {  	[sflag:s15] =	ssyncadd.s32 $0xFFFFEC00;
	s15 =	simm.s32 $0x1AC80  }
0xa5: {  	[tilespmem:s1], [sflag:$0x2] =	stream.indirect.gather [hbm4b:s23+s28], $0x80, s15, s28, $0xb8;
	[tilespmem:$0x1B400] =	vst v63  }
0xa6: {  	_ =	swait.ge [sflag:s31], $0x1400  }
0xa7: {  	[sflag:s31] =	ssyncset.done $0x0  }
0xa8: {  	s19 =	simm.s32 $0x1AD00;
	[sflag:s31] =	ssyncadd.s32 $0xFFFFEC00  }
0xa9: {  	[tilespmem:s0], [sflag:$0x3] =	stream.indirect.gather [hbm4b:s23+s28], $0x80, s19, s28, $0xb8;
	[tilespmem:$0x1B400] =	vst v63  }
0xaa: {  	_ =	swait.ge [sflag:s30], $0x1400  }
0xab: {  	[sflag:s30] =	ssyncset.done $0x0  }
0xac: {  	s25 =	simm.s32 $0x1AD80;
	[sflag:s30] =	ssyncadd.s32 $0xFFFFEC00  }
0xad: {  	[tilespmem:s6], [sflag:$0x4] =	stream.indirect.gather [hbm4b:s23+s28], $0x80, s25, s28, $0xb8;
	[tilespmem:$0x1B400] =	vst v63  }
0xae: {  	_ =	swait.ge [sflag:s29], $0x1400  }
0xaf: {  	[sflag:s29] =	ssyncset.done $0x0  }
0xb0: {  	s30 =	simm.s32 $0x1AE00;
	[sflag:s29] =	ssyncadd.s32 $0xFFFFEC00  }
0xb1: {  	[tilespmem:s9], [sflag:$0x5] =	stream.indirect.gather [hbm4b:s23+s28], $0x80, s30, s28, $0xb8;
	[tilespmem:$0x1B400] =	vst v63  }
.LBB2_5:
0xb2: {  	s18 =	sadd.s32 $0xFFFB1D60, s16  }
0xb3: {  	s18 =	sshrl.u32 s18, $0x3  }
0xb4: {  	s19 =	simm.s32 $0x1B000;
	s11 =	sadd.s32 $0xFFFFFF60, s16;
	s18 =	sadd.s32 s2, s18  }
0xb5: {  	[tilespmem:s19], [sflag:$0x7] =	stream.linear.gather [hbm4b:s18+s5], $0x28, $0x38;
	[tilespmem:$0x1B400] =	vst v63  }
0xb6: {  	s18 =	sshrl.u32 s11, $0x3  }
0xb7: {  	s12 =	sadd.s32 $0xFFFB1D88, s16;
	s18 =	sadd.s32 s2, s18  }
0xb8: {  	[tilespmem:s20], [sflag:$0x7] =	stream.linear.gather [hbm4b:s18+s5], $0x28, $0x38;
	[tilespmem:$0x1B400] =	vst v63  }
0xb9: {  	s18 =	sshrl.u32 s12, $0x3  }
0xba: {  	s13 =	sadd.s32 $0xFFFFFF88, s16;
	s20 =	simm.s32 $0x1B080;
	s18 =	sadd.s32 s2, s18  }
0xbb: {  	[tilespmem:s20], [sflag:$0x7] =	stream.linear.gather [hbm4b:s18+s5], $0x28, $0x38;
	[tilespmem:$0x1B400] =	vst v63  }
0xbc: {  	s18 =	sshrl.u32 s13, $0x3  }
0xbd: {  	s14 =	sadd.s32 $0xFFFB1DB0, s16;
	s18 =	sadd.s32 s2, s18  }
0xbe: {  	[tilespmem:s21], [sflag:$0x7] =	stream.linear.gather [hbm4b:s18+s5], $0x28, $0x38;
	[tilespmem:$0x1B400] =	vst v63  }
0xbf: {  	s18 =	sshrl.u32 s14, $0x3  }
0xc0: {  	s23 =	simm.s32 $0x1B100;
	s15 =	sadd.s32 $0xFFFFFFB0, s16;
	s18 =	sadd.s32 s2, s18  }
0xc1: {  	[tilespmem:s23], [sflag:$0x7] =	stream.linear.gather [hbm4b:s18+s5], $0x28, $0x38;
	[tilespmem:$0x1B400] =	vst v63  }
0xc2: {  	s18 =	sshrl.u32 s15, $0x3  }
0xc3: {  	s21 =	sadd.s32 $0xFFFB1DD8, s16;
	s18 =	sadd.s32 s2, s18  }
0xc4: {  	[tilespmem:s22], [sflag:$0x7] =	stream.linear.gather [hbm4b:s18+s5], $0x28, $0x38;
	[tilespmem:$0x1B400] =	vst v63  }
0xc5: {  	s18 =	sshrl.u32 s21, $0x3  }
0xc6: {  	s29 =	simm.s32 $0x1B180;
	s22 =	sadd.s32 $0xFFFFFFD8, s16;
	s18 =	sadd.s32 s2, s18  }
0xc7: {  	[tilespmem:s29], [sflag:$0x7] =	stream.linear.gather [hbm4b:s18+s5], $0x28, $0x38;
	[tilespmem:$0x1B400] =	vst v63  }
0xc8: {  	s18 =	sshrl.u32 s22, $0x3  }
0xc9: {  	s18 =	sadd.s32 s2, s18  }
0xca: {  	[tilespmem:s24], [sflag:$0x7] =	stream.linear.gather [hbm4b:s18+s5], $0x28, $0x38;
	[tilespmem:$0x1B400] =	vst v63  }
0xcb: {  	s25 =	simm.s32 $0x1B200;
	s24 =	sadd.s32 $0xFFFB1E00, s16  }
0xcc: {  	s30 =	sshrl.u32 s16, $0x3;
	s17 =	sadd.s32 $0x1, s17;
	s18 =	sshrl.u32 s24, $0x3  }
0xcd: {  	s21 =	simm.s32 $0x14500;
	s22 =	simm.s32 $0x14400;
	s18 =	sadd.s32 s2, s18  }
0xce: {  	[tilespmem:s25], [sflag:$0x7] =	stream.linear.gather [hbm4b:s18+s5], $0x28, $0x38;
	[tilespmem:$0x1B400] =	vst v63  }
0xcf: {  	s16 =	sadd.s32 $0x190, s16;
	s24 =	simm.s32 $0x14480;
	s18 =	sadd.s32 s2, s30  }
0xd0: {  	[tilespmem:s8], [sflag:$0x7] =	stream.linear.gather [hbm4b:s18+s5], $0x28, $0x38;
	[tilespmem:$0x1B400] =	vst v63  }
.LBB2_2:
0xd1: {  	s11 =	simm.s32 $0x1  }
0xd2: {  	_ =	swait.ge [sflag:s11], $0x1400  }
0xd3: {  	s18 =	simm.s32 $0x14000;
	[sflag:s11] =	ssyncset.done $0x0  }
0xd4: {  	s7 =	simm.s32 $0x14800;
	s13 =	simm.s32 $0x2;
	[sflag:s11] =	ssyncadd.s32 $0xFFFFEC00  }
0xd5: {  	[spmem:s3] =	stream.indirect.scatter.add.f32 [tilespmem:s7], [sflag:$0x8], $0x80, s18, s28, $0xb8;
	[tilespmem:$0x1B400] =	vst v63  }
0xd6: {  	_ =	swait.ge [sflag:s13], $0x1400  }
0xd7: {  	s10 =	simm.s32 $0x14080;
	[sflag:s13] =	ssyncset.done $0x0  }
0xd8: {  	s1 =	simm.s32 $0x15C00;
	s8 =	simm.s32 $0x3;
	[sflag:s13] =	ssyncadd.s32 $0xFFFFEC00  }
0xd9: {  	[spmem:s3] =	stream.indirect.scatter.add.f32 [tilespmem:s1], [sflag:$0x9], $0x80, s10, s28, $0xb8;
	[tilespmem:$0x1B400] =	vst v63  }
0xda: {  	_ =	swait.ge [sflag:s8], $0x1400  }
0xdb: {  	s12 =	simm.s32 $0x14100;
	[sflag:s8] =	ssyncset.done $0x0  }
0xdc: {  	s0 =	simm.s32 $0x17000;
	s10 =	simm.s32 $0x4;
	[sflag:s8] =	ssyncadd.s32 $0xFFFFEC00  }
0xdd: {  	[spmem:s3] =	stream.indirect.scatter.add.f32 [tilespmem:s0], [sflag:$0xA], $0x80, s12, s28, $0xb8;
	[tilespmem:$0x1B400] =	vst v63  }
0xde: {  	_ =	swait.ge [sflag:s10], $0x1400  }
0xdf: {  	s14 =	simm.s32 $0x14180;
	[sflag:s10] =	ssyncset.done $0x0  }
0xe0: {  	s6 =	simm.s32 $0x18400;
	s12 =	simm.s32 $0x5;
	[sflag:s10] =	ssyncadd.s32 $0xFFFFEC00  }
0xe1: {  	[spmem:s3] =	stream.indirect.scatter.add.f32 [tilespmem:s6], [sflag:$0xB], $0x80, s14, s28, $0xb8;
	[tilespmem:$0x1B400] =	vst v63  }
0xe2: {  	_ =	swait.ge [sflag:s12], $0x1400  }
0xe3: {  	[sflag:s12] =	ssyncset.done $0x0  }
0xe4: {  	s15 =	simm.s32 $0x14200;
	s9 =	simm.s32 $0x19800;
	[sflag:s12] =	ssyncadd.s32 $0xFFFFEC00  }
0xe5: {  	[spmem:s3] =	stream.indirect.scatter.add.f32 [tilespmem:s9], [sflag:$0xC], $0x80, s15, s28, $0xb8;
	[tilespmem:$0x1B400] =	vst v63  }
0xe6: {  	_ =	swait.ge [sflag:s4], $0x28  }
0xe7: {  	[sflag:s4] =	ssyncset.done $0x0  }
0xe8: {  	[sflag:s4] =	ssyncadd.s32 $0xFFFFFFD8  }
0xe9: {  	_ =	swait.ge [sflag:s4], $0x28  }
0xea: {  	[sflag:s4] =	ssyncset.done $0x0  }
0xeb: {  	[sflag:s4] =	ssyncadd.s32 $0xFFFFFFD8  }
0xec: {  	_ =	swait.ge [sflag:s4], $0x28  }
0xed: {  	[sflag:s4] =	ssyncset.done $0x0  }
0xee: {  	[sflag:s4] =	ssyncadd.s32 $0xFFFFFFD8  }
0xef: {  	_ =	swait.ge [sflag:s4], $0x28  }
0xf0: {  	[sflag:s4] =	ssyncset.done $0x0  }
0xf1: {  	[sflag:s4] =	ssyncadd.s32 $0xFFFFFFD8  }
0xf2: {  	_ =	swait.ge [sflag:s4], $0x28  }
0xf3: {  	[sflag:s4] =	ssyncset.done $0x0  }
0xf4: {  	[sflag:s4] =	ssyncadd.s32 $0xFFFFFFD8  }
0xf5: {  	_ =	swait.ge [sflag:s4], $0x28  }
0xf6: {  	[sflag:s4] =	ssyncset.done $0x0  }
0xf7: {  	[sflag:s4] =	ssyncadd.s32 $0xFFFFFFD8  }
0xf8: {  	_ =	swait.ge [sflag:s4], $0x28  }
0xf9: {  	[sflag:s4] =	ssyncset.done $0x0  }
0xfa: {  	[sflag:s4] =	ssyncadd.s32 $0xFFFFFFD8  }
0xfb: {  	_ =	swait.ge [sflag:s4], $0x28  }
0xfc: {  	[sflag:s4] =	ssyncset.done $0x0  }
0xfd: {  	[sflag:s4] =	ssyncadd.s32 $0xFFFFFFD8  }
0xfe: {  	_ =	swait.ge [sflag:s4], $0x28  }
0xff: {  	[sflag:s4] =	ssyncset.done $0x0  }
0x100: {  	[sflag:s4] =	ssyncadd.s32 $0xFFFFFFD8  }
0x101: {  	_ =	swait.ge [sflag:s4], $0x28  }
0x102: {  	[sflag:s4] =	ssyncset.done $0x0  }
0x103: {  	s14 =	simm.s32 $0x8;
	[sflag:s4] =	ssyncadd.s32 $0xFFFFFFD8  }
0x104: {  	_ =	swait.ge [sflag:s14], $0x1400  }
0x105: {  	[sflag:s14] =	ssyncset.done $0x0  }
0x106: {  	[sflag:s14] =	ssyncadd.s32 $0xFFFFEC00  }
0x107: {  	s15 =	simm.s32 $0x9;
	s18 =	rddreg [dreg:$0x0]  }
0x108: {  	[tilespmem:s7], [sflag:$0x1] =	stream.indirect.gather [hbm4b:s18+s28], $0x80, s19, s28, $0xb8;
	[tilespmem:$0x1B400] =	vst v63  }
0x109: {  	_ =	swait.ge [sflag:s15], $0x1400  }
0x10a: {  	[sflag:s15] =	ssyncset.done $0x0  }
0x10b: {  	[sflag:s15] =	ssyncadd.s32 $0xFFFFEC00  }
0x10c: {  	[tilespmem:s1], [sflag:$0x2] =	stream.indirect.gather [hbm4b:s18+s28], $0x80, s20, s28, $0xb8;
	[tilespmem:$0x1B400] =	vst v63  }
0x10d: {  	_ =	swait.ge [sflag:s31], $0x1400  }
0x10e: {  	[sflag:s31] =	ssyncset.done $0x0  }
0x10f: {  	s30 =	simm.s32 $0xB;
	[sflag:s31] =	ssyncadd.s32 $0xFFFFEC00  }
0x110: {  	[tilespmem:s0], [sflag:$0x3] =	stream.indirect.gather [hbm4b:s18+s28], $0x80, s23, s28, $0xb8;
	[tilespmem:$0x1B400] =	vst v63  }
0x111: {  	_ =	swait.ge [sflag:s30], $0x1400  }
0x112: {  	[sflag:s30] =	ssyncset.done $0x0  }
0x113: {  	[sflag:s30] =	ssyncadd.s32 $0xFFFFEC00  }
0x114: {  	[tilespmem:s6], [sflag:$0x4] =	stream.indirect.gather [hbm4b:s18+s28], $0x80, s29, s28, $0xb8;
	[tilespmem:$0x1B400] =	vst v63  }
0x115: {  	s29 =	simm.s32 $0xC  }
0x116: {  	_ =	swait.ge [sflag:s29], $0x1400  }
0x117: {  	[sflag:s29] =	ssyncset.done $0x0  }
0x118: {  	p0 =	seq.s32 s17, $0x18;
	[sflag:s29] =	ssyncadd.s32 $0xFFFFEC00  }
0x119: {  	[tilespmem:s9], [sflag:$0x5] =	stream.indirect.gather [hbm4b:s18+s28], $0x80, s25, s28, $0xb8;
	[tilespmem:$0x1B400] =	vst v63  }
0x11a: {  	s23 =	smov.u32 s18;
	s18 =	sadd.s32 @!p0 $0xFFFB1C98, s16  }
0x11b: {  	s18 =	sshrl.u32 @!p0 s18, $0x3  }
0x11c: {  	s19 =	simm.s32 @!p0 $0x0;
	s20 =	simm.s32 @!p0 $0x1AC00;
	s18 =	sadd.s32 @!p0 s2, s18  }
0x11d: {  	[tilespmem:s20], [sflag:$0x6] =	stream.linear.gather @!p0 [hbm4b:s18+s19], $0x28, $0x38;
	[tilespmem:$0x1B400] =	vst v63  }
0x11e: {  	s18 =	sadd.s32 @!p0 $0xFFFFFE98, s16  }
0x11f: {  	s18 =	sshrl.u32 @!p0 s18, $0x3  }
0x120: {  	s20 =	simm.s32 @!p0 $0x14000;
	s18 =	sadd.s32 @!p0 s2, s18  }
0x121: {  	[tilespmem:s20], [sflag:$0x6] =	stream.linear.gather @!p0 [hbm4b:s18+s19], $0x28, $0x38;
	[tilespmem:$0x1B400] =	vst v63  }
0x122: {  	s18 =	sadd.s32 @!p0 $0xFFFB1CC0, s16  }
0x123: {  	s18 =	sshrl.u32 @!p0 s18, $0x3  }
0x124: {  	s20 =	simm.s32 @!p0 $0x1AC80;
	s18 =	sadd.s32 @!p0 s2, s18  }
0x125: {  	[tilespmem:s20], [sflag:$0x6] =	stream.linear.gather @!p0 [hbm4b:s18+s19], $0x28, $0x38;
	[tilespmem:$0x1B400] =	vst v63  }
0x126: {  	s18 =	sadd.s32 @!p0 $0xFFFFFEC0, s16  }
0x127: {  	s18 =	sshrl.u32 @!p0 s18, $0x3  }
0x128: {  	s20 =	simm.s32 @!p0 $0x14080;
	s18 =	sadd.s32 @!p0 s2, s18  }
0x129: {  	[tilespmem:s20], [sflag:$0x6] =	stream.linear.gather @!p0 [hbm4b:s18+s19], $0x28, $0x38;
	[tilespmem:$0x1B400] =	vst v63  }
0x12a: {  	s18 =	sadd.s32 @!p0 $0xFFFB1CE8, s16  }
0x12b: {  	s18 =	sshrl.u32 @!p0 s18, $0x3  }
0x12c: {  	s20 =	simm.s32 @!p0 $0x1AD00;
	s18 =	sadd.s32 @!p0 s2, s18  }
0x12d: {  	[tilespmem:s20], [sflag:$0x6] =	stream.linear.gather @!p0 [hbm4b:s18+s19], $0x28, $0x38;
	[tilespmem:$0x1B400] =	vst v63  }
0x12e: {  	s18 =	sadd.s32 @!p0 $0xFFFFFEE8, s16  }
0x12f: {  	s18 =	sshrl.u32 @!p0 s18, $0x3  }
0x130: {  	s20 =	simm.s32 @!p0 $0x14100;
	s18 =	sadd.s32 @!p0 s2, s18  }
0x131: {  	[tilespmem:s20], [sflag:$0x6] =	stream.linear.gather @!p0 [hbm4b:s18+s19], $0x28, $0x38;
	[tilespmem:$0x1B400] =	vst v63  }
0x132: {  	s18 =	sadd.s32 @!p0 $0xFFFB1D10, s16  }
0x133: {  	s18 =	sshrl.u32 @!p0 s18, $0x3  }
0x134: {  	s20 =	simm.s32 @!p0 $0x1AD80;
	s18 =	sadd.s32 @!p0 s2, s18  }
0x135: {  	[tilespmem:s20], [sflag:$0x6] =	stream.linear.gather @!p0 [hbm4b:s18+s19], $0x28, $0x38;
	[tilespmem:$0x1B400] =	vst v63  }
0x136: {  	s18 =	sadd.s32 @!p0 $0xFFFFFF10, s16  }
0x137: {  	s18 =	sshrl.u32 @!p0 s18, $0x3  }
0x138: {  	s20 =	simm.s32 @!p0 $0x14180;
	s18 =	sadd.s32 @!p0 s2, s18  }
0x139: {  	[tilespmem:s20], [sflag:$0x6] =	stream.linear.gather @!p0 [hbm4b:s18+s19], $0x28, $0x38;
	[tilespmem:$0x1B400] =	vst v63  }
0x13a: {  	s18 =	sadd.s32 @!p0 $0xFFFB1D38, s16  }
0x13b: {  	s18 =	sshrl.u32 @!p0 s18, $0x3  }
0x13c: {  	s20 =	simm.s32 @!p0 $0x1AE00;
	s18 =	sadd.s32 @!p0 s2, s18  }
0x13d: {  	[tilespmem:s20], [sflag:$0x6] =	stream.linear.gather @!p0 [hbm4b:s18+s19], $0x28, $0x38;
	[tilespmem:$0x1B400] =	vst v63  }
0x13e: {  	s18 =	sadd.s32 @!p0 $0xFFFFFF38, s16  }
0x13f: {  	s18 =	sshrl.u32 @!p0 s18, $0x3  }
0x140: {  	s20 =	simm.s32 @!p0 $0x14200;
	s18 =	sadd.s32 @!p0 s2, s18  }
0x141: {  	[tilespmem:s20], [sflag:$0x6] =	stream.linear.gather @!p0 [hbm4b:s18+s19], $0x28, $0x38;
	[tilespmem:$0x1B400] =	vst v63  }
0x142: {  	_ =	swait.ge [sflag:s11], $0x1400  }
0x143: {  	[sflag:s11] =	ssyncset.done $0x0  }
0x144: {  	s7 =	simm.s32 $0x14800;
	[sflag:s11] =	ssyncadd.s32 $0xFFFFEC00  }
0x145: {  	[spmem:s3] =	stream.indirect.scatter.add.f32 [tilespmem:s7], [sflag:$0x8], $0x80, s22, s28, $0xb8;
	[tilespmem:$0x1B400] =	vst v63  }
0x146: {  	_ =	swait.ge [sflag:s13], $0x1400  }
0x147: {  	[sflag:s13] =	ssyncset.done $0x0  }
0x148: {  	s1 =	simm.s32 $0x15C00;
	[sflag:s13] =	ssyncadd.s32 $0xFFFFEC00  }
0x149: {  	[spmem:s3] =	stream.indirect.scatter.add.f32 [tilespmem:s1], [sflag:$0x9], $0x80, s24, s28, $0xb8;
	[tilespmem:$0x1B400] =	vst v63  }
0x14a: {  	_ =	swait.ge [sflag:s8], $0x1400  }
0x14b: {  	[sflag:s8] =	ssyncset.done $0x0  }
0x14c: {  	s0 =	simm.s32 $0x17000;
	[sflag:s8] =	ssyncadd.s32 $0xFFFFEC00  }
0x14d: {  	[spmem:s3] =	stream.indirect.scatter.add.f32 [tilespmem:s0], [sflag:$0xA], $0x80, s21, s28, $0xb8;
	[tilespmem:$0x1B400] =	vst v63  }
0x14e: {  	_ =	swait.ge [sflag:s10], $0x1400  }
0x14f: {  	p1 =	sgt.u32 s17, $0x17;
	[sflag:s10] =	ssyncset.done $0x0  }
0x150: {  	s6 =	simm.s32 $0x18400;
	s24 =	simm.s32 $0x14580;
	[sflag:s10] =	ssyncadd.s32 $0xFFFFEC00  }
0x151: {  	[spmem:s3] =	stream.indirect.scatter.add.f32 [tilespmem:s6], [sflag:$0xB], $0x80, s24, s28, $0xb8;
	[tilespmem:$0x1B400] =	vst v63  }
.Ltmp1:
0x152: {  	s9 =	simm.s32 $0x19800;
	(pc) =	sbr.rel @!p1 .LBB2_3-.Ltmp1, $4  }
0x153: {  	s25 =	simm.s32 $0x14600;
	s20 =	simm.s32 $0x14400;
	_ =	swait.ge [sflag:s12], $0x1400  }
0x154: {  	s22 =	simm.s32 $0x14500;
	s8 =	simm.s32 $0x14600;
	[sflag:s12] =	ssyncset.done $0x0  }
0x155: {  	s21 =	simm.s32 $0x14480;
	s24 =	simm.s32 $0x14580;
	[sflag:s12] =	ssyncadd.s32 $0xFFFFEC00  }
0x156: {  	[spmem:s3] =	stream.indirect.scatter.add.f32 [tilespmem:s9], [sflag:$0xC], $0x80, s25, s28, $0xb8;
	[tilespmem:$0x1B400] =	vst v63  }
0x157: {  	_ =	swait.ge [sflag:s14], $0x1400  }
0x158: {  	[sflag:s14] =	ssyncset.done $0x0  }
0x159: {  	[sflag:s14] =	ssyncadd.s32 $0xFFFFEC00  }
0x15a: {  	_ =	swait.ge [sflag:s15], $0x1400  }
0x15b: {  	[sflag:s15] =	ssyncset.done $0x0  }
0x15c: {  	[sflag:s15] =	ssyncadd.s32 $0xFFFFEC00  }
0x15d: {  	_ =	swait.ge [sflag:s31], $0x1400  }
0x15e: {  	[sflag:s31] =	ssyncset.done $0x0  }
0x15f: {  	[sflag:s31] =	ssyncadd.s32 $0xFFFFEC00  }
0x160: {  	_ =	swait.ge [sflag:s30], $0x1400  }
.Ltmp2:
0x161: {  	[sflag:s30] =	ssyncset.done $0x0;
	(pc) =	sbr.rel @!p0 .LBB2_5-.Ltmp2, $4  }
0x162: {  	[sflag:s30] =	ssyncadd.s32 $0xFFFFEC00  }
0x163: {  	s9 =	simm.s32 $0x19800;
	_ =	swait.ge [sflag:s29], $0x1400  }
0x164: {  	s6 =	simm.s32 $0x18400;
	s0 =	simm.s32 $0x17000;
	[sflag:s29] =	ssyncset.done $0x0  }
0x165: {  	s1 =	simm.s32 $0x15C00;
	s7 =	simm.s32 $0x14800;
	[sflag:s29] =	ssyncadd.s32 $0xFFFFEC00  }
0x166: {  	[bflag:$0x0] =	sbarrier.arrive $0xFFFF  }
0x167: {  	s10 =	sld [smem:$0x7FD]  }
0x168: {  	s16 =	rddreg [dreg:$0x12]  }
0x169: {  	s17 =	simm.s32 $0xD;
	s8 =	rddreg [dreg:$0x1f]  }
0x16a: {  	[hbm:s16], [sflag:s8] =	dma.local [spmem:s10], $0x2800  }
0x16b: {  	_ =	swait.ge [sflag:s17], $0x2800  }
0x16c: {  	s29 =	rddreg [dreg:$0x1e]  }
0x16d: {  	s30 =	rddreg [dreg:$0x17];
	s8 =	sadd.s32 $0x1, s29  }
0x16e: {  	p0 =	sne.s32 s8, s30  }
.Ltmp3:
0x16f: {  	_ = 	snop;
	(pc) =	sbr.rel @p0 .LBB2_1-.Ltmp3, $3  }
0x170: {  	_ =	sdelay $0x1  }
0x171: {  	[sflag:s17] =	ssyncset.done $0x0  }
0x172: {  	[sflag:s17] =	ssyncadd.s32 $0xFFFFD800  }
0x173: {  	_ =	sfence.sel $0x180000  }
0x174: {  	[bflag:$0x0] =	sbarrier.arrive $0xFFFF  }
0x175: {  	_ =	strace $0x90000047  }
0x176: {  	s0 =	stileid.u32;
	[bflag:$0x2] =	sbarrier.arrive $0xFFFF  }
0x177: {  	p0 =	sne.s32 s0, $0x0;
	s0 =	rddreg [dreg:$0x4]  }
0x178: {  	s0 =	sadd.s32 @!p0 $0x100000, s0  }
0x179: {  	[sflag:s0] =	ssyncadd.tile.s32 @!p0 $0x1;
	_ =	shalt  }
.Lfunc_end2:
_tile_overlayer_lowered:
.L_overlay_start_2:
0x17a: {  	(tag) =	ssettag $0x2  }
0x17b: {  	s0 =	rddreg [dreg:$0x0];
	s2 =	stileid.u32  }
0x17c: {  	s1 =	rddreg [dreg:$0x1];
	p0 =	sne.s32 s2, $0x0  }
0x17d: {  	s3 =	rddreg [dreg:$0x2];
	[bflag:$0x3] =	sbarrier.arrive $0xFFFF;
	s2 =	simm.s32 @!p0 $0x1C0D  }
0x17e: {  	[timem:s3], [sflag:s2] =	dma.local @!p0 [hbm:s0], s1  }
0x17f: {  	s0 =	simm.s32 @!p0 $0xD  }
0x180: {  	_ =	swait.ge @!p0 [sflag:s0], s1  }
0x181: {  	s1 =	ssub.s32 @!p0 $0x0, s1;
	[sflag:s0] =	ssyncset.done @!p0 $0x0  }
0x182: {  	[sflag:s0] =	ssyncadd.s32 @!p0 s1  }
0x183: {  	[bflag:$0x3] =	sbarrier.arrive $0xFFFF  }
0x184: {  	_ =	shalt  }

</sc_bundles>
